<compile_context>
chip_gen: v7x
topology: tpu7x:2x2x1
jax: 0.10.2.dev20260603
libtpu: 0.0.44.dev20260713+nightly
codegen_flags: <defaults>
</compile_context>

<pallas_src>
import jax
import jax.numpy as jnp
from jax import lax
from jax.experimental import pallas as pl
from jax.experimental.pallas import tpu as pltpu
from jax.experimental.pallas import tpu_sc as plsc

N = 10000
E = 320000
D = 128

NPAD = 10240
COL = NPAD // 16
ROWS = 2560
EPAD = ROWS * 128
RD = ROWS // 16
RM = ROWS // 32


def _matvec_body(x_ref, w_ref, h_ref):
    h_ref[...] = jnp.sum(x_ref[...] * w_ref[...], axis=1, keepdims=True)


def _final_body(acc_ref, deg_ref, h_ref, b_ref, o_ref):
    acc = acc_ref[0] + acc_ref[1]
    dis = lax.rsqrt(deg_ref[...])
    g = h_ref[...] * dis
    z = dis * (acc + g) + b_ref[0:1, 0:1]
    o_ref[...] = jnp.maximum(z, 0.0) + jnp.log1p(jnp.exp(-jnp.abs(z)))


def _rsqrt16(d):
    i = plsc.bitcast(d, jnp.int32)
    i = jnp.full((16,), 0x5F3759DF, jnp.int32) - (i >> 1)
    y = plsc.bitcast(i, jnp.float32)
    for _ in range(3):
        y = y * (1.5 - 0.5 * d * y * y)
    return y


def _sc_body(h_hbm, src_hbm, dst_hbm, acc_hbm, deg_hbm,
             dstd_v, srcm_v, dstm_v, g_v, msg_v, col_v, hcol_v, ones_v,
             deg_sh, acc_sh, g_sh):
    cid = lax.axis_index("c")
    sid = lax.axis_index("s")
    base = sid * COL

    for i in range(COL // 16):
        col_v[pl.ds(i * 16, 16)] = jnp.zeros((16,), jnp.float32)
    pltpu.sync_copy(col_v, acc_sh.at[pl.ds(base, COL)])
    for i in range(COL // 16):
        col_v[pl.ds(i * 16, 16)] = jnp.ones((16,), jnp.float32)
    pltpu.sync_copy(col_v, deg_sh.at[pl.ds(base, COL)])
    for i in range(8):
        ones_v[pl.ds(i * 16, 16)] = jnp.ones((16,), jnp.float32)

    pltpu.sync_copy(dst_hbm.at[pl.ds(sid * RD, RD)], dstd_v)
    wid = cid * 16 + sid
    pltpu.sync_copy(src_hbm.at[pl.ds(wid * RM * 128, RM * 128)], srcm_v)
    pltpu.sync_copy(dst_hbm.at[pl.ds(wid * RM, RM)], dstm_v)
    plsc.subcore_barrier()

    @pl.loop(0, RD)
    def _deg(r):
        pltpu.sync_copy(ones_v, deg_sh.at[dstd_v.at[r]], add=True)

    plsc.subcore_barrier()

    pltpu.sync_copy(deg_sh.at[pl.ds(base, COL)], col_v)
    pltpu.sync_copy(h_hbm.at[pl.ds(base, COL)], hcol_v)
    for i in range(COL // 16):
        sl = pl.ds(i * 16, 16)
        hcol_v[sl] = hcol_v[sl] * _rsqrt16(col_v[sl])
    pltpu.sync_copy(hcol_v, g_sh.at[pl.ds(base, COL)])
    plsc.subcore_barrier()
    pltpu.sync_copy(g_sh, g_v)

    @pl.loop(0, RM)
    def _msg(r):
        for j in range(8):
            idx = srcm_v[pl.ds(r * 128 + j * 16, 16)]
            msg_v[r, pl.ds(j * 16, 16)] = plsc.load_gather(g_v, [idx])
        pltpu.sync_copy(msg_v.at[r], acc_sh.at[dstm_v.at[r]], add=True)

    plsc.subcore_barrier()

    @pl.when(sid == 0)
    def _():
        pltpu.sync_copy(acc_sh, acc_hbm.at[cid])

    @pl.when(jnp.logical_and(sid == 0, cid == 0))
    def _():
        pltpu.sync_copy(deg_sh, deg_hbm)


_sc_call = pl.kernel(
    _sc_body,
    out_type=(
        jax.ShapeDtypeStruct((2, NPAD), jnp.float32),
        jax.ShapeDtypeStruct((NPAD,), jnp.float32),
    ),
    mesh=plsc.VectorSubcoreMesh(core_axis_name="c", subcore_axis_name="s"),
    compiler_params=pltpu.CompilerParams(needs_layout_passes=False),
    scratch_types=[
        pltpu.VMEM((RD, 128), jnp.int32),
        pltpu.VMEM((RM * 128,), jnp.int32),
        pltpu.VMEM((RM, 128), jnp.int32),
        pltpu.VMEM((NPAD,), jnp.float32),
        pltpu.VMEM((RM, 128), jnp.float32),
        pltpu.VMEM((COL,), jnp.float32),
        pltpu.VMEM((COL,), jnp.float32),
        pltpu.VMEM((128,), jnp.float32),
        pltpu.VMEM_SHARED((NPAD,), jnp.float32),
        pltpu.VMEM_SHARED((NPAD,), jnp.float32),
        pltpu.VMEM_SHARED((NPAD,), jnp.float32),
    ],
)


@jax.jit
def kernel(x, edge_index, W, b):
    h = pl.pallas_call(
        _matvec_body,
        out_shape=jax.ShapeDtypeStruct((N, 1), jnp.float32),
    )(x, W.reshape(1, D))

    h_pad = jnp.pad(h[:, 0], (0, NPAD - N))
    pad = jnp.full((EPAD - E,), N, jnp.int32)
    src_pad = jnp.concatenate([edge_index[0], pad])
    dst_pad = jnp.concatenate([edge_index[1], pad]).reshape(ROWS, 128)

    acc, deg = _sc_call(h_pad, src_pad, dst_pad)

    out2d = pl.pallas_call(
        _final_body,
        out_shape=jax.ShapeDtypeStruct((NPAD // 128, 128), jnp.float32),
    )(
        acc.reshape(2, NPAD // 128, 128),
        deg.reshape(NPAD // 128, 128),
        h_pad.reshape(NPAD // 128, 128),
        jnp.broadcast_to(b.reshape(1, 1), (8, 128)),
    )
    return out2d.reshape(NPAD)[:N].reshape(N, 1)

# --- scband reference (transcript-rebuilt; emitter-appended) ---
"""Pipeline reference for scband-mu-16630113370940 (READ-ONLY COPY).

The authoritative reference and input builder live on the scoring server;
editing this copy changes nothing except your own understanding.
"""

import jax, jax.numpy as jnp
import numpy as np

N_NODES = 10000
N_EDGES = 320000
D_FEAT = 128

def setup_inputs(seed: int = 0) -> dict:
    key = jax.random.key(seed)
    k1, k2, k3, k4 = jax.random.split(key, 4)
    x = jax.random.normal(k1, (N_NODES, D_FEAT), dtype=jnp.float32)
    edge_index = jax.random.randint(k2, (2, N_EDGES), 0, N_NODES, dtype=jnp.int32)
    # GCNConv learned params: weight (in_channels -> 1), bias (1,)
    limit = float(np.sqrt(6.0 / (D_FEAT + 1)))  # glorot init as in PyG
    W = jax.random.uniform(k3, (D_FEAT, 1), minval=-limit, maxval=limit, dtype=jnp.float32)
    b = jnp.zeros((1,), dtype=jnp.float32)
    return {"x": x, "edge_index": edge_index, "W": W, "b": b}

def reference(x, edge_index, W, b):
    # Faithful GCNConv (add_self_loops=True, symmetric normalization) + Softplus
    n = x.shape[0]
    loop = jnp.arange(n, dtype=edge_index.dtype)
    src = jnp.concatenate([edge_index[0], loop])
    dst = jnp.concatenate([edge_index[1], loop])
    # degree on destination nodes (edge_weight = 1)
    deg = jnp.zeros((n,), dtype=x.dtype).at[dst].add(1.0)
    deg_inv_sqrt = jnp.where(deg > 0, 1.0 / jnp.sqrt(deg), 0.0)
    norm = deg_inv_sqrt[src] * deg_inv_sqrt[dst]
    # linear transform first (out_channels=1), then propagate
    h = x @ W  # [N, 1]
    msg = h[src] * norm[:, None]  # gather
    out = jnp.zeros((n, h.shape[1]), dtype=x.dtype).at[dst].add(msg)  # scatter-add
    out = out + b
    return jax.nn.softplus(out)

if __name__ == "__main__":
    import jax
    _d = setup_inputs()
    print(jax.jit(kernel)(*tuple(_d.values())))

</pallas_src>

<mosaic_0001>
#map = affine_map<(d0, d1) -> (0)>
#map1 = affine_map<(d0, d1) -> (0, 0)>
module attributes {stable_mosaic.version = 14 : i64} {
  func.func @_sc_body(%arg0: i32, %arg1: i32, %arg2: memref<10240xf32, #tpu.memory_space<hbm>>, %arg3: memref<327680xi32, #tpu.memory_space<hbm>>, %arg4: memref<2560x128xi32, #tpu.memory_space<hbm>>, %arg5: memref<2x10240xf32, #tpu.memory_space<hbm>>, %arg6: memref<10240xf32, #tpu.memory_space<hbm>>, %arg7: memref<160x128xi32, #tpu.memory_space<vmem>>, %arg8: memref<10240xi32, #tpu.memory_space<vmem>>, %arg9: memref<80x128xi32, #tpu.memory_space<vmem>>, %arg10: memref<10240xf32, #tpu.memory_space<vmem>>, %arg11: memref<80x128xf32, #tpu.memory_space<vmem>>, %arg12: memref<640xf32, #tpu.memory_space<vmem>>, %arg13: memref<640xf32, #tpu.memory_space<vmem>>, %arg14: memref<128xf32, #tpu.memory_space<vmem>>, %arg15: memref<10240xf32, #tpu.memory_space<vmem_shared>>, %arg16: memref<10240xf32, #tpu.memory_space<vmem_shared>>, %arg17: memref<10240xf32, #tpu.memory_space<vmem_shared>>) attributes {dimension_semantics = [#tpu.dimension_semantics<core_parallel>, #tpu.dimension_semantics<subcore_parallel>], iteration_bounds = array<i64: 2, 16>, scalar_prefetch = 0 : i64, scratch_operands = 11 : i64, tpu.core_type = #tpu.core_type<sc_vector_subcore>, window_params = [{transform_indices = #map}, {transform_indices = #map}, {transform_indices = #map1}, {transform_indices = #map1}, {transform_indices = #map}]} {
    %mul3A = arith.constant 640 : i32
    %mul3A_0 = arith.muli %arg1, %mul3A : i32
    %broadcast_in_dim3A = arith.constant 0.000000e+00 : f32
    %broadcast_in_dim3A_1 = vector.broadcast %broadcast_in_dim3A : f32 to vector<16xf32>
    %swap3A = arith.constant 0 : index
    %swap3A_2 = tpu.vector_load %arg12[%swap3A] {strides = array<i32>} : memref<640xf32, #tpu.memory_space<vmem>>, vector<16xf32>,
    tpu.vector_store %arg12[%swap3A], %broadcast_in_dim3A_1 {strides = array<i32>} : memref<640xf32, #tpu.memory_space<vmem>>, vector<16xf32>,
    %broadcast_in_dim3A_3 = arith.constant 0.000000e+00 : f32
    %broadcast_in_dim3A_4 = vector.broadcast %broadcast_in_dim3A_3 : f32 to vector<16xf32>
    %swap3A_5 = arith.constant 16 : index
    %swap3A_6 = tpu.vector_load %arg12[%swap3A_5] {strides = array<i32>} : memref<640xf32, #tpu.memory_space<vmem>>, vector<16xf32>,
    tpu.vector_store %arg12[%swap3A_5], %broadcast_in_dim3A_4 {strides = array<i32>} : memref<640xf32, #tpu.memory_space<vmem>>, vector<16xf32>,
    %broadcast_in_dim3A_7 = arith.constant 0.000000e+00 : f32
    %broadcast_in_dim3A_8 = vector.broadcast %broadcast_in_dim3A_7 : f32 to vector<16xf32>
    %swap3A_9 = arith.constant 32 : index
    %swap3A_10 = tpu.vector_load %arg12[%swap3A_9] {strides = array<i32>} : memref<640xf32, #tpu.memory_space<vmem>>, vector<16xf32>,
    tpu.vector_store %arg12[%swap3A_9], %broadcast_in_dim3A_8 {strides = array<i32>} : memref<640xf32, #tpu.memory_space<vmem>>, vector<16xf32>,
    %broadcast_in_dim3A_11 = arith.constant 0.000000e+00 : f32
    %broadcast_in_dim3A_12 = vector.broadcast %broadcast_in_dim3A_11 : f32 to vector<16xf32>
    %swap3A_13 = arith.constant 48 : index
    %swap3A_14 = tpu.vector_load %arg12[%swap3A_13] {strides = array<i32>} : memref<640xf32, #tpu.memory_space<vmem>>, vector<16xf32>,
    tpu.vector_store %arg12[%swap3A_13], %broadcast_in_dim3A_12 {strides = array<i32>} : memref<640xf32, #tpu.memory_space<vmem>>, vector<16xf32>,
    %broadcast_in_dim3A_15 = arith.constant 0.000000e+00 : f32
    %broadcast_in_dim3A_16 = vector.broadcast %broadcast_in_dim3A_15 : f32 to vector<16xf32>
    %swap3A_17 = arith.constant 64 : index
    %swap3A_18 = tpu.vector_load %arg12[%swap3A_17] {strides = array<i32>} : memref<640xf32, #tpu.memory_space<vmem>>, vector<16xf32>,
    tpu.vector_store %arg12[%swap3A_17], %broadcast_in_dim3A_16 {strides = array<i32>} : memref<640xf32, #tpu.memory_space<vmem>>, vector<16xf32>,
    %broadcast_in_dim3A_19 = arith.constant 0.000000e+00 : f32
    %broadcast_in_dim3A_20 = vector.broadcast %broadcast_in_dim3A_19 : f32 to vector<16xf32>
    %swap3A_21 = arith.constant 80 : index
    %swap3A_22 = tpu.vector_load %arg12[%swap3A_21] {strides = array<i32>} : memref<640xf32, #tpu.memory_space<vmem>>, vector<16xf32>,
    tpu.vector_store %arg12[%swap3A_21], %broadcast_in_dim3A_20 {strides = array<i32>} : memref<640xf32, #tpu.memory_space<vmem>>, vector<16xf32>,
    %broadcast_in_dim3A_23 = arith.constant 0.000000e+00 : f32
    %broadcast_in_dim3A_24 = vector.broadcast %broadcast_in_dim3A_23 : f32 to vector<16xf32>
    %swap3A_25 = arith.constant 96 : index
    %swap3A_26 = tpu.vector_load %arg12[%swap3A_25] {strides = array<i32>} : memref<640xf32, #tpu.memory_space<vmem>>, vector<16xf32>,
    tpu.vector_store %arg12[%swap3A_25], %broadcast_in_dim3A_24 {strides = array<i32>} : memref<640xf32, #tpu.memory_space<vmem>>, vector<16xf32>,
    %broadcast_in_dim3A_27 = arith.constant 0.000000e+00 : f32
    %broadcast_in_dim3A_28 = vector.broadcast %broadcast_in_dim3A_27 : f32 to vector<16xf32>
    %swap3A_29 = arith.constant 112 : index
    %swap3A_30 = tpu.vector_load %arg12[%swap3A_29] {strides = array<i32>} : memref<640xf32, #tpu.memory_space<vmem>>, vector<16xf32>,
    tpu.vector_store %arg12[%swap3A_29], %broadcast_in_dim3A_28 {strides = array<i32>} : memref<640xf32, #tpu.memory_space<vmem>>, vector<16xf32>,
    %broadcast_in_dim3A_31 = arith.constant 0.000000e+00 : f32
    %broadcast_in_dim3A_32 = vector.broadcast %broadcast_in_dim3A_31 : f32 to vector<16xf32>
    %swap3A_33 = arith.constant 128 : index
    %swap3A_34 = tpu.vector_load %arg12[%swap3A_33] {strides = array<i32>} : memref<640xf32, #tpu.memory_space<vmem>>, vector<16xf32>,
    tpu.vector_store %arg12[%swap3A_33], %broadcast_in_dim3A_32 {strides = array<i32>} : memref<640xf32, #tpu.memory_space<vmem>>, vector<16xf32>,
    %broadcast_in_dim3A_35 = arith.constant 0.000000e+00 : f32
    %broadcast_in_dim3A_36 = vector.broadcast %broadcast_in_dim3A_35 : f32 to vector<16xf32>
    %swap3A_37 = arith.constant 144 : index
    %swap3A_38 = tpu.vector_load %arg12[%swap3A_37] {strides = array<i32>} : memref<640xf32, #tpu.memory_space<vmem>>, vector<16xf32>,
    tpu.vector_store %arg12[%swap3A_37], %broadcast_in_dim3A_36 {strides = array<i32>} : memref<640xf32, #tpu.memory_space<vmem>>, vector<16xf32>,
    %broadcast_in_dim3A_39 = arith.constant 0.000000e+00 : f32
    %broadcast_in_dim3A_40 = vector.broadcast %broadcast_in_dim3A_39 : f32 to vector<16xf32>
    %swap3A_41 = arith.constant 160 : index
    %swap3A_42 = tpu.vector_load %arg12[%swap3A_41] {strides = array<i32>} : memref<640xf32, #tpu.memory_space<vmem>>, vector<16xf32>,
    tpu.vector_store %arg12[%swap3A_41], %broadcast_in_dim3A_40 {strides = array<i32>} : memref<640xf32, #tpu.memory_space<vmem>>, vector<16xf32>,
    %broadcast_in_dim3A_43 = arith.constant 0.000000e+00 : f32
    %broadcast_in_dim3A_44 = vector.broadcast %broadcast_in_dim3A_43 : f32 to vector<16xf32>
    %swap3A_45 = arith.constant 176 : index
    %swap3A_46 = tpu.vector_load %arg12[%swap3A_45] {strides = array<i32>} : memref<640xf32, #tpu.memory_space<vmem>>, vector<16xf32>,
    tpu.vector_store %arg12[%swap3A_45], %broadcast_in_dim3A_44 {strides = array<i32>} : memref<640xf32, #tpu.memory_space<vmem>>, vector<16xf32>,
    %broadcast_in_dim3A_47 = arith.constant 0.000000e+00 : f32
    %broadcast_in_dim3A_48 = vector.broadcast %broadcast_in_dim3A_47 : f32 to vector<16xf32>
    %swap3A_49 = arith.constant 192 : index
    %swap3A_50 = tpu.vector_load %arg12[%swap3A_49] {strides = array<i32>} : memref<640xf32, #tpu.memory_space<vmem>>, vector<16xf32>,
    tpu.vector_store %arg12[%swap3A_49], %broadcast_in_dim3A_48 {strides = array<i32>} : memref<640xf32, #tpu.memory_space<vmem>>, vector<16xf32>,
    %broadcast_in_dim3A_51 = arith.constant 0.000000e+00 : f32
    %broadcast_in_dim3A_52 = vector.broadcast %broadcast_in_dim3A_51 : f32 to vector<16xf32>
    %swap3A_53 = arith.constant 208 : index
    %swap3A_54 = tpu.vector_load %arg12[%swap3A_53] {strides = array<i32>} : memref<640xf32, #tpu.memory_space<vmem>>, vector<16xf32>,
    tpu.vector_store %arg12[%swap3A_53], %broadcast_in_dim3A_52 {strides = array<i32>} : memref<640xf32, #tpu.memory_space<vmem>>, vector<16xf32>,
    %broadcast_in_dim3A_55 = arith.constant 0.000000e+00 : f32
    %broadcast_in_dim3A_56 = vector.broadcast %broadcast_in_dim3A_55 : f32 to vector<16xf32>
    %swap3A_57 = arith.constant 224 : index
    %swap3A_58 = tpu.vector_load %arg12[%swap3A_57] {strides = array<i32>} : memref<640xf32, #tpu.memory_space<vmem>>, vector<16xf32>,
    tpu.vector_store %arg12[%swap3A_57], %broadcast_in_dim3A_56 {strides = array<i32>} : memref<640xf32, #tpu.memory_space<vmem>>, vector<16xf32>,
    %broadcast_in_dim3A_59 = arith.constant 0.000000e+00 : f32
    %broadcast_in_dim3A_60 = vector.broadcast %broadcast_in_dim3A_59 : f32 to vector<16xf32>
    %swap3A_61 = arith.constant 240 : index
    %swap3A_62 = tpu.vector_load %arg12[%swap3A_61] {strides = array<i32>} : memref<640xf32, #tpu.memory_space<vmem>>, vector<16xf32>,
    tpu.vector_store %arg12[%swap3A_61], %broadcast_in_dim3A_60 {strides = array<i32>} : memref<640xf32, #tpu.memory_space<vmem>>, vector<16xf32>,
    %broadcast_in_dim3A_63 = arith.constant 0.000000e+00 : f32
    %broadcast_in_dim3A_64 = vector.broadcast %broadcast_in_dim3A_63 : f32 to vector<16xf32>
    %swap3A_65 = arith.constant 256 : index
    %swap3A_66 = tpu.vector_load %arg12[%swap3A_65] {strides = array<i32>} : memref<640xf32, #tpu.memory_space<vmem>>, vector<16xf32>,
    tpu.vector_store %arg12[%swap3A_65], %broadcast_in_dim3A_64 {strides = array<i32>} : memref<640xf32, #tpu.memory_space<vmem>>, vector<16xf32>,
    %broadcast_in_dim3A_67 = arith.constant 0.000000e+00 : f32
    %broadcast_in_dim3A_68 = vector.broadcast %broadcast_in_dim3A_67 : f32 to vector<16xf32>
    %swap3A_69 = arith.constant 272 : index
    %swap3A_70 = tpu.vector_load %arg12[%swap3A_69] {strides = array<i32>} : memref<640xf32, #tpu.memory_space<vmem>>, vector<16xf32>,
    tpu.vector_store %arg12[%swap3A_69], %broadcast_in_dim3A_68 {strides = array<i32>} : memref<640xf32, #tpu.memory_space<vmem>>, vector<16xf32>,
    %broadcast_in_dim3A_71 = arith.constant 0.000000e+00 : f32
    %broadcast_in_dim3A_72 = vector.broadcast %broadcast_in_dim3A_71 : f32 to vector<16xf32>
    %swap3A_73 = arith.constant 288 : index
    %swap3A_74 = tpu.vector_load %arg12[%swap3A_73] {strides = array<i32>} : memref<640xf32, #tpu.memory_space<vmem>>, vector<16xf32>,
    tpu.vector_store %arg12[%swap3A_73], %broadcast_in_dim3A_72 {strides = array<i32>} : memref<640xf32, #tpu.memory_space<vmem>>, vector<16xf32>,
    %broadcast_in_dim3A_75 = arith.constant 0.000000e+00 : f32
    %broadcast_in_dim3A_76 = vector.broadcast %broadcast_in_dim3A_75 : f32 to vector<16xf32>
    %swap3A_77 = arith.constant 304 : index
    %swap3A_78 = tpu.vector_load %arg12[%swap3A_77] {strides = array<i32>} : memref<640xf32, #tpu.memory_space<vmem>>, vector<16xf32>,
    tpu.vector_store %arg12[%swap3A_77], %broadcast_in_dim3A_76 {strides = array<i32>} : memref<640xf32, #tpu.memory_space<vmem>>, vector<16xf32>,
    %broadcast_in_dim3A_79 = arith.constant 0.000000e+00 : f32
    %broadcast_in_dim3A_80 = vector.broadcast %broadcast_in_dim3A_79 : f32 to vector<16xf32>
    %swap3A_81 = arith.constant 320 : index
    %swap3A_82 = tpu.vector_load %arg12[%swap3A_81] {strides = array<i32>} : memref<640xf32, #tpu.memory_space<vmem>>, vector<16xf32>,
    tpu.vector_store %arg12[%swap3A_81], %broadcast_in_dim3A_80 {strides = array<i32>} : memref<640xf32, #tpu.memory_space<vmem>>, vector<16xf32>,
    %broadcast_in_dim3A_83 = arith.constant 0.000000e+00 : f32
    %broadcast_in_dim3A_84 = vector.broadcast %broadcast_in_dim3A_83 : f32 to vector<16xf32>
    %swap3A_85 = arith.constant 336 : index
    %swap3A_86 = tpu.vector_load %arg12[%swap3A_85] {strides = array<i32>} : memref<640xf32, #tpu.memory_space<vmem>>, vector<16xf32>,
    tpu.vector_store %arg12[%swap3A_85], %broadcast_in_dim3A_84 {strides = array<i32>} : memref<640xf32, #tpu.memory_space<vmem>>, vector<16xf32>,
    %broadcast_in_dim3A_87 = arith.constant 0.000000e+00 : f32
    %broadcast_in_dim3A_88 = vector.broadcast %broadcast_in_dim3A_87 : f32 to vector<16xf32>
    %swap3A_89 = arith.constant 352 : index
    %swap3A_90 = tpu.vector_load %arg12[%swap3A_89] {strides = array<i32>} : memref<640xf32, #tpu.memory_space<vmem>>, vector<16xf32>,
    tpu.vector_store %arg12[%swap3A_89], %broadcast_in_dim3A_88 {strides = array<i32>} : memref<640xf32, #tpu.memory_space<vmem>>, vector<16xf32>,
    %broadcast_in_dim3A_91 = arith.constant 0.000000e+00 : f32
    %broadcast_in_dim3A_92 = vector.broadcast %broadcast_in_dim3A_91 : f32 to vector<16xf32>
    %swap3A_93 = arith.constant 368 : index
    %swap3A_94 = tpu.vector_load %arg12[%swap3A_93] {strides = array<i32>} : memref<640xf32, #tpu.memory_space<vmem>>, vector<16xf32>,
    tpu.vector_store %arg12[%swap3A_93], %broadcast_in_dim3A_92 {strides = array<i32>} : memref<640xf32, #tpu.memory_space<vmem>>, vector<16xf32>,
    %broadcast_in_dim3A_95 = arith.constant 0.000000e+00 : f32
    %broadcast_in_dim3A_96 = vector.broadcast %broadcast_in_dim3A_95 : f32 to vector<16xf32>
    %swap3A_97 = arith.constant 384 : index
    %swap3A_98 = tpu.vector_load %arg12[%swap3A_97] {strides = array<i32>} : memref<640xf32, #tpu.memory_space<vmem>>, vector<16xf32>,
    tpu.vector_store %arg12[%swap3A_97], %broadcast_in_dim3A_96 {strides = array<i32>} : memref<640xf32, #tpu.memory_space<vmem>>, vector<16xf32>,
    %broadcast_in_dim3A_99 = arith.constant 0.000000e+00 : f32
    %broadcast_in_dim3A_100 = vector.broadcast %broadcast_in_dim3A_99 : f32 to vector<16xf32>
    %swap3A_101 = arith.constant 400 : index
    %swap3A_102 = tpu.vector_load %arg12[%swap3A_101] {strides = array<i32>} : memref<640xf32, #tpu.memory_space<vmem>>, vector<16xf32>,
    tpu.vector_store %arg12[%swap3A_101], %broadcast_in_dim3A_100 {strides = array<i32>} : memref<640xf32, #tpu.memory_space<vmem>>, vector<16xf32>,
    %broadcast_in_dim3A_103 = arith.constant 0.000000e+00 : f32
    %broadcast_in_dim3A_104 = vector.broadcast %broadcast_in_dim3A_103 : f32 to vector<16xf32>
    %swap3A_105 = arith.constant 416 : index
    %swap3A_106 = tpu.vector_load %arg12[%swap3A_105] {strides = array<i32>} : memref<640xf32, #tpu.memory_space<vmem>>, vector<16xf32>,
    tpu.vector_store %arg12[%swap3A_105], %broadcast_in_dim3A_104 {strides = array<i32>} : memref<640xf32, #tpu.memory_space<vmem>>, vector<16xf32>,
    %broadcast_in_dim3A_107 = arith.constant 0.000000e+00 : f32
    %broadcast_in_dim3A_108 = vector.broadcast %broadcast_in_dim3A_107 : f32 to vector<16xf32>
    %swap3A_109 = arith.constant 432 : index
    %swap3A_110 = tpu.vector_load %arg12[%swap3A_109] {strides = array<i32>} : memref<640xf32, #tpu.memory_space<vmem>>, vector<16xf32>,
    tpu.vector_store %arg12[%swap3A_109], %broadcast_in_dim3A_108 {strides = array<i32>} : memref<640xf32, #tpu.memory_space<vmem>>, vector<16xf32>,
    %broadcast_in_dim3A_111 = arith.constant 0.000000e+00 : f32
    %broadcast_in_dim3A_112 = vector.broadcast %broadcast_in_dim3A_111 : f32 to vector<16xf32>
    %swap3A_113 = arith.constant 448 : index
    %swap3A_114 = tpu.vector_load %arg12[%swap3A_113] {strides = array<i32>} : memref<640xf32, #tpu.memory_space<vmem>>, vector<16xf32>,
    tpu.vector_store %arg12[%swap3A_113], %broadcast_in_dim3A_112 {strides = array<i32>} : memref<640xf32, #tpu.memory_space<vmem>>, vector<16xf32>,
    %broadcast_in_dim3A_115 = arith.constant 0.000000e+00 : f32
    %broadcast_in_dim3A_116 = vector.broadcast %broadcast_in_dim3A_115 : f32 to vector<16xf32>
    %swap3A_117 = arith.constant 464 : index
    %swap3A_118 = tpu.vector_load %arg12[%swap3A_117] {strides = array<i32>} : memref<640xf32, #tpu.memory_space<vmem>>, vector<16xf32>,
    tpu.vector_store %arg12[%swap3A_117], %broadcast_in_dim3A_116 {strides = array<i32>} : memref<640xf32, #tpu.memory_space<vmem>>, vector<16xf32>,
    %broadcast_in_dim3A_119 = arith.constant 0.000000e+00 : f32
    %broadcast_in_dim3A_120 = vector.broadcast %broadcast_in_dim3A_119 : f32 to vector<16xf32>
    %swap3A_121 = arith.constant 480 : index
    %swap3A_122 = tpu.vector_load %arg12[%swap3A_121] {strides = array<i32>} : memref<640xf32, #tpu.memory_space<vmem>>, vector<16xf32>,
    tpu.vector_store %arg12[%swap3A_121], %broadcast_in_dim3A_120 {strides = array<i32>} : memref<640xf32, #tpu.memory_space<vmem>>, vector<16xf32>,
    %broadcast_in_dim3A_123 = arith.constant 0.000000e+00 : f32
    %broadcast_in_dim3A_124 = vector.broadcast %broadcast_in_dim3A_123 : f32 to vector<16xf32>
    %swap3A_125 = arith.constant 496 : index
    %swap3A_126 = tpu.vector_load %arg12[%swap3A_125] {strides = array<i32>} : memref<640xf32, #tpu.memory_space<vmem>>, vector<16xf32>,
    tpu.vector_store %arg12[%swap3A_125], %broadcast_in_dim3A_124 {strides = array<i32>} : memref<640xf32, #tpu.memory_space<vmem>>, vector<16xf32>,
    %broadcast_in_dim3A_127 = arith.constant 0.000000e+00 : f32
    %broadcast_in_dim3A_128 = vector.broadcast %broadcast_in_dim3A_127 : f32 to vector<16xf32>
    %swap3A_129 = arith.constant 512 : index
    %swap3A_130 = tpu.vector_load %arg12[%swap3A_129] {strides = array<i32>} : memref<640xf32, #tpu.memory_space<vmem>>, vector<16xf32>,
    tpu.vector_store %arg12[%swap3A_129], %broadcast_in_dim3A_128 {strides = array<i32>} : memref<640xf32, #tpu.memory_space<vmem>>, vector<16xf32>,
    %broadcast_in_dim3A_131 = arith.constant 0.000000e+00 : f32
    %broadcast_in_dim3A_132 = vector.broadcast %broadcast_in_dim3A_131 : f32 to vector<16xf32>
    %swap3A_133 = arith.constant 528 : index
    %swap3A_134 = tpu.vector_load %arg12[%swap3A_133] {strides = array<i32>} : memref<640xf32, #tpu.memory_space<vmem>>, vector<16xf32>,
    tpu.vector_store %arg12[%swap3A_133], %broadcast_in_dim3A_132 {strides = array<i32>} : memref<640xf32, #tpu.memory_space<vmem>>, vector<16xf32>,
    %broadcast_in_dim3A_135 = arith.constant 0.000000e+00 : f32
    %broadcast_in_dim3A_136 = vector.broadcast %broadcast_in_dim3A_135 : f32 to vector<16xf32>
    %swap3A_137 = arith.constant 544 : index
    %swap3A_138 = tpu.vector_load %arg12[%swap3A_137] {strides = array<i32>} : memref<640xf32, #tpu.memory_space<vmem>>, vector<16xf32>,
    tpu.vector_store %arg12[%swap3A_137], %broadcast_in_dim3A_136 {strides = array<i32>} : memref<640xf32, #tpu.memory_space<vmem>>, vector<16xf32>,
    %broadcast_in_dim3A_139 = arith.constant 0.000000e+00 : f32
    %broadcast_in_dim3A_140 = vector.broadcast %broadcast_in_dim3A_139 : f32 to vector<16xf32>
    %swap3A_141 = arith.constant 560 : index
    %swap3A_142 = tpu.vector_load %arg12[%swap3A_141] {strides = array<i32>} : memref<640xf32, #tpu.memory_space<vmem>>, vector<16xf32>,
    tpu.vector_store %arg12[%swap3A_141], %broadcast_in_dim3A_140 {strides = array<i32>} : memref<640xf32, #tpu.memory_space<vmem>>, vector<16xf32>,
    %broadcast_in_dim3A_143 = arith.constant 0.000000e+00 : f32
    %broadcast_in_dim3A_144 = vector.broadcast %broadcast_in_dim3A_143 : f32 to vector<16xf32>
    %swap3A_145 = arith.constant 576 : index
    %swap3A_146 = tpu.vector_load %arg12[%swap3A_145] {strides = array<i32>} : memref<640xf32, #tpu.memory_space<vmem>>, vector<16xf32>,
    tpu.vector_store %arg12[%swap3A_145], %broadcast_in_dim3A_144 {strides = array<i32>} : memref<640xf32, #tpu.memory_space<vmem>>, vector<16xf32>,
    %broadcast_in_dim3A_147 = arith.constant 0.000000e+00 : f32
    %broadcast_in_dim3A_148 = vector.broadcast %broadcast_in_dim3A_147 : f32 to vector<16xf32>
    %swap3A_149 = arith.constant 592 : index
    %swap3A_150 = tpu.vector_load %arg12[%swap3A_149] {strides = array<i32>} : memref<640xf32, #tpu.memory_space<vmem>>, vector<16xf32>,
    tpu.vector_store %arg12[%swap3A_149], %broadcast_in_dim3A_148 {strides = array<i32>} : memref<640xf32, #tpu.memory_space<vmem>>, vector<16xf32>,
    %broadcast_in_dim3A_151 = arith.constant 0.000000e+00 : f32
    %broadcast_in_dim3A_152 = vector.broadcast %broadcast_in_dim3A_151 : f32 to vector<16xf32>
    %swap3A_153 = arith.constant 608 : index
    %swap3A_154 = tpu.vector_load %arg12[%swap3A_153] {strides = array<i32>} : memref<640xf32, #tpu.memory_space<vmem>>, vector<16xf32>,
    tpu.vector_store %arg12[%swap3A_153], %broadcast_in_dim3A_152 {strides = array<i32>} : memref<640xf32, #tpu.memory_space<vmem>>, vector<16xf32>,
    %broadcast_in_dim3A_155 = arith.constant 0.000000e+00 : f32
    %broadcast_in_dim3A_156 = vector.broadcast %broadcast_in_dim3A_155 : f32 to vector<16xf32>
    %swap3A_157 = arith.constant 624 : index
    %swap3A_158 = tpu.vector_load %arg12[%swap3A_157] {strides = array<i32>} : memref<640xf32, #tpu.memory_space<vmem>>, vector<16xf32>,
    tpu.vector_store %arg12[%swap3A_157], %broadcast_in_dim3A_156 {strides = array<i32>} : memref<640xf32, #tpu.memory_space<vmem>>, vector<16xf32>,
    "tpu.region"() ({
      %run_scoped3A = tpu.sem_alloc : memref<!tpu.dma_semaphore, #tpu.memory_space<semaphore_mem>>
      %dma_start3A = tpu.memref_slice %arg16[%mul3A_0] : memref<10240xf32, #tpu.memory_space<vmem_shared>> -> memref<640xf32, #tpu.memory_space<vmem_shared>>
      %dma_start3A_2058 = tpu.memref_slice %arg16[%mul3A_0] : memref<10240xf32, #tpu.memory_space<vmem_shared>> -> memref<640xf32, #tpu.memory_space<vmem_shared>>
      tpu.enqueue_dma source(%arg12 : memref<640xf32, #tpu.memory_space<vmem>>) target(%dma_start3A_2058 : memref<640xf32, #tpu.memory_space<vmem_shared>>) target_semaphore(%run_scoped3A : memref<!tpu.dma_semaphore, #tpu.memory_space<semaphore_mem>>)
      %dma_wait3A = tpu.memref_slice %arg16[%mul3A_0] : memref<10240xf32, #tpu.memory_space<vmem_shared>> -> memref<640xf32, #tpu.memory_space<vmem_shared>>
      %dma_wait3A_2059 = tpu.memref_slice %arg16[%mul3A_0] : memref<10240xf32, #tpu.memory_space<vmem_shared>> -> memref<640xf32, #tpu.memory_space<vmem_shared>>
      tpu.wait_dma2 semaphore(%run_scoped3A : memref<!tpu.dma_semaphore, #tpu.memory_space<semaphore_mem>>) src(%arg12 : memref<640xf32, #tpu.memory_space<vmem>>) dst(%dma_wait3A_2059 : memref<640xf32, #tpu.memory_space<vmem_shared>>)
      tpu.yield
    }) : () -> ()
    %broadcast_in_dim3A_159 = arith.constant 1.000000e+00 : f32
    %broadcast_in_dim3A_160 = vector.broadcast %broadcast_in_dim3A_159 : f32 to vector<16xf32>
    %swap3A_161 = arith.constant 0 : index
    %swap3A_162 = tpu.vector_load %arg12[%swap3A_161] {strides = array<i32>} : memref<640xf32, #tpu.memory_space<vmem>>, vector<16xf32>,
    tpu.vector_store %arg12[%swap3A_161], %broadcast_in_dim3A_160 {strides = array<i32>} : memref<640xf32, #tpu.memory_space<vmem>>, vector<16xf32>,
    %broadcast_in_dim3A_163 = arith.constant 1.000000e+00 : f32
    %broadcast_in_dim3A_164 = vector.broadcast %broadcast_in_dim3A_163 : f32 to vector<16xf32>
    %swap3A_165 = arith.constant 16 : index
    %swap3A_166 = tpu.vector_load %arg12[%swap3A_165] {strides = array<i32>} : memref<640xf32, #tpu.memory_space<vmem>>, vector<16xf32>,
    tpu.vector_store %arg12[%swap3A_165], %broadcast_in_dim3A_164 {strides = array<i32>} : memref<640xf32, #tpu.memory_space<vmem>>, vector<16xf32>,
    %broadcast_in_dim3A_167 = arith.constant 1.000000e+00 : f32
    %broadcast_in_dim3A_168 = vector.broadcast %broadcast_in_dim3A_167 : f32 to vector<16xf32>
    %swap3A_169 = arith.constant 32 : index
    %swap3A_170 = tpu.vector_load %arg12[%swap3A_169] {strides = array<i32>} : memref<640xf32, #tpu.memory_space<vmem>>, vector<16xf32>,
    tpu.vector_store %arg12[%swap3A_169], %broadcast_in_dim3A_168 {strides = array<i32>} : memref<640xf32, #tpu.memory_space<vmem>>, vector<16xf32>,
    %broadcast_in_dim3A_171 = arith.constant 1.000000e+00 : f32
    %broadcast_in_dim3A_172 = vector.broadcast %broadcast_in_dim3A_171 : f32 to vector<16xf32>
    %swap3A_173 = arith.constant 48 : index
    %swap3A_174 = tpu.vector_load %arg12[%swap3A_173] {strides = array<i32>} : memref<640xf32, #tpu.memory_space<vmem>>, vector<16xf32>,
    tpu.vector_store %arg12[%swap3A_173], %broadcast_in_dim3A_172 {strides = array<i32>} : memref<640xf32, #tpu.memory_space<vmem>>, vector<16xf32>,
    %broadcast_in_dim3A_175 = arith.constant 1.000000e+00 : f32
    %broadcast_in_dim3A_176 = vector.broadcast %broadcast_in_dim3A_175 : f32 to vector<16xf32>
    %swap3A_177 = arith.constant 64 : index
    %swap3A_178 = tpu.vector_load %arg12[%swap3A_177] {strides = array<i32>} : memref<640xf32, #tpu.memory_space<vmem>>, vector<16xf32>,
    tpu.vector_store %arg12[%swap3A_177], %broadcast_in_dim3A_176 {strides = array<i32>} : memref<640xf32, #tpu.memory_space<vmem>>, vector<16xf32>,
    %broadcast_in_dim3A_179 = arith.constant 1.000000e+00 : f32
    %broadcast_in_dim3A_180 = vector.broadcast %broadcast_in_dim3A_179 : f32 to vector<16xf32>
    %swap3A_181 = arith.constant 80 : index
    %swap3A_182 = tpu.vector_load %arg12[%swap3A_181] {strides = array<i32>} : memref<640xf32, #tpu.memory_space<vmem>>, vector<16xf32>,
    tpu.vector_store %arg12[%swap3A_181], %broadcast_in_dim3A_180 {strides = array<i32>} : memref<640xf32, #tpu.memory_space<vmem>>, vector<16xf32>,
    %broadcast_in_dim3A_183 = arith.constant 1.000000e+00 : f32
    %broadcast_in_dim3A_184 = vector.broadcast %broadcast_in_dim3A_183 : f32 to vector<16xf32>
    %swap3A_185 = arith.constant 96 : index
    %swap3A_186 = tpu.vector_load %arg12[%swap3A_185] {strides = array<i32>} : memref<640xf32, #tpu.memory_space<vmem>>, vector<16xf32>,
    tpu.vector_store %arg12[%swap3A_185], %broadcast_in_dim3A_184 {strides = array<i32>} : memref<640xf32, #tpu.memory_space<vmem>>, vector<16xf32>,
    %broadcast_in_dim3A_187 = arith.constant 1.000000e+00 : f32
    %broadcast_in_dim3A_188 = vector.broadcast %broadcast_in_dim3A_187 : f32 to vector<16xf32>
    %swap3A_189 = arith.constant 112 : index
    %swap3A_190 = tpu.vector_load %arg12[%swap3A_189] {strides = array<i32>} : memref<640xf32, #tpu.memory_space<vmem>>, vector<16xf32>,
    tpu.vector_store %arg12[%swap3A_189], %broadcast_in_dim3A_188 {strides = array<i32>} : memref<640xf32, #tpu.memory_space<vmem>>, vector<16xf32>,
    %broadcast_in_dim3A_191 = arith.constant 1.000000e+00 : f32
    %broadcast_in_dim3A_192 = vector.broadcast %broadcast_in_dim3A_191 : f32 to vector<16xf32>
    %swap3A_193 = arith.constant 128 : index
    %swap3A_194 = tpu.vector_load %arg12[%swap3A_193] {strides = array<i32>} : memref<640xf32, #tpu.memory_space<vmem>>, vector<16xf32>,
    tpu.vector_store %arg12[%swap3A_193], %broadcast_in_dim3A_192 {strides = array<i32>} : memref<640xf32, #tpu.memory_space<vmem>>, vector<16xf32>,
    %broadcast_in_dim3A_195 = arith.constant 1.000000e+00 : f32
    %broadcast_in_dim3A_196 = vector.broadcast %broadcast_in_dim3A_195 : f32 to vector<16xf32>
    %swap3A_197 = arith.constant 144 : index
    %swap3A_198 = tpu.vector_load %arg12[%swap3A_197] {strides = array<i32>} : memref<640xf32, #tpu.memory_space<vmem>>, vector<16xf32>,
    tpu.vector_store %arg12[%swap3A_197], %broadcast_in_dim3A_196 {strides = array<i32>} : memref<640xf32, #tpu.memory_space<vmem>>, vector<16xf32>,
    %broadcast_in_dim3A_199 = arith.constant 1.000000e+00 : f32
    %broadcast_in_dim3A_200 = vector.broadcast %broadcast_in_dim3A_199 : f32 to vector<16xf32>
    %swap3A_201 = arith.constant 160 : index
    %swap3A_202 = tpu.vector_load %arg12[%swap3A_201] {strides = array<i32>} : memref<640xf32, #tpu.memory_space<vmem>>, vector<16xf32>,
    tpu.vector_store %arg12[%swap3A_201], %broadcast_in_dim3A_200 {strides = array<i32>} : memref<640xf32, #tpu.memory_space<vmem>>, vector<16xf32>,
    %broadcast_in_dim3A_203 = arith.constant 1.000000e+00 : f32
    %broadcast_in_dim3A_204 = vector.broadcast %broadcast_in_dim3A_203 : f32 to vector<16xf32>
    %swap3A_205 = arith.constant 176 : index
    %swap3A_206 = tpu.vector_load %arg12[%swap3A_205] {strides = array<i32>} : memref<640xf32, #tpu.memory_space<vmem>>, vector<16xf32>,
    tpu.vector_store %arg12[%swap3A_205], %broadcast_in_dim3A_204 {strides = array<i32>} : memref<640xf32, #tpu.memory_space<vmem>>, vector<16xf32>,
    %broadcast_in_dim3A_207 = arith.constant 1.000000e+00 : f32
    %broadcast_in_dim3A_208 = vector.broadcast %broadcast_in_dim3A_207 : f32 to vector<16xf32>
    %swap3A_209 = arith.constant 192 : index
    %swap3A_210 = tpu.vector_load %arg12[%swap3A_209] {strides = array<i32>} : memref<640xf32, #tpu.memory_space<vmem>>, vector<16xf32>,
    tpu.vector_store %arg12[%swap3A_209], %broadcast_in_dim3A_208 {strides = array<i32>} : memref<640xf32, #tpu.memory_space<vmem>>, vector<16xf32>,
    %broadcast_in_dim3A_211 = arith.constant 1.000000e+00 : f32
    %broadcast_in_dim3A_212 = vector.broadcast %broadcast_in_dim3A_211 : f32 to vector<16xf32>
    %swap3A_213 = arith.constant 208 : index
    %swap3A_214 = tpu.vector_load %arg12[%swap3A_213] {strides = array<i32>} : memref<640xf32, #tpu.memory_space<vmem>>, vector<16xf32>,
    tpu.vector_store %arg12[%swap3A_213], %broadcast_in_dim3A_212 {strides = array<i32>} : memref<640xf32, #tpu.memory_space<vmem>>, vector<16xf32>,
    %broadcast_in_dim3A_215 = arith.constant 1.000000e+00 : f32
    %broadcast_in_dim3A_216 = vector.broadcast %broadcast_in_dim3A_215 : f32 to vector<16xf32>
    %swap3A_217 = arith.constant 224 : index
    %swap3A_218 = tpu.vector_load %arg12[%swap3A_217] {strides = array<i32>} : memref<640xf32, #tpu.memory_space<vmem>>, vector<16xf32>,
    tpu.vector_store %arg12[%swap3A_217], %broadcast_in_dim3A_216 {strides = array<i32>} : memref<640xf32, #tpu.memory_space<vmem>>, vector<16xf32>,
    %broadcast_in_dim3A_219 = arith.constant 1.000000e+00 : f32
    %broadcast_in_dim3A_220 = vector.broadcast %broadcast_in_dim3A_219 : f32 to vector<16xf32>
    %swap3A_221 = arith.constant 240 : index
    %swap3A_222 = tpu.vector_load %arg12[%swap3A_221] {strides = array<i32>} : memref<640xf32, #tpu.memory_space<vmem>>, vector<16xf32>,
    tpu.vector_store %arg12[%swap3A_221], %broadcast_in_dim3A_220 {strides = array<i32>} : memref<640xf32, #tpu.memory_space<vmem>>, vector<16xf32>,
    %broadcast_in_dim3A_223 = arith.constant 1.000000e+00 : f32
    %broadcast_in_dim3A_224 = vector.broadcast %broadcast_in_dim3A_223 : f32 to vector<16xf32>
    %swap3A_225 = arith.constant 256 : index
    %swap3A_226 = tpu.vector_load %arg12[%swap3A_225] {strides = array<i32>} : memref<640xf32, #tpu.memory_space<vmem>>, vector<16xf32>,
    tpu.vector_store %arg12[%swap3A_225], %broadcast_in_dim3A_224 {strides = array<i32>} : memref<640xf32, #tpu.memory_space<vmem>>, vector<16xf32>,
    %broadcast_in_dim3A_227 = arith.constant 1.000000e+00 : f32
    %broadcast_in_dim3A_228 = vector.broadcast %broadcast_in_dim3A_227 : f32 to vector<16xf32>
    %swap3A_229 = arith.constant 272 : index
    %swap3A_230 = tpu.vector_load %arg12[%swap3A_229] {strides = array<i32>} : memref<640xf32, #tpu.memory_space<vmem>>, vector<16xf32>,
    tpu.vector_store %arg12[%swap3A_229], %broadcast_in_dim3A_228 {strides = array<i32>} : memref<640xf32, #tpu.memory_space<vmem>>, vector<16xf32>,
    %broadcast_in_dim3A_231 = arith.constant 1.000000e+00 : f32
    %broadcast_in_dim3A_232 = vector.broadcast %broadcast_in_dim3A_231 : f32 to vector<16xf32>
    %swap3A_233 = arith.constant 288 : index
    %swap3A_234 = tpu.vector_load %arg12[%swap3A_233] {strides = array<i32>} : memref<640xf32, #tpu.memory_space<vmem>>, vector<16xf32>,
    tpu.vector_store %arg12[%swap3A_233], %broadcast_in_dim3A_232 {strides = array<i32>} : memref<640xf32, #tpu.memory_space<vmem>>, vector<16xf32>,
    %broadcast_in_dim3A_235 = arith.constant 1.000000e+00 : f32
    %broadcast_in_dim3A_236 = vector.broadcast %broadcast_in_dim3A_235 : f32 to vector<16xf32>
    %swap3A_237 = arith.constant 304 : index
    %swap3A_238 = tpu.vector_load %arg12[%swap3A_237] {strides = array<i32>} : memref<640xf32, #tpu.memory_space<vmem>>, vector<16xf32>,
    tpu.vector_store %arg12[%swap3A_237], %broadcast_in_dim3A_236 {strides = array<i32>} : memref<640xf32, #tpu.memory_space<vmem>>, vector<16xf32>,
    %broadcast_in_dim3A_239 = arith.constant 1.000000e+00 : f32
    %broadcast_in_dim3A_240 = vector.broadcast %broadcast_in_dim3A_239 : f32 to vector<16xf32>
    %swap3A_241 = arith.constant 320 : index
    %swap3A_242 = tpu.vector_load %arg12[%swap3A_241] {strides = array<i32>} : memref<640xf32, #tpu.memory_space<vmem>>, vector<16xf32>,
    tpu.vector_store %arg12[%swap3A_241], %broadcast_in_dim3A_240 {strides = array<i32>} : memref<640xf32, #tpu.memory_space<vmem>>, vector<16xf32>,
    %broadcast_in_dim3A_243 = arith.constant 1.000000e+00 : f32
    %broadcast_in_dim3A_244 = vector.broadcast %broadcast_in_dim3A_243 : f32 to vector<16xf32>
    %swap3A_245 = arith.constant 336 : index
    %swap3A_246 = tpu.vector_load %arg12[%swap3A_245] {strides = array<i32>} : memref<640xf32, #tpu.memory_space<vmem>>, vector<16xf32>,
    tpu.vector_store %arg12[%swap3A_245], %broadcast_in_dim3A_244 {strides = array<i32>} : memref<640xf32, #tpu.memory_space<vmem>>, vector<16xf32>,
    %broadcast_in_dim3A_247 = arith.constant 1.000000e+00 : f32
    %broadcast_in_dim3A_248 = vector.broadcast %broadcast_in_dim3A_247 : f32 to vector<16xf32>
    %swap3A_249 = arith.constant 352 : index
    %swap3A_250 = tpu.vector_load %arg12[%swap3A_249] {strides = array<i32>} : memref<640xf32, #tpu.memory_space<vmem>>, vector<16xf32>,
    tpu.vector_store %arg12[%swap3A_249], %broadcast_in_dim3A_248 {strides = array<i32>} : memref<640xf32, #tpu.memory_space<vmem>>, vector<16xf32>,
    %broadcast_in_dim3A_251 = arith.constant 1.000000e+00 : f32
    %broadcast_in_dim3A_252 = vector.broadcast %broadcast_in_dim3A_251 : f32 to vector<16xf32>
    %swap3A_253 = arith.constant 368 : index
    %swap3A_254 = tpu.vector_load %arg12[%swap3A_253] {strides = array<i32>} : memref<640xf32, #tpu.memory_space<vmem>>, vector<16xf32>,
    tpu.vector_store %arg12[%swap3A_253], %broadcast_in_dim3A_252 {strides = array<i32>} : memref<640xf32, #tpu.memory_space<vmem>>, vector<16xf32>,
    %broadcast_in_dim3A_255 = arith.constant 1.000000e+00 : f32
    %broadcast_in_dim3A_256 = vector.broadcast %broadcast_in_dim3A_255 : f32 to vector<16xf32>
    %swap3A_257 = arith.constant 384 : index
    %swap3A_258 = tpu.vector_load %arg12[%swap3A_257] {strides = array<i32>} : memref<640xf32, #tpu.memory_space<vmem>>, vector<16xf32>,
    tpu.vector_store %arg12[%swap3A_257], %broadcast_in_dim3A_256 {strides = array<i32>} : memref<640xf32, #tpu.memory_space<vmem>>, vector<16xf32>,
    %broadcast_in_dim3A_259 = arith.constant 1.000000e+00 : f32
    %broadcast_in_dim3A_260 = vector.broadcast %broadcast_in_dim3A_259 : f32 to vector<16xf32>
    %swap3A_261 = arith.constant 400 : index
    %swap3A_262 = tpu.vector_load %arg12[%swap3A_261] {strides = array<i32>} : memref<640xf32, #tpu.memory_space<vmem>>, vector<16xf32>,
    tpu.vector_store %arg12[%swap3A_261], %broadcast_in_dim3A_260 {strides = array<i32>} : memref<640xf32, #tpu.memory_space<vmem>>, vector<16xf32>,
    %broadcast_in_dim3A_263 = arith.constant 1.000000e+00 : f32
    %broadcast_in_dim3A_264 = vector.broadcast %broadcast_in_dim3A_263 : f32 to vector<16xf32>
    %swap3A_265 = arith.constant 416 : index
    %swap3A_266 = tpu.vector_load %arg12[%swap3A_265] {strides = array<i32>} : memref<640xf32, #tpu.memory_space<vmem>>, vector<16xf32>,
    tpu.vector_store %arg12[%swap3A_265], %broadcast_in_dim3A_264 {strides = array<i32>} : memref<640xf32, #tpu.memory_space<vmem>>, vector<16xf32>,
    %broadcast_in_dim3A_267 = arith.constant 1.000000e+00 : f32
    %broadcast_in_dim3A_268 = vector.broadcast %broadcast_in_dim3A_267 : f32 to vector<16xf32>
    %swap3A_269 = arith.constant 432 : index
    %swap3A_270 = tpu.vector_load %arg12[%swap3A_269] {strides = array<i32>} : memref<640xf32, #tpu.memory_space<vmem>>, vector<16xf32>,
    tpu.vector_store %arg12[%swap3A_269], %broadcast_in_dim3A_268 {strides = array<i32>} : memref<640xf32, #tpu.memory_space<vmem>>, vector<16xf32>,
    %broadcast_in_dim3A_271 = arith.constant 1.000000e+00 : f32
    %broadcast_in_dim3A_272 = vector.broadcast %broadcast_in_dim3A_271 : f32 to vector<16xf32>
    %swap3A_273 = arith.constant 448 : index
    %swap3A_274 = tpu.vector_load %arg12[%swap3A_273] {strides = array<i32>} : memref<640xf32, #tpu.memory_space<vmem>>, vector<16xf32>,
    tpu.vector_store %arg12[%swap3A_273], %broadcast_in_dim3A_272 {strides = array<i32>} : memref<640xf32, #tpu.memory_space<vmem>>, vector<16xf32>,
    %broadcast_in_dim3A_275 = arith.constant 1.000000e+00 : f32
    %broadcast_in_dim3A_276 = vector.broadcast %broadcast_in_dim3A_275 : f32 to vector<16xf32>
    %swap3A_277 = arith.constant 464 : index
    %swap3A_278 = tpu.vector_load %arg12[%swap3A_277] {strides = array<i32>} : memref<640xf32, #tpu.memory_space<vmem>>, vector<16xf32>,
    tpu.vector_store %arg12[%swap3A_277], %broadcast_in_dim3A_276 {strides = array<i32>} : memref<640xf32, #tpu.memory_space<vmem>>, vector<16xf32>,
    %broadcast_in_dim3A_279 = arith.constant 1.000000e+00 : f32
    %broadcast_in_dim3A_280 = vector.broadcast %broadcast_in_dim3A_279 : f32 to vector<16xf32>
    %swap3A_281 = arith.constant 480 : index
    %swap3A_282 = tpu.vector_load %arg12[%swap3A_281] {strides = array<i32>} : memref<640xf32, #tpu.memory_space<vmem>>, vector<16xf32>,
    tpu.vector_store %arg12[%swap3A_281], %broadcast_in_dim3A_280 {strides = array<i32>} : memref<640xf32, #tpu.memory_space<vmem>>, vector<16xf32>,
    %broadcast_in_dim3A_283 = arith.constant 1.000000e+00 : f32
    %broadcast_in_dim3A_284 = vector.broadcast %broadcast_in_dim3A_283 : f32 to vector<16xf32>
    %swap3A_285 = arith.constant 496 : index
    %swap3A_286 = tpu.vector_load %arg12[%swap3A_285] {strides = array<i32>} : memref<640xf32, #tpu.memory_space<vmem>>, vector<16xf32>,
    tpu.vector_store %arg12[%swap3A_285], %broadcast_in_dim3A_284 {strides = array<i32>} : memref<640xf32, #tpu.memory_space<vmem>>, vector<16xf32>,
    %broadcast_in_dim3A_287 = arith.constant 1.000000e+00 : f32
    %broadcast_in_dim3A_288 = vector.broadcast %broadcast_in_dim3A_287 : f32 to vector<16xf32>
    %swap3A_289 = arith.constant 512 : index
    %swap3A_290 = tpu.vector_load %arg12[%swap3A_289] {strides = array<i32>} : memref<640xf32, #tpu.memory_space<vmem>>, vector<16xf32>,
    tpu.vector_store %arg12[%swap3A_289], %broadcast_in_dim3A_288 {strides = array<i32>} : memref<640xf32, #tpu.memory_space<vmem>>, vector<16xf32>,
    %broadcast_in_dim3A_291 = arith.constant 1.000000e+00 : f32
    %broadcast_in_dim3A_292 = vector.broadcast %broadcast_in_dim3A_291 : f32 to vector<16xf32>
    %swap3A_293 = arith.constant 528 : index
    %swap3A_294 = tpu.vector_load %arg12[%swap3A_293] {strides = array<i32>} : memref<640xf32, #tpu.memory_space<vmem>>, vector<16xf32>,
    tpu.vector_store %arg12[%swap3A_293], %broadcast_in_dim3A_292 {strides = array<i32>} : memref<640xf32, #tpu.memory_space<vmem>>, vector<16xf32>,
    %broadcast_in_dim3A_295 = arith.constant 1.000000e+00 : f32
    %broadcast_in_dim3A_296 = vector.broadcast %broadcast_in_dim3A_295 : f32 to vector<16xf32>
    %swap3A_297 = arith.constant 544 : index
    %swap3A_298 = tpu.vector_load %arg12[%swap3A_297] {strides = array<i32>} : memref<640xf32, #tpu.memory_space<vmem>>, vector<16xf32>,
    tpu.vector_store %arg12[%swap3A_297], %broadcast_in_dim3A_296 {strides = array<i32>} : memref<640xf32, #tpu.memory_space<vmem>>, vector<16xf32>,
    %broadcast_in_dim3A_299 = arith.constant 1.000000e+00 : f32
    %broadcast_in_dim3A_300 = vector.broadcast %broadcast_in_dim3A_299 : f32 to vector<16xf32>
    %swap3A_301 = arith.constant 560 : index
    %swap3A_302 = tpu.vector_load %arg12[%swap3A_301] {strides = array<i32>} : memref<640xf32, #tpu.memory_space<vmem>>, vector<16xf32>,
    tpu.vector_store %arg12[%swap3A_301], %broadcast_in_dim3A_300 {strides = array<i32>} : memref<640xf32, #tpu.memory_space<vmem>>, vector<16xf32>,
    %broadcast_in_dim3A_303 = arith.constant 1.000000e+00 : f32
    %broadcast_in_dim3A_304 = vector.broadcast %broadcast_in_dim3A_303 : f32 to vector<16xf32>
    %swap3A_305 = arith.constant 576 : index
    %swap3A_306 = tpu.vector_load %arg12[%swap3A_305] {strides = array<i32>} : memref<640xf32, #tpu.memory_space<vmem>>, vector<16xf32>,
    tpu.vector_store %arg12[%swap3A_305], %broadcast_in_dim3A_304 {strides = array<i32>} : memref<640xf32, #tpu.memory_space<vmem>>, vector<16xf32>,
    %broadcast_in_dim3A_307 = arith.constant 1.000000e+00 : f32
    %broadcast_in_dim3A_308 = vector.broadcast %broadcast_in_dim3A_307 : f32 to vector<16xf32>
    %swap3A_309 = arith.constant 592 : index
    %swap3A_310 = tpu.vector_load %arg12[%swap3A_309] {strides = array<i32>} : memref<640xf32, #tpu.memory_space<vmem>>, vector<16xf32>,
    tpu.vector_store %arg12[%swap3A_309], %broadcast_in_dim3A_308 {strides = array<i32>} : memref<640xf32, #tpu.memory_space<vmem>>, vector<16xf32>,
    %broadcast_in_dim3A_311 = arith.constant 1.000000e+00 : f32
    %broadcast_in_dim3A_312 = vector.broadcast %broadcast_in_dim3A_311 : f32 to vector<16xf32>
    %swap3A_313 = arith.constant 608 : index
    %swap3A_314 = tpu.vector_load %arg12[%swap3A_313] {strides = array<i32>} : memref<640xf32, #tpu.memory_space<vmem>>, vector<16xf32>,
    tpu.vector_store %arg12[%swap3A_313], %broadcast_in_dim3A_312 {strides = array<i32>} : memref<640xf32, #tpu.memory_space<vmem>>, vector<16xf32>,
    %broadcast_in_dim3A_315 = arith.constant 1.000000e+00 : f32
    %broadcast_in_dim3A_316 = vector.broadcast %broadcast_in_dim3A_315 : f32 to vector<16xf32>
    %swap3A_317 = arith.constant 624 : index
    %swap3A_318 = tpu.vector_load %arg12[%swap3A_317] {strides = array<i32>} : memref<640xf32, #tpu.memory_space<vmem>>, vector<16xf32>,
    tpu.vector_store %arg12[%swap3A_317], %broadcast_in_dim3A_316 {strides = array<i32>} : memref<640xf32, #tpu.memory_space<vmem>>, vector<16xf32>,
    "tpu.region"() ({
      %run_scoped3A = tpu.sem_alloc : memref<!tpu.dma_semaphore, #tpu.memory_space<semaphore_mem>>
      %dma_start3A = tpu.memref_slice %arg15[%mul3A_0] : memref<10240xf32, #tpu.memory_space<vmem_shared>> -> memref<640xf32, #tpu.memory_space<vmem_shared>>
      %dma_start3A_2058 = tpu.memref_slice %arg15[%mul3A_0] : memref<10240xf32, #tpu.memory_space<vmem_shared>> -> memref<640xf32, #tpu.memory_space<vmem_shared>>
      tpu.enqueue_dma source(%arg12 : memref<640xf32, #tpu.memory_space<vmem>>) target(%dma_start3A_2058 : memref<640xf32, #tpu.memory_space<vmem_shared>>) target_semaphore(%run_scoped3A : memref<!tpu.dma_semaphore, #tpu.memory_space<semaphore_mem>>)
      %dma_wait3A = tpu.memref_slice %arg15[%mul3A_0] : memref<10240xf32, #tpu.memory_space<vmem_shared>> -> memref<640xf32, #tpu.memory_space<vmem_shared>>
      %dma_wait3A_2059 = tpu.memref_slice %arg15[%mul3A_0] : memref<10240xf32, #tpu.memory_space<vmem_shared>> -> memref<640xf32, #tpu.memory_space<vmem_shared>>
      tpu.wait_dma2 semaphore(%run_scoped3A : memref<!tpu.dma_semaphore, #tpu.memory_space<semaphore_mem>>) src(%arg12 : memref<640xf32, #tpu.memory_space<vmem>>) dst(%dma_wait3A_2059 : memref<640xf32, #tpu.memory_space<vmem_shared>>)
      tpu.yield
    }) : () -> ()
    %broadcast_in_dim3A_319 = arith.constant 1.000000e+00 : f32
    %broadcast_in_dim3A_320 = vector.broadcast %broadcast_in_dim3A_319 : f32 to vector<16xf32>
    %swap3A_321 = arith.constant 0 : index
    %swap3A_322 = tpu.vector_load %arg14[%swap3A_321] {strides = array<i32>} : memref<128xf32, #tpu.memory_space<vmem>>, vector<16xf32>,
    tpu.vector_store %arg14[%swap3A_321], %broadcast_in_dim3A_320 {strides = array<i32>} : memref<128xf32, #tpu.memory_space<vmem>>, vector<16xf32>,
    %broadcast_in_dim3A_323 = arith.constant 1.000000e+00 : f32
    %broadcast_in_dim3A_324 = vector.broadcast %broadcast_in_dim3A_323 : f32 to vector<16xf32>
    %swap3A_325 = arith.constant 16 : index
    %swap3A_326 = tpu.vector_load %arg14[%swap3A_325] {strides = array<i32>} : memref<128xf32, #tpu.memory_space<vmem>>, vector<16xf32>,
    tpu.vector_store %arg14[%swap3A_325], %broadcast_in_dim3A_324 {strides = array<i32>} : memref<128xf32, #tpu.memory_space<vmem>>, vector<16xf32>,
    %broadcast_in_dim3A_327 = arith.constant 1.000000e+00 : f32
    %broadcast_in_dim3A_328 = vector.broadcast %broadcast_in_dim3A_327 : f32 to vector<16xf32>
    %swap3A_329 = arith.constant 32 : index
    %swap3A_330 = tpu.vector_load %arg14[%swap3A_329] {strides = array<i32>} : memref<128xf32, #tpu.memory_space<vmem>>, vector<16xf32>,
    tpu.vector_store %arg14[%swap3A_329], %broadcast_in_dim3A_328 {strides = array<i32>} : memref<128xf32, #tpu.memory_space<vmem>>, vector<16xf32>,
    %broadcast_in_dim3A_331 = arith.constant 1.000000e+00 : f32
    %broadcast_in_dim3A_332 = vector.broadcast %broadcast_in_dim3A_331 : f32 to vector<16xf32>
    %swap3A_333 = arith.constant 48 : index
    %swap3A_334 = tpu.vector_load %arg14[%swap3A_333] {strides = array<i32>} : memref<128xf32, #tpu.memory_space<vmem>>, vector<16xf32>,
    tpu.vector_store %arg14[%swap3A_333], %broadcast_in_dim3A_332 {strides = array<i32>} : memref<128xf32, #tpu.memory_space<vmem>>, vector<16xf32>,
    %broadcast_in_dim3A_335 = arith.constant 1.000000e+00 : f32
    %broadcast_in_dim3A_336 = vector.broadcast %broadcast_in_dim3A_335 : f32 to vector<16xf32>
    %swap3A_337 = arith.constant 64 : index
    %swap3A_338 = tpu.vector_load %arg14[%swap3A_337] {strides = array<i32>} : memref<128xf32, #tpu.memory_space<vmem>>, vector<16xf32>,
    tpu.vector_store %arg14[%swap3A_337], %broadcast_in_dim3A_336 {strides = array<i32>} : memref<128xf32, #tpu.memory_space<vmem>>, vector<16xf32>,
    %broadcast_in_dim3A_339 = arith.constant 1.000000e+00 : f32
    %broadcast_in_dim3A_340 = vector.broadcast %broadcast_in_dim3A_339 : f32 to vector<16xf32>
    %swap3A_341 = arith.constant 80 : index
    %swap3A_342 = tpu.vector_load %arg14[%swap3A_341] {strides = array<i32>} : memref<128xf32, #tpu.memory_space<vmem>>, vector<16xf32>,
    tpu.vector_store %arg14[%swap3A_341], %broadcast_in_dim3A_340 {strides = array<i32>} : memref<128xf32, #tpu.memory_space<vmem>>, vector<16xf32>,
    %broadcast_in_dim3A_343 = arith.constant 1.000000e+00 : f32
    %broadcast_in_dim3A_344 = vector.broadcast %broadcast_in_dim3A_343 : f32 to vector<16xf32>
    %swap3A_345 = arith.constant 96 : index
    %swap3A_346 = tpu.vector_load %arg14[%swap3A_345] {strides = array<i32>} : memref<128xf32, #tpu.memory_space<vmem>>, vector<16xf32>,
    tpu.vector_store %arg14[%swap3A_345], %broadcast_in_dim3A_344 {strides = array<i32>} : memref<128xf32, #tpu.memory_space<vmem>>, vector<16xf32>,
    %broadcast_in_dim3A_347 = arith.constant 1.000000e+00 : f32
    %broadcast_in_dim3A_348 = vector.broadcast %broadcast_in_dim3A_347 : f32 to vector<16xf32>
    %swap3A_349 = arith.constant 112 : index
    %swap3A_350 = tpu.vector_load %arg14[%swap3A_349] {strides = array<i32>} : memref<128xf32, #tpu.memory_space<vmem>>, vector<16xf32>,
    tpu.vector_store %arg14[%swap3A_349], %broadcast_in_dim3A_348 {strides = array<i32>} : memref<128xf32, #tpu.memory_space<vmem>>, vector<16xf32>,
    %mul3A_351 = arith.constant 160 : i32
    %mul3A_352 = arith.muli %arg1, %mul3A_351 : i32
    "tpu.region"() ({
      %run_scoped3A = tpu.sem_alloc : memref<!tpu.dma_semaphore, #tpu.memory_space<semaphore_mem>>
      %dma_start3A = arith.constant 0 : i32
      %dma_start3A_2058 = tpu.memref_slice %arg4[%mul3A_352, %dma_start3A] : memref<2560x128xi32, #tpu.memory_space<hbm>> -> memref<160x128xi32, #tpu.memory_space<hbm>>
      %dma_start3A_2059 = arith.constant 0 : i32
      %dma_start3A_2060 = tpu.memref_slice %arg4[%mul3A_352, %dma_start3A_2059] : memref<2560x128xi32, #tpu.memory_space<hbm>> -> memref<160x128xi32, #tpu.memory_space<hbm>>
      tpu.enqueue_dma source(%dma_start3A_2060 : memref<160x128xi32, #tpu.memory_space<hbm>>) target(%arg7 : memref<160x128xi32, #tpu.memory_space<vmem>>) target_semaphore(%run_scoped3A : memref<!tpu.dma_semaphore, #tpu.memory_space<semaphore_mem>>)
      %dma_wait3A = arith.constant 0 : i32
      %dma_wait3A_2061 = tpu.memref_slice %arg4[%mul3A_352, %dma_wait3A] : memref<2560x128xi32, #tpu.memory_space<hbm>> -> memref<160x128xi32, #tpu.memory_space<hbm>>
      %dma_wait3A_2062 = arith.constant 0 : i32
      %dma_wait3A_2063 = tpu.memref_slice %arg4[%mul3A_352, %dma_wait3A_2062] : memref<2560x128xi32, #tpu.memory_space<hbm>> -> memref<160x128xi32, #tpu.memory_space<hbm>>
      tpu.wait_dma2 semaphore(%run_scoped3A : memref<!tpu.dma_semaphore, #tpu.memory_space<semaphore_mem>>) src(%dma_wait3A_2063 : memref<160x128xi32, #tpu.memory_space<hbm>>) dst(%arg7 : memref<160x128xi32, #tpu.memory_space<vmem>>)
      tpu.yield
    }) : () -> ()
    %mul3A_353 = arith.constant 16 : i32
    %mul3A_354 = arith.muli %arg0, %mul3A_353 : i32
    %add3A = arith.addi %mul3A_354, %arg1 : i32
    %mul3A_355 = arith.constant 80 : i32
    %mul3A_356 = arith.muli %add3A, %mul3A_355 : i32
    %mul3A_357 = arith.constant 128 : i32
    %mul3A_358 = arith.muli %mul3A_356, %mul3A_357 : i32
    "tpu.region"() ({
      %run_scoped3A = tpu.sem_alloc : memref<!tpu.dma_semaphore, #tpu.memory_space<semaphore_mem>>
      %dma_start3A = tpu.memref_slice %arg3[%mul3A_358] : memref<327680xi32, #tpu.memory_space<hbm>> -> memref<10240xi32, #tpu.memory_space<hbm>>
      %dma_start3A_2058 = tpu.memref_slice %arg3[%mul3A_358] : memref<327680xi32, #tpu.memory_space<hbm>> -> memref<10240xi32, #tpu.memory_space<hbm>>
      tpu.enqueue_dma source(%dma_start3A_2058 : memref<10240xi32, #tpu.memory_space<hbm>>) target(%arg8 : memref<10240xi32, #tpu.memory_space<vmem>>) target_semaphore(%run_scoped3A : memref<!tpu.dma_semaphore, #tpu.memory_space<semaphore_mem>>)
      %dma_wait3A = tpu.memref_slice %arg3[%mul3A_358] : memref<327680xi32, #tpu.memory_space<hbm>> -> memref<10240xi32, #tpu.memory_space<hbm>>
      %dma_wait3A_2059 = tpu.memref_slice %arg3[%mul3A_358] : memref<327680xi32, #tpu.memory_space<hbm>> -> memref<10240xi32, #tpu.memory_space<hbm>>
      tpu.wait_dma2 semaphore(%run_scoped3A : memref<!tpu.dma_semaphore, #tpu.memory_space<semaphore_mem>>) src(%dma_wait3A_2059 : memref<10240xi32, #tpu.memory_space<hbm>>) dst(%arg8 : memref<10240xi32, #tpu.memory_space<vmem>>)
      tpu.yield
    }) : () -> ()
    %mul3A_359 = arith.constant 80 : i32
    %mul3A_360 = arith.muli %add3A, %mul3A_359 : i32
    "tpu.region"() ({
      %run_scoped3A = tpu.sem_alloc : memref<!tpu.dma_semaphore, #tpu.memory_space<semaphore_mem>>
      %dma_start3A = arith.constant 0 : i32
      %dma_start3A_2058 = tpu.memref_slice %arg4[%mul3A_360, %dma_start3A] : memref<2560x128xi32, #tpu.memory_space<hbm>> -> memref<80x128xi32, #tpu.memory_space<hbm>>
      %dma_start3A_2059 = arith.constant 0 : i32
      %dma_start3A_2060 = tpu.memref_slice %arg4[%mul3A_360, %dma_start3A_2059] : memref<2560x128xi32, #tpu.memory_space<hbm>> -> memref<80x128xi32, #tpu.memory_space<hbm>>
      tpu.enqueue_dma source(%dma_start3A_2060 : memref<80x128xi32, #tpu.memory_space<hbm>>) target(%arg9 : memref<80x128xi32, #tpu.memory_space<vmem>>) target_semaphore(%run_scoped3A : memref<!tpu.dma_semaphore, #tpu.memory_space<semaphore_mem>>)
      %dma_wait3A = arith.constant 0 : i32
      %dma_wait3A_2061 = tpu.memref_slice %arg4[%mul3A_360, %dma_wait3A] : memref<2560x128xi32, #tpu.memory_space<hbm>> -> memref<80x128xi32, #tpu.memory_space<hbm>>
      %dma_wait3A_2062 = arith.constant 0 : i32
      %dma_wait3A_2063 = tpu.memref_slice %arg4[%mul3A_360, %dma_wait3A_2062] : memref<2560x128xi32, #tpu.memory_space<hbm>> -> memref<80x128xi32, #tpu.memory_space<hbm>>
      tpu.wait_dma2 semaphore(%run_scoped3A : memref<!tpu.dma_semaphore, #tpu.memory_space<semaphore_mem>>) src(%dma_wait3A_2063 : memref<80x128xi32, #tpu.memory_space<hbm>>) dst(%arg9 : memref<80x128xi32, #tpu.memory_space<vmem>>)
      tpu.yield
    }) : () -> ()
    %barrier3A = arith.constant 0 : index
    tpu.barrier barrier_id(%barrier3A)
    %scan3A = arith.constant 0 : i32
    %scan3A_361 = arith.constant 160 : i32
    %scan3A_362 = arith.addi %scan3A, %scan3A_361 : i32
    %scan3A_363 = arith.constant 1 : i32
    scf.for %scan3A_2058 = %scan3A to %scan3A_362 step %scan3A_363  : i32 {
      %mul3A_2059 = arith.constant 1 : i32
      %mul3A_2060 = arith.muli %scan3A_2058, %mul3A_2059 : i32
      %add3A_2061 = arith.constant 0 : i32
      %add3A_2062 = arith.addi %add3A_2061, %mul3A_2060 : i32
      "tpu.region"() ({
        %run_scoped3A = tpu.sem_alloc : memref<!tpu.dma_semaphore, #tpu.memory_space<semaphore_mem>>
        %dma_start3A = arith.constant 0 : i32
        %dma_start3A_2063 = tpu.memref_slice %arg7[%add3A_2062, %dma_start3A] : memref<160x128xi32, #tpu.memory_space<vmem>> -> memref<1x128xi32, #tpu.memory_space<vmem>>
        %dma_start3A_2064 = tpu.memref_squeeze %dma_start3A_2063 : memref<1x128xi32, #tpu.memory_space<vmem>> -> memref<128xi32, #tpu.memory_space<vmem>>
        %dma_start3A_2065 = arith.constant 0 : i32
        %dma_start3A_2066 = tpu.memref_slice %arg15[%dma_start3A_2065] : memref<10240xf32, #tpu.memory_space<vmem_shared>> -> memref<10240xf32, #tpu.memory_space<vmem_shared>>
        tpu.enqueue_indirect_dma source(%arg14 : memref<128xf32, #tpu.memory_space<vmem>>) target(%dma_start3A_2066 : memref<10240xf32, #tpu.memory_space<vmem_shared>>) offsets(%dma_start3A_2064 : memref<128xi32, #tpu.memory_space<vmem>>) semaphore(%run_scoped3A : memref<!tpu.dma_semaphore, #tpu.memory_space<semaphore_mem>>) {add = true}
        %dma_wait3A = arith.constant 0 : i32
        %dma_wait3A_2067 = tpu.memref_slice %arg7[%add3A_2062, %dma_wait3A] : memref<160x128xi32, #tpu.memory_space<vmem>> -> memref<1x128xi32, #tpu.memory_space<vmem>>
        %dma_wait3A_2068 = tpu.memref_squeeze %dma_wait3A_2067 : memref<1x128xi32, #tpu.memory_space<vmem>> -> memref<128xi32, #tpu.memory_space<vmem>>
        %dma_wait3A_2069 = arith.constant 0 : i32
        %dma_wait3A_2070 = tpu.memref_slice %arg15[%dma_wait3A_2069] : memref<10240xf32, #tpu.memory_space<vmem_shared>> -> memref<10240xf32, #tpu.memory_space<vmem_shared>>
        tpu.wait_indirect_dma semaphore(%run_scoped3A : memref<!tpu.dma_semaphore, #tpu.memory_space<semaphore_mem>>) src(%arg14 : memref<128xf32, #tpu.memory_space<vmem>>) dst(%dma_wait3A_2070 : memref<10240xf32, #tpu.memory_space<vmem_shared>>)
        tpu.yield
      }) : () -> ()
    }
    %scan3A_364 = arith.constant 160 : i32
    %barrier3A_365 = arith.constant 0 : index
    tpu.barrier barrier_id(%barrier3A_365)
    "tpu.region"() ({
      %run_scoped3A = tpu.sem_alloc : memref<!tpu.dma_semaphore, #tpu.memory_space<semaphore_mem>>
      %dma_start3A = tpu.memref_slice %arg15[%mul3A_0] : memref<10240xf32, #tpu.memory_space<vmem_shared>> -> memref<640xf32, #tpu.memory_space<vmem_shared>>
      %dma_start3A_2058 = tpu.memref_slice %arg15[%mul3A_0] : memref<10240xf32, #tpu.memory_space<vmem_shared>> -> memref<640xf32, #tpu.memory_space<vmem_shared>>
      tpu.enqueue_dma source(%dma_start3A_2058 : memref<640xf32, #tpu.memory_space<vmem_shared>>) target(%arg12 : memref<640xf32, #tpu.memory_space<vmem>>) target_semaphore(%run_scoped3A : memref<!tpu.dma_semaphore, #tpu.memory_space<semaphore_mem>>)
      %dma_wait3A = tpu.memref_slice %arg15[%mul3A_0] : memref<10240xf32, #tpu.memory_space<vmem_shared>> -> memref<640xf32, #tpu.memory_space<vmem_shared>>
      %dma_wait3A_2059 = tpu.memref_slice %arg15[%mul3A_0] : memref<10240xf32, #tpu.memory_space<vmem_shared>> -> memref<640xf32, #tpu.memory_space<vmem_shared>>
      tpu.wait_dma2 semaphore(%run_scoped3A : memref<!tpu.dma_semaphore, #tpu.memory_space<semaphore_mem>>) src(%dma_wait3A_2059 : memref<640xf32, #tpu.memory_space<vmem_shared>>) dst(%arg12 : memref<640xf32, #tpu.memory_space<vmem>>)
      tpu.yield
    }) : () -> ()
    "tpu.region"() ({
      %run_scoped3A = tpu.sem_alloc : memref<!tpu.dma_semaphore, #tpu.memory_space<semaphore_mem>>
      %dma_start3A = tpu.memref_slice %arg2[%mul3A_0] : memref<10240xf32, #tpu.memory_space<hbm>> -> memref<640xf32, #tpu.memory_space<hbm>>
      %dma_start3A_2058 = tpu.memref_slice %arg2[%mul3A_0] : memref<10240xf32, #tpu.memory_space<hbm>> -> memref<640xf32, #tpu.memory_space<hbm>>
      tpu.enqueue_dma source(%dma_start3A_2058 : memref<640xf32, #tpu.memory_space<hbm>>) target(%arg13 : memref<640xf32, #tpu.memory_space<vmem>>) target_semaphore(%run_scoped3A : memref<!tpu.dma_semaphore, #tpu.memory_space<semaphore_mem>>)
      %dma_wait3A = tpu.memref_slice %arg2[%mul3A_0] : memref<10240xf32, #tpu.memory_space<hbm>> -> memref<640xf32, #tpu.memory_space<hbm>>
      %dma_wait3A_2059 = tpu.memref_slice %arg2[%mul3A_0] : memref<10240xf32, #tpu.memory_space<hbm>> -> memref<640xf32, #tpu.memory_space<hbm>>
      tpu.wait_dma2 semaphore(%run_scoped3A : memref<!tpu.dma_semaphore, #tpu.memory_space<semaphore_mem>>) src(%dma_wait3A_2059 : memref<640xf32, #tpu.memory_space<hbm>>) dst(%arg13 : memref<640xf32, #tpu.memory_space<vmem>>)
      tpu.yield
    }) : () -> ()
    %get3A = arith.constant 0 : index
    %get3A_366 = tpu.vector_load %arg13[%get3A] {strides = array<i32>} : memref<640xf32, #tpu.memory_space<vmem>>, vector<16xf32>,
    %get3A_367 = arith.constant 0 : index
    %get3A_368 = tpu.vector_load %arg12[%get3A_367] {strides = array<i32>} : memref<640xf32, #tpu.memory_space<vmem>>, vector<16xf32>,
    %bitcast3A = vector.bitcast %get3A_368 : vector<16xf32> to vector<16xi32>
    %broadcast_in_dim3A_369 = arith.constant 1597463007 : i32
    %broadcast_in_dim3A_370 = vector.broadcast %broadcast_in_dim3A_369 : i32 to vector<16xi32>
    %shift_right_arithmetic3A = arith.constant 1 : i32
    %shift_right_arithmetic3A_371 = vector.broadcast %shift_right_arithmetic3A : i32 to vector<16xi32>
    %shift_right_arithmetic3A_372 = arith.shrsi %bitcast3A, %shift_right_arithmetic3A_371 : vector<16xi32>
    %sub3A = arith.subi %broadcast_in_dim3A_370, %shift_right_arithmetic3A_372 : vector<16xi32>
    %bitcast3A_373 = vector.bitcast %sub3A : vector<16xi32> to vector<16xf32>
    %mul3A_374 = arith.constant 5.000000e-01 : f32
    %mul3A_375 = vector.broadcast %mul3A_374 : f32 to vector<16xf32>
    %mul3A_376 = arith.mulf %mul3A_375, %get3A_368 : vector<16xf32>
    %mul3A_377 = arith.mulf %mul3A_376, %bitcast3A_373 : vector<16xf32>
    %mul3A_378 = arith.mulf %mul3A_377, %bitcast3A_373 : vector<16xf32>
    %sub3A_379 = arith.constant 1.500000e+00 : f32
    %sub3A_380 = vector.broadcast %sub3A_379 : f32 to vector<16xf32>
    %sub3A_381 = arith.subf %sub3A_380, %mul3A_378 : vector<16xf32>
    %mul3A_382 = arith.mulf %bitcast3A_373, %sub3A_381 : vector<16xf32>
    %mul3A_383 = arith.constant 5.000000e-01 : f32
    %mul3A_384 = vector.broadcast %mul3A_383 : f32 to vector<16xf32>
    %mul3A_385 = arith.mulf %mul3A_384, %get3A_368 : vector<16xf32>
    %mul3A_386 = arith.mulf %mul3A_385, %mul3A_382 : vector<16xf32>
    %mul3A_387 = arith.mulf %mul3A_386, %mul3A_382 : vector<16xf32>
    %sub3A_388 = arith.constant 1.500000e+00 : f32
    %sub3A_389 = vector.broadcast %sub3A_388 : f32 to vector<16xf32>
    %sub3A_390 = arith.subf %sub3A_389, %mul3A_387 : vector<16xf32>
    %mul3A_391 = arith.mulf %mul3A_382, %sub3A_390 : vector<16xf32>
    %mul3A_392 = arith.constant 5.000000e-01 : f32
    %mul3A_393 = vector.broadcast %mul3A_392 : f32 to vector<16xf32>
    %mul3A_394 = arith.mulf %mul3A_393, %get3A_368 : vector<16xf32>
    %mul3A_395 = arith.mulf %mul3A_394, %mul3A_391 : vector<16xf32>
    %mul3A_396 = arith.mulf %mul3A_395, %mul3A_391 : vector<16xf32>
    %sub3A_397 = arith.constant 1.500000e+00 : f32
    %sub3A_398 = vector.broadcast %sub3A_397 : f32 to vector<16xf32>
    %sub3A_399 = arith.subf %sub3A_398, %mul3A_396 : vector<16xf32>
    %mul3A_400 = arith.mulf %mul3A_391, %sub3A_399 : vector<16xf32>
    %mul3A_401 = arith.mulf %get3A_366, %mul3A_400 : vector<16xf32>
    %swap3A_402 = arith.constant 0 : index
    %swap3A_403 = tpu.vector_load %arg13[%swap3A_402] {strides = array<i32>} : memref<640xf32, #tpu.memory_space<vmem>>, vector<16xf32>,
    tpu.vector_store %arg13[%swap3A_402], %mul3A_401 {strides = array<i32>} : memref<640xf32, #tpu.memory_space<vmem>>, vector<16xf32>,
    %get3A_404 = arith.constant 16 : index
    %get3A_405 = tpu.vector_load %arg13[%get3A_404] {strides = array<i32>} : memref<640xf32, #tpu.memory_space<vmem>>, vector<16xf32>,
    %get3A_406 = arith.constant 16 : index
    %get3A_407 = tpu.vector_load %arg12[%get3A_406] {strides = array<i32>} : memref<640xf32, #tpu.memory_space<vmem>>, vector<16xf32>,
    %bitcast3A_408 = vector.bitcast %get3A_407 : vector<16xf32> to vector<16xi32>
    %broadcast_in_dim3A_409 = arith.constant 1597463007 : i32
    %broadcast_in_dim3A_410 = vector.broadcast %broadcast_in_dim3A_409 : i32 to vector<16xi32>
    %shift_right_arithmetic3A_411 = arith.constant 1 : i32
    %shift_right_arithmetic3A_412 = vector.broadcast %shift_right_arithmetic3A_411 : i32 to vector<16xi32>
    %shift_right_arithmetic3A_413 = arith.shrsi %bitcast3A_408, %shift_right_arithmetic3A_412 : vector<16xi32>
    %sub3A_414 = arith.subi %broadcast_in_dim3A_410, %shift_right_arithmetic3A_413 : vector<16xi32>
    %bitcast3A_415 = vector.bitcast %sub3A_414 : vector<16xi32> to vector<16xf32>
    %mul3A_416 = arith.constant 5.000000e-01 : f32
    %mul3A_417 = vector.broadcast %mul3A_416 : f32 to vector<16xf32>
    %mul3A_418 = arith.mulf %mul3A_417, %get3A_407 : vector<16xf32>
    %mul3A_419 = arith.mulf %mul3A_418, %bitcast3A_415 : vector<16xf32>
    %mul3A_420 = arith.mulf %mul3A_419, %bitcast3A_415 : vector<16xf32>
    %sub3A_421 = arith.constant 1.500000e+00 : f32
    %sub3A_422 = vector.broadcast %sub3A_421 : f32 to vector<16xf32>
    %sub3A_423 = arith.subf %sub3A_422, %mul3A_420 : vector<16xf32>
    %mul3A_424 = arith.mulf %bitcast3A_415, %sub3A_423 : vector<16xf32>
    %mul3A_425 = arith.constant 5.000000e-01 : f32
    %mul3A_426 = vector.broadcast %mul3A_425 : f32 to vector<16xf32>
    %mul3A_427 = arith.mulf %mul3A_426, %get3A_407 : vector<16xf32>
    %mul3A_428 = arith.mulf %mul3A_427, %mul3A_424 : vector<16xf32>
    %mul3A_429 = arith.mulf %mul3A_428, %mul3A_424 : vector<16xf32>
    %sub3A_430 = arith.constant 1.500000e+00 : f32
    %sub3A_431 = vector.broadcast %sub3A_430 : f32 to vector<16xf32>
    %sub3A_432 = arith.subf %sub3A_431, %mul3A_429 : vector<16xf32>
    %mul3A_433 = arith.mulf %mul3A_424, %sub3A_432 : vector<16xf32>
    %mul3A_434 = arith.constant 5.000000e-01 : f32
    %mul3A_435 = vector.broadcast %mul3A_434 : f32 to vector<16xf32>
    %mul3A_436 = arith.mulf %mul3A_435, %get3A_407 : vector<16xf32>
    %mul3A_437 = arith.mulf %mul3A_436, %mul3A_433 : vector<16xf32>
    %mul3A_438 = arith.mulf %mul3A_437, %mul3A_433 : vector<16xf32>
    %sub3A_439 = arith.constant 1.500000e+00 : f32
    %sub3A_440 = vector.broadcast %sub3A_439 : f32 to vector<16xf32>
    %sub3A_441 = arith.subf %sub3A_440, %mul3A_438 : vector<16xf32>
    %mul3A_442 = arith.mulf %mul3A_433, %sub3A_441 : vector<16xf32>
    %mul3A_443 = arith.mulf %get3A_405, %mul3A_442 : vector<16xf32>
    %swap3A_444 = arith.constant 16 : index
    %swap3A_445 = tpu.vector_load %arg13[%swap3A_444] {strides = array<i32>} : memref<640xf32, #tpu.memory_space<vmem>>, vector<16xf32>,
    tpu.vector_store %arg13[%swap3A_444], %mul3A_443 {strides = array<i32>} : memref<640xf32, #tpu.memory_space<vmem>>, vector<16xf32>,
    %get3A_446 = arith.constant 32 : index
    %get3A_447 = tpu.vector_load %arg13[%get3A_446] {strides = array<i32>} : memref<640xf32, #tpu.memory_space<vmem>>, vector<16xf32>,
    %get3A_448 = arith.constant 32 : index
    %get3A_449 = tpu.vector_load %arg12[%get3A_448] {strides = array<i32>} : memref<640xf32, #tpu.memory_space<vmem>>, vector<16xf32>,
    %bitcast3A_450 = vector.bitcast %get3A_449 : vector<16xf32> to vector<16xi32>
    %broadcast_in_dim3A_451 = arith.constant 1597463007 : i32
    %broadcast_in_dim3A_452 = vector.broadcast %broadcast_in_dim3A_451 : i32 to vector<16xi32>
    %shift_right_arithmetic3A_453 = arith.constant 1 : i32
    %shift_right_arithmetic3A_454 = vector.broadcast %shift_right_arithmetic3A_453 : i32 to vector<16xi32>
    %shift_right_arithmetic3A_455 = arith.shrsi %bitcast3A_450, %shift_right_arithmetic3A_454 : vector<16xi32>
    %sub3A_456 = arith.subi %broadcast_in_dim3A_452, %shift_right_arithmetic3A_455 : vector<16xi32>
    %bitcast3A_457 = vector.bitcast %sub3A_456 : vector<16xi32> to vector<16xf32>
    %mul3A_458 = arith.constant 5.000000e-01 : f32
    %mul3A_459 = vector.broadcast %mul3A_458 : f32 to vector<16xf32>
    %mul3A_460 = arith.mulf %mul3A_459, %get3A_449 : vector<16xf32>
    %mul3A_461 = arith.mulf %mul3A_460, %bitcast3A_457 : vector<16xf32>
    %mul3A_462 = arith.mulf %mul3A_461, %bitcast3A_457 : vector<16xf32>
    %sub3A_463 = arith.constant 1.500000e+00 : f32
    %sub3A_464 = vector.broadcast %sub3A_463 : f32 to vector<16xf32>
    %sub3A_465 = arith.subf %sub3A_464, %mul3A_462 : vector<16xf32>
    %mul3A_466 = arith.mulf %bitcast3A_457, %sub3A_465 : vector<16xf32>
    %mul3A_467 = arith.constant 5.000000e-01 : f32
    %mul3A_468 = vector.broadcast %mul3A_467 : f32 to vector<16xf32>
    %mul3A_469 = arith.mulf %mul3A_468, %get3A_449 : vector<16xf32>
    %mul3A_470 = arith.mulf %mul3A_469, %mul3A_466 : vector<16xf32>
    %mul3A_471 = arith.mulf %mul3A_470, %mul3A_466 : vector<16xf32>
    %sub3A_472 = arith.constant 1.500000e+00 : f32
    %sub3A_473 = vector.broadcast %sub3A_472 : f32 to vector<16xf32>
    %sub3A_474 = arith.subf %sub3A_473, %mul3A_471 : vector<16xf32>
    %mul3A_475 = arith.mulf %mul3A_466, %sub3A_474 : vector<16xf32>
    %mul3A_476 = arith.constant 5.000000e-01 : f32
    %mul3A_477 = vector.broadcast %mul3A_476 : f32 to vector<16xf32>
    %mul3A_478 = arith.mulf %mul3A_477, %get3A_449 : vector<16xf32>
    %mul3A_479 = arith.mulf %mul3A_478, %mul3A_475 : vector<16xf32>
    %mul3A_480 = arith.mulf %mul3A_479, %mul3A_475 : vector<16xf32>
    %sub3A_481 = arith.constant 1.500000e+00 : f32
    %sub3A_482 = vector.broadcast %sub3A_481 : f32 to vector<16xf32>
    %sub3A_483 = arith.subf %sub3A_482, %mul3A_480 : vector<16xf32>
    %mul3A_484 = arith.mulf %mul3A_475, %sub3A_483 : vector<16xf32>
    %mul3A_485 = arith.mulf %get3A_447, %mul3A_484 : vector<16xf32>
    %swap3A_486 = arith.constant 32 : index
    %swap3A_487 = tpu.vector_load %arg13[%swap3A_486] {strides = array<i32>} : memref<640xf32, #tpu.memory_space<vmem>>, vector<16xf32>,
    tpu.vector_store %arg13[%swap3A_486], %mul3A_485 {strides = array<i32>} : memref<640xf32, #tpu.memory_space<vmem>>, vector<16xf32>,
    %get3A_488 = arith.constant 48 : index
    %get3A_489 = tpu.vector_load %arg13[%get3A_488] {strides = array<i32>} : memref<640xf32, #tpu.memory_space<vmem>>, vector<16xf32>,
    %get3A_490 = arith.constant 48 : index
    %get3A_491 = tpu.vector_load %arg12[%get3A_490] {strides = array<i32>} : memref<640xf32, #tpu.memory_space<vmem>>, vector<16xf32>,
    %bitcast3A_492 = vector.bitcast %get3A_491 : vector<16xf32> to vector<16xi32>
    %broadcast_in_dim3A_493 = arith.constant 1597463007 : i32
    %broadcast_in_dim3A_494 = vector.broadcast %broadcast_in_dim3A_493 : i32 to vector<16xi32>
    %shift_right_arithmetic3A_495 = arith.constant 1 : i32
    %shift_right_arithmetic3A_496 = vector.broadcast %shift_right_arithmetic3A_495 : i32 to vector<16xi32>
    %shift_right_arithmetic3A_497 = arith.shrsi %bitcast3A_492, %shift_right_arithmetic3A_496 : vector<16xi32>
    %sub3A_498 = arith.subi %broadcast_in_dim3A_494, %shift_right_arithmetic3A_497 : vector<16xi32>
    %bitcast3A_499 = vector.bitcast %sub3A_498 : vector<16xi32> to vector<16xf32>
    %mul3A_500 = arith.constant 5.000000e-01 : f32
    %mul3A_501 = vector.broadcast %mul3A_500 : f32 to vector<16xf32>
    %mul3A_502 = arith.mulf %mul3A_501, %get3A_491 : vector<16xf32>
    %mul3A_503 = arith.mulf %mul3A_502, %bitcast3A_499 : vector<16xf32>
    %mul3A_504 = arith.mulf %mul3A_503, %bitcast3A_499 : vector<16xf32>
    %sub3A_505 = arith.constant 1.500000e+00 : f32
    %sub3A_506 = vector.broadcast %sub3A_505 : f32 to vector<16xf32>
    %sub3A_507 = arith.subf %sub3A_506, %mul3A_504 : vector<16xf32>
    %mul3A_508 = arith.mulf %bitcast3A_499, %sub3A_507 : vector<16xf32>
    %mul3A_509 = arith.constant 5.000000e-01 : f32
    %mul3A_510 = vector.broadcast %mul3A_509 : f32 to vector<16xf32>
    %mul3A_511 = arith.mulf %mul3A_510, %get3A_491 : vector<16xf32>
    %mul3A_512 = arith.mulf %mul3A_511, %mul3A_508 : vector<16xf32>
    %mul3A_513 = arith.mulf %mul3A_512, %mul3A_508 : vector<16xf32>
    %sub3A_514 = arith.constant 1.500000e+00 : f32
    %sub3A_515 = vector.broadcast %sub3A_514 : f32 to vector<16xf32>
    %sub3A_516 = arith.subf %sub3A_515, %mul3A_513 : vector<16xf32>
    %mul3A_517 = arith.mulf %mul3A_508, %sub3A_516 : vector<16xf32>
    %mul3A_518 = arith.constant 5.000000e-01 : f32
    %mul3A_519 = vector.broadcast %mul3A_518 : f32 to vector<16xf32>
    %mul3A_520 = arith.mulf %mul3A_519, %get3A_491 : vector<16xf32>
    %mul3A_521 = arith.mulf %mul3A_520, %mul3A_517 : vector<16xf32>
    %mul3A_522 = arith.mulf %mul3A_521, %mul3A_517 : vector<16xf32>
    %sub3A_523 = arith.constant 1.500000e+00 : f32
    %sub3A_524 = vector.broadcast %sub3A_523 : f32 to vector<16xf32>
    %sub3A_525 = arith.subf %sub3A_524, %mul3A_522 : vector<16xf32>
    %mul3A_526 = arith.mulf %mul3A_517, %sub3A_525 : vector<16xf32>
    %mul3A_527 = arith.mulf %get3A_489, %mul3A_526 : vector<16xf32>
    %swap3A_528 = arith.constant 48 : index
    %swap3A_529 = tpu.vector_load %arg13[%swap3A_528] {strides = array<i32>} : memref<640xf32, #tpu.memory_space<vmem>>, vector<16xf32>,
    tpu.vector_store %arg13[%swap3A_528], %mul3A_527 {strides = array<i32>} : memref<640xf32, #tpu.memory_space<vmem>>, vector<16xf32>,
    %get3A_530 = arith.constant 64 : index
    %get3A_531 = tpu.vector_load %arg13[%get3A_530] {strides = array<i32>} : memref<640xf32, #tpu.memory_space<vmem>>, vector<16xf32>,
    %get3A_532 = arith.constant 64 : index
    %get3A_533 = tpu.vector_load %arg12[%get3A_532] {strides = array<i32>} : memref<640xf32, #tpu.memory_space<vmem>>, vector<16xf32>,
    %bitcast3A_534 = vector.bitcast %get3A_533 : vector<16xf32> to vector<16xi32>
    %broadcast_in_dim3A_535 = arith.constant 1597463007 : i32
    %broadcast_in_dim3A_536 = vector.broadcast %broadcast_in_dim3A_535 : i32 to vector<16xi32>
    %shift_right_arithmetic3A_537 = arith.constant 1 : i32
    %shift_right_arithmetic3A_538 = vector.broadcast %shift_right_arithmetic3A_537 : i32 to vector<16xi32>
    %shift_right_arithmetic3A_539 = arith.shrsi %bitcast3A_534, %shift_right_arithmetic3A_538 : vector<16xi32>
    %sub3A_540 = arith.subi %broadcast_in_dim3A_536, %shift_right_arithmetic3A_539 : vector<16xi32>
    %bitcast3A_541 = vector.bitcast %sub3A_540 : vector<16xi32> to vector<16xf32>
    %mul3A_542 = arith.constant 5.000000e-01 : f32
    %mul3A_543 = vector.broadcast %mul3A_542 : f32 to vector<16xf32>
    %mul3A_544 = arith.mulf %mul3A_543, %get3A_533 : vector<16xf32>
    %mul3A_545 = arith.mulf %mul3A_544, %bitcast3A_541 : vector<16xf32>
    %mul3A_546 = arith.mulf %mul3A_545, %bitcast3A_541 : vector<16xf32>
    %sub3A_547 = arith.constant 1.500000e+00 : f32
    %sub3A_548 = vector.broadcast %sub3A_547 : f32 to vector<16xf32>
    %sub3A_549 = arith.subf %sub3A_548, %mul3A_546 : vector<16xf32>
    %mul3A_550 = arith.mulf %bitcast3A_541, %sub3A_549 : vector<16xf32>
    %mul3A_551 = arith.constant 5.000000e-01 : f32
    %mul3A_552 = vector.broadcast %mul3A_551 : f32 to vector<16xf32>
    %mul3A_553 = arith.mulf %mul3A_552, %get3A_533 : vector<16xf32>
    %mul3A_554 = arith.mulf %mul3A_553, %mul3A_550 : vector<16xf32>
    %mul3A_555 = arith.mulf %mul3A_554, %mul3A_550 : vector<16xf32>
    %sub3A_556 = arith.constant 1.500000e+00 : f32
    %sub3A_557 = vector.broadcast %sub3A_556 : f32 to vector<16xf32>
    %sub3A_558 = arith.subf %sub3A_557, %mul3A_555 : vector<16xf32>
    %mul3A_559 = arith.mulf %mul3A_550, %sub3A_558 : vector<16xf32>
    %mul3A_560 = arith.constant 5.000000e-01 : f32
    %mul3A_561 = vector.broadcast %mul3A_560 : f32 to vector<16xf32>
    %mul3A_562 = arith.mulf %mul3A_561, %get3A_533 : vector<16xf32>
    %mul3A_563 = arith.mulf %mul3A_562, %mul3A_559 : vector<16xf32>
    %mul3A_564 = arith.mulf %mul3A_563, %mul3A_559 : vector<16xf32>
    %sub3A_565 = arith.constant 1.500000e+00 : f32
    %sub3A_566 = vector.broadcast %sub3A_565 : f32 to vector<16xf32>
    %sub3A_567 = arith.subf %sub3A_566, %mul3A_564 : vector<16xf32>
    %mul3A_568 = arith.mulf %mul3A_559, %sub3A_567 : vector<16xf32>
    %mul3A_569 = arith.mulf %get3A_531, %mul3A_568 : vector<16xf32>
    %swap3A_570 = arith.constant 64 : index
    %swap3A_571 = tpu.vector_load %arg13[%swap3A_570] {strides = array<i32>} : memref<640xf32, #tpu.memory_space<vmem>>, vector<16xf32>,
    tpu.vector_store %arg13[%swap3A_570], %mul3A_569 {strides = array<i32>} : memref<640xf32, #tpu.memory_space<vmem>>, vector<16xf32>,
    %get3A_572 = arith.constant 80 : index
    %get3A_573 = tpu.vector_load %arg13[%get3A_572] {strides = array<i32>} : memref<640xf32, #tpu.memory_space<vmem>>, vector<16xf32>,
    %get3A_574 = arith.constant 80 : index
    %get3A_575 = tpu.vector_load %arg12[%get3A_574] {strides = array<i32>} : memref<640xf32, #tpu.memory_space<vmem>>, vector<16xf32>,
    %bitcast3A_576 = vector.bitcast %get3A_575 : vector<16xf32> to vector<16xi32>
    %broadcast_in_dim3A_577 = arith.constant 1597463007 : i32
    %broadcast_in_dim3A_578 = vector.broadcast %broadcast_in_dim3A_577 : i32 to vector<16xi32>
    %shift_right_arithmetic3A_579 = arith.constant 1 : i32
    %shift_right_arithmetic3A_580 = vector.broadcast %shift_right_arithmetic3A_579 : i32 to vector<16xi32>
    %shift_right_arithmetic3A_581 = arith.shrsi %bitcast3A_576, %shift_right_arithmetic3A_580 : vector<16xi32>
    %sub3A_582 = arith.subi %broadcast_in_dim3A_578, %shift_right_arithmetic3A_581 : vector<16xi32>
    %bitcast3A_583 = vector.bitcast %sub3A_582 : vector<16xi32> to vector<16xf32>
    %mul3A_584 = arith.constant 5.000000e-01 : f32
    %mul3A_585 = vector.broadcast %mul3A_584 : f32 to vector<16xf32>
    %mul3A_586 = arith.mulf %mul3A_585, %get3A_575 : vector<16xf32>
    %mul3A_587 = arith.mulf %mul3A_586, %bitcast3A_583 : vector<16xf32>
    %mul3A_588 = arith.mulf %mul3A_587, %bitcast3A_583 : vector<16xf32>
    %sub3A_589 = arith.constant 1.500000e+00 : f32
    %sub3A_590 = vector.broadcast %sub3A_589 : f32 to vector<16xf32>
    %sub3A_591 = arith.subf %sub3A_590, %mul3A_588 : vector<16xf32>
    %mul3A_592 = arith.mulf %bitcast3A_583, %sub3A_591 : vector<16xf32>
    %mul3A_593 = arith.constant 5.000000e-01 : f32
    %mul3A_594 = vector.broadcast %mul3A_593 : f32 to vector<16xf32>
    %mul3A_595 = arith.mulf %mul3A_594, %get3A_575 : vector<16xf32>
    %mul3A_596 = arith.mulf %mul3A_595, %mul3A_592 : vector<16xf32>
    %mul3A_597 = arith.mulf %mul3A_596, %mul3A_592 : vector<16xf32>
    %sub3A_598 = arith.constant 1.500000e+00 : f32
    %sub3A_599 = vector.broadcast %sub3A_598 : f32 to vector<16xf32>
    %sub3A_600 = arith.subf %sub3A_599, %mul3A_597 : vector<16xf32>
    %mul3A_601 = arith.mulf %mul3A_592, %sub3A_600 : vector<16xf32>
    %mul3A_602 = arith.constant 5.000000e-01 : f32
    %mul3A_603 = vector.broadcast %mul3A_602 : f32 to vector<16xf32>
    %mul3A_604 = arith.mulf %mul3A_603, %get3A_575 : vector<16xf32>
    %mul3A_605 = arith.mulf %mul3A_604, %mul3A_601 : vector<16xf32>
    %mul3A_606 = arith.mulf %mul3A_605, %mul3A_601 : vector<16xf32>
    %sub3A_607 = arith.constant 1.500000e+00 : f32
    %sub3A_608 = vector.broadcast %sub3A_607 : f32 to vector<16xf32>
    %sub3A_609 = arith.subf %sub3A_608, %mul3A_606 : vector<16xf32>
    %mul3A_610 = arith.mulf %mul3A_601, %sub3A_609 : vector<16xf32>
    %mul3A_611 = arith.mulf %get3A_573, %mul3A_610 : vector<16xf32>
    %swap3A_612 = arith.constant 80 : index
    %swap3A_613 = tpu.vector_load %arg13[%swap3A_612] {strides = array<i32>} : memref<640xf32, #tpu.memory_space<vmem>>, vector<16xf32>,
    tpu.vector_store %arg13[%swap3A_612], %mul3A_611 {strides = array<i32>} : memref<640xf32, #tpu.memory_space<vmem>>, vector<16xf32>,
    %get3A_614 = arith.constant 96 : index
    %get3A_615 = tpu.vector_load %arg13[%get3A_614] {strides = array<i32>} : memref<640xf32, #tpu.memory_space<vmem>>, vector<16xf32>,
    %get3A_616 = arith.constant 96 : index
    %get3A_617 = tpu.vector_load %arg12[%get3A_616] {strides = array<i32>} : memref<640xf32, #tpu.memory_space<vmem>>, vector<16xf32>,
    %bitcast3A_618 = vector.bitcast %get3A_617 : vector<16xf32> to vector<16xi32>
    %broadcast_in_dim3A_619 = arith.constant 1597463007 : i32
    %broadcast_in_dim3A_620 = vector.broadcast %broadcast_in_dim3A_619 : i32 to vector<16xi32>
    %shift_right_arithmetic3A_621 = arith.constant 1 : i32
    %shift_right_arithmetic3A_622 = vector.broadcast %shift_right_arithmetic3A_621 : i32 to vector<16xi32>
    %shift_right_arithmetic3A_623 = arith.shrsi %bitcast3A_618, %shift_right_arithmetic3A_622 : vector<16xi32>
    %sub3A_624 = arith.subi %broadcast_in_dim3A_620, %shift_right_arithmetic3A_623 : vector<16xi32>
    %bitcast3A_625 = vector.bitcast %sub3A_624 : vector<16xi32> to vector<16xf32>
    %mul3A_626 = arith.constant 5.000000e-01 : f32
    %mul3A_627 = vector.broadcast %mul3A_626 : f32 to vector<16xf32>
    %mul3A_628 = arith.mulf %mul3A_627, %get3A_617 : vector<16xf32>
    %mul3A_629 = arith.mulf %mul3A_628, %bitcast3A_625 : vector<16xf32>
    %mul3A_630 = arith.mulf %mul3A_629, %bitcast3A_625 : vector<16xf32>
    %sub3A_631 = arith.constant 1.500000e+00 : f32
    %sub3A_632 = vector.broadcast %sub3A_631 : f32 to vector<16xf32>
    %sub3A_633 = arith.subf %sub3A_632, %mul3A_630 : vector<16xf32>
    %mul3A_634 = arith.mulf %bitcast3A_625, %sub3A_633 : vector<16xf32>
    %mul3A_635 = arith.constant 5.000000e-01 : f32
    %mul3A_636 = vector.broadcast %mul3A_635 : f32 to vector<16xf32>
    %mul3A_637 = arith.mulf %mul3A_636, %get3A_617 : vector<16xf32>
    %mul3A_638 = arith.mulf %mul3A_637, %mul3A_634 : vector<16xf32>
    %mul3A_639 = arith.mulf %mul3A_638, %mul3A_634 : vector<16xf32>
    %sub3A_640 = arith.constant 1.500000e+00 : f32
    %sub3A_641 = vector.broadcast %sub3A_640 : f32 to vector<16xf32>
    %sub3A_642 = arith.subf %sub3A_641, %mul3A_639 : vector<16xf32>
    %mul3A_643 = arith.mulf %mul3A_634, %sub3A_642 : vector<16xf32>
    %mul3A_644 = arith.constant 5.000000e-01 : f32
    %mul3A_645 = vector.broadcast %mul3A_644 : f32 to vector<16xf32>
    %mul3A_646 = arith.mulf %mul3A_645, %get3A_617 : vector<16xf32>
    %mul3A_647 = arith.mulf %mul3A_646, %mul3A_643 : vector<16xf32>
    %mul3A_648 = arith.mulf %mul3A_647, %mul3A_643 : vector<16xf32>
    %sub3A_649 = arith.constant 1.500000e+00 : f32
    %sub3A_650 = vector.broadcast %sub3A_649 : f32 to vector<16xf32>
    %sub3A_651 = arith.subf %sub3A_650, %mul3A_648 : vector<16xf32>
    %mul3A_652 = arith.mulf %mul3A_643, %sub3A_651 : vector<16xf32>
    %mul3A_653 = arith.mulf %get3A_615, %mul3A_652 : vector<16xf32>
    %swap3A_654 = arith.constant 96 : index
    %swap3A_655 = tpu.vector_load %arg13[%swap3A_654] {strides = array<i32>} : memref<640xf32, #tpu.memory_space<vmem>>, vector<16xf32>,
    tpu.vector_store %arg13[%swap3A_654], %mul3A_653 {strides = array<i32>} : memref<640xf32, #tpu.memory_space<vmem>>, vector<16xf32>,
    %get3A_656 = arith.constant 112 : index
    %get3A_657 = tpu.vector_load %arg13[%get3A_656] {strides = array<i32>} : memref<640xf32, #tpu.memory_space<vmem>>, vector<16xf32>,
    %get3A_658 = arith.constant 112 : index
    %get3A_659 = tpu.vector_load %arg12[%get3A_658] {strides = array<i32>} : memref<640xf32, #tpu.memory_space<vmem>>, vector<16xf32>,
    %bitcast3A_660 = vector.bitcast %get3A_659 : vector<16xf32> to vector<16xi32>
    %broadcast_in_dim3A_661 = arith.constant 1597463007 : i32
    %broadcast_in_dim3A_662 = vector.broadcast %broadcast_in_dim3A_661 : i32 to vector<16xi32>
    %shift_right_arithmetic3A_663 = arith.constant 1 : i32
    %shift_right_arithmetic3A_664 = vector.broadcast %shift_right_arithmetic3A_663 : i32 to vector<16xi32>
    %shift_right_arithmetic3A_665 = arith.shrsi %bitcast3A_660, %shift_right_arithmetic3A_664 : vector<16xi32>
    %sub3A_666 = arith.subi %broadcast_in_dim3A_662, %shift_right_arithmetic3A_665 : vector<16xi32>
    %bitcast3A_667 = vector.bitcast %sub3A_666 : vector<16xi32> to vector<16xf32>
    %mul3A_668 = arith.constant 5.000000e-01 : f32
    %mul3A_669 = vector.broadcast %mul3A_668 : f32 to vector<16xf32>
    %mul3A_670 = arith.mulf %mul3A_669, %get3A_659 : vector<16xf32>
    %mul3A_671 = arith.mulf %mul3A_670, %bitcast3A_667 : vector<16xf32>
    %mul3A_672 = arith.mulf %mul3A_671, %bitcast3A_667 : vector<16xf32>
    %sub3A_673 = arith.constant 1.500000e+00 : f32
    %sub3A_674 = vector.broadcast %sub3A_673 : f32 to vector<16xf32>
    %sub3A_675 = arith.subf %sub3A_674, %mul3A_672 : vector<16xf32>
    %mul3A_676 = arith.mulf %bitcast3A_667, %sub3A_675 : vector<16xf32>
    %mul3A_677 = arith.constant 5.000000e-01 : f32
    %mul3A_678 = vector.broadcast %mul3A_677 : f32 to vector<16xf32>
    %mul3A_679 = arith.mulf %mul3A_678, %get3A_659 : vector<16xf32>
    %mul3A_680 = arith.mulf %mul3A_679, %mul3A_676 : vector<16xf32>
    %mul3A_681 = arith.mulf %mul3A_680, %mul3A_676 : vector<16xf32>
    %sub3A_682 = arith.constant 1.500000e+00 : f32
    %sub3A_683 = vector.broadcast %sub3A_682 : f32 to vector<16xf32>
    %sub3A_684 = arith.subf %sub3A_683, %mul3A_681 : vector<16xf32>
    %mul3A_685 = arith.mulf %mul3A_676, %sub3A_684 : vector<16xf32>
    %mul3A_686 = arith.constant 5.000000e-01 : f32
    %mul3A_687 = vector.broadcast %mul3A_686 : f32 to vector<16xf32>
    %mul3A_688 = arith.mulf %mul3A_687, %get3A_659 : vector<16xf32>
    %mul3A_689 = arith.mulf %mul3A_688, %mul3A_685 : vector<16xf32>
    %mul3A_690 = arith.mulf %mul3A_689, %mul3A_685 : vector<16xf32>
    %sub3A_691 = arith.constant 1.500000e+00 : f32
    %sub3A_692 = vector.broadcast %sub3A_691 : f32 to vector<16xf32>
    %sub3A_693 = arith.subf %sub3A_692, %mul3A_690 : vector<16xf32>
    %mul3A_694 = arith.mulf %mul3A_685, %sub3A_693 : vector<16xf32>
    %mul3A_695 = arith.mulf %get3A_657, %mul3A_694 : vector<16xf32>
    %swap3A_696 = arith.constant 112 : index
    %swap3A_697 = tpu.vector_load %arg13[%swap3A_696] {strides = array<i32>} : memref<640xf32, #tpu.memory_space<vmem>>, vector<16xf32>,
    tpu.vector_store %arg13[%swap3A_696], %mul3A_695 {strides = array<i32>} : memref<640xf32, #tpu.memory_space<vmem>>, vector<16xf32>,
    %get3A_698 = arith.constant 128 : index
    %get3A_699 = tpu.vector_load %arg13[%get3A_698] {strides = array<i32>} : memref<640xf32, #tpu.memory_space<vmem>>, vector<16xf32>,
    %get3A_700 = arith.constant 128 : index
    %get3A_701 = tpu.vector_load %arg12[%get3A_700] {strides = array<i32>} : memref<640xf32, #tpu.memory_space<vmem>>, vector<16xf32>,
    %bitcast3A_702 = vector.bitcast %get3A_701 : vector<16xf32> to vector<16xi32>
    %broadcast_in_dim3A_703 = arith.constant 1597463007 : i32
    %broadcast_in_dim3A_704 = vector.broadcast %broadcast_in_dim3A_703 : i32 to vector<16xi32>
    %shift_right_arithmetic3A_705 = arith.constant 1 : i32
    %shift_right_arithmetic3A_706 = vector.broadcast %shift_right_arithmetic3A_705 : i32 to vector<16xi32>
    %shift_right_arithmetic3A_707 = arith.shrsi %bitcast3A_702, %shift_right_arithmetic3A_706 : vector<16xi32>
    %sub3A_708 = arith.subi %broadcast_in_dim3A_704, %shift_right_arithmetic3A_707 : vector<16xi32>
    %bitcast3A_709 = vector.bitcast %sub3A_708 : vector<16xi32> to vector<16xf32>
    %mul3A_710 = arith.constant 5.000000e-01 : f32
    %mul3A_711 = vector.broadcast %mul3A_710 : f32 to vector<16xf32>
    %mul3A_712 = arith.mulf %mul3A_711, %get3A_701 : vector<16xf32>
    %mul3A_713 = arith.mulf %mul3A_712, %bitcast3A_709 : vector<16xf32>
    %mul3A_714 = arith.mulf %mul3A_713, %bitcast3A_709 : vector<16xf32>
    %sub3A_715 = arith.constant 1.500000e+00 : f32
    %sub3A_716 = vector.broadcast %sub3A_715 : f32 to vector<16xf32>
    %sub3A_717 = arith.subf %sub3A_716, %mul3A_714 : vector<16xf32>
    %mul3A_718 = arith.mulf %bitcast3A_709, %sub3A_717 : vector<16xf32>
    %mul3A_719 = arith.constant 5.000000e-01 : f32
    %mul3A_720 = vector.broadcast %mul3A_719 : f32 to vector<16xf32>
    %mul3A_721 = arith.mulf %mul3A_720, %get3A_701 : vector<16xf32>
    %mul3A_722 = arith.mulf %mul3A_721, %mul3A_718 : vector<16xf32>
    %mul3A_723 = arith.mulf %mul3A_722, %mul3A_718 : vector<16xf32>
    %sub3A_724 = arith.constant 1.500000e+00 : f32
    %sub3A_725 = vector.broadcast %sub3A_724 : f32 to vector<16xf32>
    %sub3A_726 = arith.subf %sub3A_725, %mul3A_723 : vector<16xf32>
    %mul3A_727 = arith.mulf %mul3A_718, %sub3A_726 : vector<16xf32>
    %mul3A_728 = arith.constant 5.000000e-01 : f32
    %mul3A_729 = vector.broadcast %mul3A_728 : f32 to vector<16xf32>
    %mul3A_730 = arith.mulf %mul3A_729, %get3A_701 : vector<16xf32>
    %mul3A_731 = arith.mulf %mul3A_730, %mul3A_727 : vector<16xf32>
    %mul3A_732 = arith.mulf %mul3A_731, %mul3A_727 : vector<16xf32>
    %sub3A_733 = arith.constant 1.500000e+00 : f32
    %sub3A_734 = vector.broadcast %sub3A_733 : f32 to vector<16xf32>
    %sub3A_735 = arith.subf %sub3A_734, %mul3A_732 : vector<16xf32>
    %mul3A_736 = arith.mulf %mul3A_727, %sub3A_735 : vector<16xf32>
    %mul3A_737 = arith.mulf %get3A_699, %mul3A_736 : vector<16xf32>
    %swap3A_738 = arith.constant 128 : index
    %swap3A_739 = tpu.vector_load %arg13[%swap3A_738] {strides = array<i32>} : memref<640xf32, #tpu.memory_space<vmem>>, vector<16xf32>,
    tpu.vector_store %arg13[%swap3A_738], %mul3A_737 {strides = array<i32>} : memref<640xf32, #tpu.memory_space<vmem>>, vector<16xf32>,
    %get3A_740 = arith.constant 144 : index
    %get3A_741 = tpu.vector_load %arg13[%get3A_740] {strides = array<i32>} : memref<640xf32, #tpu.memory_space<vmem>>, vector<16xf32>,
    %get3A_742 = arith.constant 144 : index
    %get3A_743 = tpu.vector_load %arg12[%get3A_742] {strides = array<i32>} : memref<640xf32, #tpu.memory_space<vmem>>, vector<16xf32>,
    %bitcast3A_744 = vector.bitcast %get3A_743 : vector<16xf32> to vector<16xi32>
    %broadcast_in_dim3A_745 = arith.constant 1597463007 : i32
    %broadcast_in_dim3A_746 = vector.broadcast %broadcast_in_dim3A_745 : i32 to vector<16xi32>
    %shift_right_arithmetic3A_747 = arith.constant 1 : i32
    %shift_right_arithmetic3A_748 = vector.broadcast %shift_right_arithmetic3A_747 : i32 to vector<16xi32>
    %shift_right_arithmetic3A_749 = arith.shrsi %bitcast3A_744, %shift_right_arithmetic3A_748 : vector<16xi32>
    %sub3A_750 = arith.subi %broadcast_in_dim3A_746, %shift_right_arithmetic3A_749 : vector<16xi32>
    %bitcast3A_751 = vector.bitcast %sub3A_750 : vector<16xi32> to vector<16xf32>
    %mul3A_752 = arith.constant 5.000000e-01 : f32
    %mul3A_753 = vector.broadcast %mul3A_752 : f32 to vector<16xf32>
    %mul3A_754 = arith.mulf %mul3A_753, %get3A_743 : vector<16xf32>
    %mul3A_755 = arith.mulf %mul3A_754, %bitcast3A_751 : vector<16xf32>
    %mul3A_756 = arith.mulf %mul3A_755, %bitcast3A_751 : vector<16xf32>
    %sub3A_757 = arith.constant 1.500000e+00 : f32
    %sub3A_758 = vector.broadcast %sub3A_757 : f32 to vector<16xf32>
    %sub3A_759 = arith.subf %sub3A_758, %mul3A_756 : vector<16xf32>
    %mul3A_760 = arith.mulf %bitcast3A_751, %sub3A_759 : vector<16xf32>
    %mul3A_761 = arith.constant 5.000000e-01 : f32
    %mul3A_762 = vector.broadcast %mul3A_761 : f32 to vector<16xf32>
    %mul3A_763 = arith.mulf %mul3A_762, %get3A_743 : vector<16xf32>
    %mul3A_764 = arith.mulf %mul3A_763, %mul3A_760 : vector<16xf32>
    %mul3A_765 = arith.mulf %mul3A_764, %mul3A_760 : vector<16xf32>
    %sub3A_766 = arith.constant 1.500000e+00 : f32
    %sub3A_767 = vector.broadcast %sub3A_766 : f32 to vector<16xf32>
    %sub3A_768 = arith.subf %sub3A_767, %mul3A_765 : vector<16xf32>
    %mul3A_769 = arith.mulf %mul3A_760, %sub3A_768 : vector<16xf32>
    %mul3A_770 = arith.constant 5.000000e-01 : f32
    %mul3A_771 = vector.broadcast %mul3A_770 : f32 to vector<16xf32>
    %mul3A_772 = arith.mulf %mul3A_771, %get3A_743 : vector<16xf32>
    %mul3A_773 = arith.mulf %mul3A_772, %mul3A_769 : vector<16xf32>
    %mul3A_774 = arith.mulf %mul3A_773, %mul3A_769 : vector<16xf32>
    %sub3A_775 = arith.constant 1.500000e+00 : f32
    %sub3A_776 = vector.broadcast %sub3A_775 : f32 to vector<16xf32>
    %sub3A_777 = arith.subf %sub3A_776, %mul3A_774 : vector<16xf32>
    %mul3A_778 = arith.mulf %mul3A_769, %sub3A_777 : vector<16xf32>
    %mul3A_779 = arith.mulf %get3A_741, %mul3A_778 : vector<16xf32>
    %swap3A_780 = arith.constant 144 : index
    %swap3A_781 = tpu.vector_load %arg13[%swap3A_780] {strides = array<i32>} : memref<640xf32, #tpu.memory_space<vmem>>, vector<16xf32>,
    tpu.vector_store %arg13[%swap3A_780], %mul3A_779 {strides = array<i32>} : memref<640xf32, #tpu.memory_space<vmem>>, vector<16xf32>,
    %get3A_782 = arith.constant 160 : index
    %get3A_783 = tpu.vector_load %arg13[%get3A_782] {strides = array<i32>} : memref<640xf32, #tpu.memory_space<vmem>>, vector<16xf32>,
    %get3A_784 = arith.constant 160 : index
    %get3A_785 = tpu.vector_load %arg12[%get3A_784] {strides = array<i32>} : memref<640xf32, #tpu.memory_space<vmem>>, vector<16xf32>,
    %bitcast3A_786 = vector.bitcast %get3A_785 : vector<16xf32> to vector<16xi32>
    %broadcast_in_dim3A_787 = arith.constant 1597463007 : i32
    %broadcast_in_dim3A_788 = vector.broadcast %broadcast_in_dim3A_787 : i32 to vector<16xi32>
    %shift_right_arithmetic3A_789 = arith.constant 1 : i32
    %shift_right_arithmetic3A_790 = vector.broadcast %shift_right_arithmetic3A_789 : i32 to vector<16xi32>
    %shift_right_arithmetic3A_791 = arith.shrsi %bitcast3A_786, %shift_right_arithmetic3A_790 : vector<16xi32>
    %sub3A_792 = arith.subi %broadcast_in_dim3A_788, %shift_right_arithmetic3A_791 : vector<16xi32>
    %bitcast3A_793 = vector.bitcast %sub3A_792 : vector<16xi32> to vector<16xf32>
    %mul3A_794 = arith.constant 5.000000e-01 : f32
    %mul3A_795 = vector.broadcast %mul3A_794 : f32 to vector<16xf32>
    %mul3A_796 = arith.mulf %mul3A_795, %get3A_785 : vector<16xf32>
    %mul3A_797 = arith.mulf %mul3A_796, %bitcast3A_793 : vector<16xf32>
    %mul3A_798 = arith.mulf %mul3A_797, %bitcast3A_793 : vector<16xf32>
    %sub3A_799 = arith.constant 1.500000e+00 : f32
    %sub3A_800 = vector.broadcast %sub3A_799 : f32 to vector<16xf32>
    %sub3A_801 = arith.subf %sub3A_800, %mul3A_798 : vector<16xf32>
    %mul3A_802 = arith.mulf %bitcast3A_793, %sub3A_801 : vector<16xf32>
    %mul3A_803 = arith.constant 5.000000e-01 : f32
    %mul3A_804 = vector.broadcast %mul3A_803 : f32 to vector<16xf32>
    %mul3A_805 = arith.mulf %mul3A_804, %get3A_785 : vector<16xf32>
    %mul3A_806 = arith.mulf %mul3A_805, %mul3A_802 : vector<16xf32>
    %mul3A_807 = arith.mulf %mul3A_806, %mul3A_802 : vector<16xf32>
    %sub3A_808 = arith.constant 1.500000e+00 : f32
    %sub3A_809 = vector.broadcast %sub3A_808 : f32 to vector<16xf32>
    %sub3A_810 = arith.subf %sub3A_809, %mul3A_807 : vector<16xf32>
    %mul3A_811 = arith.mulf %mul3A_802, %sub3A_810 : vector<16xf32>
    %mul3A_812 = arith.constant 5.000000e-01 : f32
    %mul3A_813 = vector.broadcast %mul3A_812 : f32 to vector<16xf32>
    %mul3A_814 = arith.mulf %mul3A_813, %get3A_785 : vector<16xf32>
    %mul3A_815 = arith.mulf %mul3A_814, %mul3A_811 : vector<16xf32>
    %mul3A_816 = arith.mulf %mul3A_815, %mul3A_811 : vector<16xf32>
    %sub3A_817 = arith.constant 1.500000e+00 : f32
    %sub3A_818 = vector.broadcast %sub3A_817 : f32 to vector<16xf32>
    %sub3A_819 = arith.subf %sub3A_818, %mul3A_816 : vector<16xf32>
    %mul3A_820 = arith.mulf %mul3A_811, %sub3A_819 : vector<16xf32>
    %mul3A_821 = arith.mulf %get3A_783, %mul3A_820 : vector<16xf32>
    %swap3A_822 = arith.constant 160 : index
    %swap3A_823 = tpu.vector_load %arg13[%swap3A_822] {strides = array<i32>} : memref<640xf32, #tpu.memory_space<vmem>>, vector<16xf32>,
    tpu.vector_store %arg13[%swap3A_822], %mul3A_821 {strides = array<i32>} : memref<640xf32, #tpu.memory_space<vmem>>, vector<16xf32>,
    %get3A_824 = arith.constant 176 : index
    %get3A_825 = tpu.vector_load %arg13[%get3A_824] {strides = array<i32>} : memref<640xf32, #tpu.memory_space<vmem>>, vector<16xf32>,
    %get3A_826 = arith.constant 176 : index
    %get3A_827 = tpu.vector_load %arg12[%get3A_826] {strides = array<i32>} : memref<640xf32, #tpu.memory_space<vmem>>, vector<16xf32>,
    %bitcast3A_828 = vector.bitcast %get3A_827 : vector<16xf32> to vector<16xi32>
    %broadcast_in_dim3A_829 = arith.constant 1597463007 : i32
    %broadcast_in_dim3A_830 = vector.broadcast %broadcast_in_dim3A_829 : i32 to vector<16xi32>
    %shift_right_arithmetic3A_831 = arith.constant 1 : i32
    %shift_right_arithmetic3A_832 = vector.broadcast %shift_right_arithmetic3A_831 : i32 to vector<16xi32>
    %shift_right_arithmetic3A_833 = arith.shrsi %bitcast3A_828, %shift_right_arithmetic3A_832 : vector<16xi32>
    %sub3A_834 = arith.subi %broadcast_in_dim3A_830, %shift_right_arithmetic3A_833 : vector<16xi32>
    %bitcast3A_835 = vector.bitcast %sub3A_834 : vector<16xi32> to vector<16xf32>
    %mul3A_836 = arith.constant 5.000000e-01 : f32
    %mul3A_837 = vector.broadcast %mul3A_836 : f32 to vector<16xf32>
    %mul3A_838 = arith.mulf %mul3A_837, %get3A_827 : vector<16xf32>
    %mul3A_839 = arith.mulf %mul3A_838, %bitcast3A_835 : vector<16xf32>
    %mul3A_840 = arith.mulf %mul3A_839, %bitcast3A_835 : vector<16xf32>
    %sub3A_841 = arith.constant 1.500000e+00 : f32
    %sub3A_842 = vector.broadcast %sub3A_841 : f32 to vector<16xf32>
    %sub3A_843 = arith.subf %sub3A_842, %mul3A_840 : vector<16xf32>
    %mul3A_844 = arith.mulf %bitcast3A_835, %sub3A_843 : vector<16xf32>
    %mul3A_845 = arith.constant 5.000000e-01 : f32
    %mul3A_846 = vector.broadcast %mul3A_845 : f32 to vector<16xf32>
    %mul3A_847 = arith.mulf %mul3A_846, %get3A_827 : vector<16xf32>
    %mul3A_848 = arith.mulf %mul3A_847, %mul3A_844 : vector<16xf32>
    %mul3A_849 = arith.mulf %mul3A_848, %mul3A_844 : vector<16xf32>
    %sub3A_850 = arith.constant 1.500000e+00 : f32
    %sub3A_851 = vector.broadcast %sub3A_850 : f32 to vector<16xf32>
    %sub3A_852 = arith.subf %sub3A_851, %mul3A_849 : vector<16xf32>
    %mul3A_853 = arith.mulf %mul3A_844, %sub3A_852 : vector<16xf32>
    %mul3A_854 = arith.constant 5.000000e-01 : f32
    %mul3A_855 = vector.broadcast %mul3A_854 : f32 to vector<16xf32>
    %mul3A_856 = arith.mulf %mul3A_855, %get3A_827 : vector<16xf32>
    %mul3A_857 = arith.mulf %mul3A_856, %mul3A_853 : vector<16xf32>
    %mul3A_858 = arith.mulf %mul3A_857, %mul3A_853 : vector<16xf32>
    %sub3A_859 = arith.constant 1.500000e+00 : f32
    %sub3A_860 = vector.broadcast %sub3A_859 : f32 to vector<16xf32>
    %sub3A_861 = arith.subf %sub3A_860, %mul3A_858 : vector<16xf32>
    %mul3A_862 = arith.mulf %mul3A_853, %sub3A_861 : vector<16xf32>
    %mul3A_863 = arith.mulf %get3A_825, %mul3A_862 : vector<16xf32>
    %swap3A_864 = arith.constant 176 : index
    %swap3A_865 = tpu.vector_load %arg13[%swap3A_864] {strides = array<i32>} : memref<640xf32, #tpu.memory_space<vmem>>, vector<16xf32>,
    tpu.vector_store %arg13[%swap3A_864], %mul3A_863 {strides = array<i32>} : memref<640xf32, #tpu.memory_space<vmem>>, vector<16xf32>,
    %get3A_866 = arith.constant 192 : index
    %get3A_867 = tpu.vector_load %arg13[%get3A_866] {strides = array<i32>} : memref<640xf32, #tpu.memory_space<vmem>>, vector<16xf32>,
    %get3A_868 = arith.constant 192 : index
    %get3A_869 = tpu.vector_load %arg12[%get3A_868] {strides = array<i32>} : memref<640xf32, #tpu.memory_space<vmem>>, vector<16xf32>,
    %bitcast3A_870 = vector.bitcast %get3A_869 : vector<16xf32> to vector<16xi32>
    %broadcast_in_dim3A_871 = arith.constant 1597463007 : i32
    %broadcast_in_dim3A_872 = vector.broadcast %broadcast_in_dim3A_871 : i32 to vector<16xi32>
    %shift_right_arithmetic3A_873 = arith.constant 1 : i32
    %shift_right_arithmetic3A_874 = vector.broadcast %shift_right_arithmetic3A_873 : i32 to vector<16xi32>
    %shift_right_arithmetic3A_875 = arith.shrsi %bitcast3A_870, %shift_right_arithmetic3A_874 : vector<16xi32>
    %sub3A_876 = arith.subi %broadcast_in_dim3A_872, %shift_right_arithmetic3A_875 : vector<16xi32>
    %bitcast3A_877 = vector.bitcast %sub3A_876 : vector<16xi32> to vector<16xf32>
    %mul3A_878 = arith.constant 5.000000e-01 : f32
    %mul3A_879 = vector.broadcast %mul3A_878 : f32 to vector<16xf32>
    %mul3A_880 = arith.mulf %mul3A_879, %get3A_869 : vector<16xf32>
    %mul3A_881 = arith.mulf %mul3A_880, %bitcast3A_877 : vector<16xf32>
    %mul3A_882 = arith.mulf %mul3A_881, %bitcast3A_877 : vector<16xf32>
    %sub3A_883 = arith.constant 1.500000e+00 : f32
    %sub3A_884 = vector.broadcast %sub3A_883 : f32 to vector<16xf32>
    %sub3A_885 = arith.subf %sub3A_884, %mul3A_882 : vector<16xf32>
    %mul3A_886 = arith.mulf %bitcast3A_877, %sub3A_885 : vector<16xf32>
    %mul3A_887 = arith.constant 5.000000e-01 : f32
    %mul3A_888 = vector.broadcast %mul3A_887 : f32 to vector<16xf32>
    %mul3A_889 = arith.mulf %mul3A_888, %get3A_869 : vector<16xf32>
    %mul3A_890 = arith.mulf %mul3A_889, %mul3A_886 : vector<16xf32>
    %mul3A_891 = arith.mulf %mul3A_890, %mul3A_886 : vector<16xf32>
    %sub3A_892 = arith.constant 1.500000e+00 : f32
    %sub3A_893 = vector.broadcast %sub3A_892 : f32 to vector<16xf32>
    %sub3A_894 = arith.subf %sub3A_893, %mul3A_891 : vector<16xf32>
    %mul3A_895 = arith.mulf %mul3A_886, %sub3A_894 : vector<16xf32>
    %mul3A_896 = arith.constant 5.000000e-01 : f32
    %mul3A_897 = vector.broadcast %mul3A_896 : f32 to vector<16xf32>
    %mul3A_898 = arith.mulf %mul3A_897, %get3A_869 : vector<16xf32>
    %mul3A_899 = arith.mulf %mul3A_898, %mul3A_895 : vector<16xf32>
    %mul3A_900 = arith.mulf %mul3A_899, %mul3A_895 : vector<16xf32>
    %sub3A_901 = arith.constant 1.500000e+00 : f32
    %sub3A_902 = vector.broadcast %sub3A_901 : f32 to vector<16xf32>
    %sub3A_903 = arith.subf %sub3A_902, %mul3A_900 : vector<16xf32>
    %mul3A_904 = arith.mulf %mul3A_895, %sub3A_903 : vector<16xf32>
    %mul3A_905 = arith.mulf %get3A_867, %mul3A_904 : vector<16xf32>
    %swap3A_906 = arith.constant 192 : index
    %swap3A_907 = tpu.vector_load %arg13[%swap3A_906] {strides = array<i32>} : memref<640xf32, #tpu.memory_space<vmem>>, vector<16xf32>,
    tpu.vector_store %arg13[%swap3A_906], %mul3A_905 {strides = array<i32>} : memref<640xf32, #tpu.memory_space<vmem>>, vector<16xf32>,
    %get3A_908 = arith.constant 208 : index
    %get3A_909 = tpu.vector_load %arg13[%get3A_908] {strides = array<i32>} : memref<640xf32, #tpu.memory_space<vmem>>, vector<16xf32>,
    %get3A_910 = arith.constant 208 : index
    %get3A_911 = tpu.vector_load %arg12[%get3A_910] {strides = array<i32>} : memref<640xf32, #tpu.memory_space<vmem>>, vector<16xf32>,
    %bitcast3A_912 = vector.bitcast %get3A_911 : vector<16xf32> to vector<16xi32>
    %broadcast_in_dim3A_913 = arith.constant 1597463007 : i32
    %broadcast_in_dim3A_914 = vector.broadcast %broadcast_in_dim3A_913 : i32 to vector<16xi32>
    %shift_right_arithmetic3A_915 = arith.constant 1 : i32
    %shift_right_arithmetic3A_916 = vector.broadcast %shift_right_arithmetic3A_915 : i32 to vector<16xi32>
    %shift_right_arithmetic3A_917 = arith.shrsi %bitcast3A_912, %shift_right_arithmetic3A_916 : vector<16xi32>
    %sub3A_918 = arith.subi %broadcast_in_dim3A_914, %shift_right_arithmetic3A_917 : vector<16xi32>
    %bitcast3A_919 = vector.bitcast %sub3A_918 : vector<16xi32> to vector<16xf32>
    %mul3A_920 = arith.constant 5.000000e-01 : f32
    %mul3A_921 = vector.broadcast %mul3A_920 : f32 to vector<16xf32>
    %mul3A_922 = arith.mulf %mul3A_921, %get3A_911 : vector<16xf32>
    %mul3A_923 = arith.mulf %mul3A_922, %bitcast3A_919 : vector<16xf32>
    %mul3A_924 = arith.mulf %mul3A_923, %bitcast3A_919 : vector<16xf32>
    %sub3A_925 = arith.constant 1.500000e+00 : f32
    %sub3A_926 = vector.broadcast %sub3A_925 : f32 to vector<16xf32>
    %sub3A_927 = arith.subf %sub3A_926, %mul3A_924 : vector<16xf32>
    %mul3A_928 = arith.mulf %bitcast3A_919, %sub3A_927 : vector<16xf32>
    %mul3A_929 = arith.constant 5.000000e-01 : f32
    %mul3A_930 = vector.broadcast %mul3A_929 : f32 to vector<16xf32>
    %mul3A_931 = arith.mulf %mul3A_930, %get3A_911 : vector<16xf32>
    %mul3A_932 = arith.mulf %mul3A_931, %mul3A_928 : vector<16xf32>
    %mul3A_933 = arith.mulf %mul3A_932, %mul3A_928 : vector<16xf32>
    %sub3A_934 = arith.constant 1.500000e+00 : f32
    %sub3A_935 = vector.broadcast %sub3A_934 : f32 to vector<16xf32>
    %sub3A_936 = arith.subf %sub3A_935, %mul3A_933 : vector<16xf32>
    %mul3A_937 = arith.mulf %mul3A_928, %sub3A_936 : vector<16xf32>
    %mul3A_938 = arith.constant 5.000000e-01 : f32
    %mul3A_939 = vector.broadcast %mul3A_938 : f32 to vector<16xf32>
    %mul3A_940 = arith.mulf %mul3A_939, %get3A_911 : vector<16xf32>
    %mul3A_941 = arith.mulf %mul3A_940, %mul3A_937 : vector<16xf32>
    %mul3A_942 = arith.mulf %mul3A_941, %mul3A_937 : vector<16xf32>
    %sub3A_943 = arith.constant 1.500000e+00 : f32
    %sub3A_944 = vector.broadcast %sub3A_943 : f32 to vector<16xf32>
    %sub3A_945 = arith.subf %sub3A_944, %mul3A_942 : vector<16xf32>
    %mul3A_946 = arith.mulf %mul3A_937, %sub3A_945 : vector<16xf32>
    %mul3A_947 = arith.mulf %get3A_909, %mul3A_946 : vector<16xf32>
    %swap3A_948 = arith.constant 208 : index
    %swap3A_949 = tpu.vector_load %arg13[%swap3A_948] {strides = array<i32>} : memref<640xf32, #tpu.memory_space<vmem>>, vector<16xf32>,
    tpu.vector_store %arg13[%swap3A_948], %mul3A_947 {strides = array<i32>} : memref<640xf32, #tpu.memory_space<vmem>>, vector<16xf32>,
    %get3A_950 = arith.constant 224 : index
    %get3A_951 = tpu.vector_load %arg13[%get3A_950] {strides = array<i32>} : memref<640xf32, #tpu.memory_space<vmem>>, vector<16xf32>,
    %get3A_952 = arith.constant 224 : index
    %get3A_953 = tpu.vector_load %arg12[%get3A_952] {strides = array<i32>} : memref<640xf32, #tpu.memory_space<vmem>>, vector<16xf32>,
    %bitcast3A_954 = vector.bitcast %get3A_953 : vector<16xf32> to vector<16xi32>
    %broadcast_in_dim3A_955 = arith.constant 1597463007 : i32
    %broadcast_in_dim3A_956 = vector.broadcast %broadcast_in_dim3A_955 : i32 to vector<16xi32>
    %shift_right_arithmetic3A_957 = arith.constant 1 : i32
    %shift_right_arithmetic3A_958 = vector.broadcast %shift_right_arithmetic3A_957 : i32 to vector<16xi32>
    %shift_right_arithmetic3A_959 = arith.shrsi %bitcast3A_954, %shift_right_arithmetic3A_958 : vector<16xi32>
    %sub3A_960 = arith.subi %broadcast_in_dim3A_956, %shift_right_arithmetic3A_959 : vector<16xi32>
    %bitcast3A_961 = vector.bitcast %sub3A_960 : vector<16xi32> to vector<16xf32>
    %mul3A_962 = arith.constant 5.000000e-01 : f32
    %mul3A_963 = vector.broadcast %mul3A_962 : f32 to vector<16xf32>
    %mul3A_964 = arith.mulf %mul3A_963, %get3A_953 : vector<16xf32>
    %mul3A_965 = arith.mulf %mul3A_964, %bitcast3A_961 : vector<16xf32>
    %mul3A_966 = arith.mulf %mul3A_965, %bitcast3A_961 : vector<16xf32>
    %sub3A_967 = arith.constant 1.500000e+00 : f32
    %sub3A_968 = vector.broadcast %sub3A_967 : f32 to vector<16xf32>
    %sub3A_969 = arith.subf %sub3A_968, %mul3A_966 : vector<16xf32>
    %mul3A_970 = arith.mulf %bitcast3A_961, %sub3A_969 : vector<16xf32>
    %mul3A_971 = arith.constant 5.000000e-01 : f32
    %mul3A_972 = vector.broadcast %mul3A_971 : f32 to vector<16xf32>
    %mul3A_973 = arith.mulf %mul3A_972, %get3A_953 : vector<16xf32>
    %mul3A_974 = arith.mulf %mul3A_973, %mul3A_970 : vector<16xf32>
    %mul3A_975 = arith.mulf %mul3A_974, %mul3A_970 : vector<16xf32>
    %sub3A_976 = arith.constant 1.500000e+00 : f32
    %sub3A_977 = vector.broadcast %sub3A_976 : f32 to vector<16xf32>
    %sub3A_978 = arith.subf %sub3A_977, %mul3A_975 : vector<16xf32>
    %mul3A_979 = arith.mulf %mul3A_970, %sub3A_978 : vector<16xf32>
    %mul3A_980 = arith.constant 5.000000e-01 : f32
    %mul3A_981 = vector.broadcast %mul3A_980 : f32 to vector<16xf32>
    %mul3A_982 = arith.mulf %mul3A_981, %get3A_953 : vector<16xf32>
    %mul3A_983 = arith.mulf %mul3A_982, %mul3A_979 : vector<16xf32>
    %mul3A_984 = arith.mulf %mul3A_983, %mul3A_979 : vector<16xf32>
    %sub3A_985 = arith.constant 1.500000e+00 : f32
    %sub3A_986 = vector.broadcast %sub3A_985 : f32 to vector<16xf32>
    %sub3A_987 = arith.subf %sub3A_986, %mul3A_984 : vector<16xf32>
    %mul3A_988 = arith.mulf %mul3A_979, %sub3A_987 : vector<16xf32>
    %mul3A_989 = arith.mulf %get3A_951, %mul3A_988 : vector<16xf32>
    %swap3A_990 = arith.constant 224 : index
    %swap3A_991 = tpu.vector_load %arg13[%swap3A_990] {strides = array<i32>} : memref<640xf32, #tpu.memory_space<vmem>>, vector<16xf32>,
    tpu.vector_store %arg13[%swap3A_990], %mul3A_989 {strides = array<i32>} : memref<640xf32, #tpu.memory_space<vmem>>, vector<16xf32>,
    %get3A_992 = arith.constant 240 : index
    %get3A_993 = tpu.vector_load %arg13[%get3A_992] {strides = array<i32>} : memref<640xf32, #tpu.memory_space<vmem>>, vector<16xf32>,
    %get3A_994 = arith.constant 240 : index
    %get3A_995 = tpu.vector_load %arg12[%get3A_994] {strides = array<i32>} : memref<640xf32, #tpu.memory_space<vmem>>, vector<16xf32>,
    %bitcast3A_996 = vector.bitcast %get3A_995 : vector<16xf32> to vector<16xi32>
    %broadcast_in_dim3A_997 = arith.constant 1597463007 : i32
    %broadcast_in_dim3A_998 = vector.broadcast %broadcast_in_dim3A_997 : i32 to vector<16xi32>
    %shift_right_arithmetic3A_999 = arith.constant 1 : i32
    %shift_right_arithmetic3A_1000 = vector.broadcast %shift_right_arithmetic3A_999 : i32 to vector<16xi32>
    %shift_right_arithmetic3A_1001 = arith.shrsi %bitcast3A_996, %shift_right_arithmetic3A_1000 : vector<16xi32>
    %sub3A_1002 = arith.subi %broadcast_in_dim3A_998, %shift_right_arithmetic3A_1001 : vector<16xi32>
    %bitcast3A_1003 = vector.bitcast %sub3A_1002 : vector<16xi32> to vector<16xf32>
    %mul3A_1004 = arith.constant 5.000000e-01 : f32
    %mul3A_1005 = vector.broadcast %mul3A_1004 : f32 to vector<16xf32>
    %mul3A_1006 = arith.mulf %mul3A_1005, %get3A_995 : vector<16xf32>
    %mul3A_1007 = arith.mulf %mul3A_1006, %bitcast3A_1003 : vector<16xf32>
    %mul3A_1008 = arith.mulf %mul3A_1007, %bitcast3A_1003 : vector<16xf32>
    %sub3A_1009 = arith.constant 1.500000e+00 : f32
    %sub3A_1010 = vector.broadcast %sub3A_1009 : f32 to vector<16xf32>
    %sub3A_1011 = arith.subf %sub3A_1010, %mul3A_1008 : vector<16xf32>
    %mul3A_1012 = arith.mulf %bitcast3A_1003, %sub3A_1011 : vector<16xf32>
    %mul3A_1013 = arith.constant 5.000000e-01 : f32
    %mul3A_1014 = vector.broadcast %mul3A_1013 : f32 to vector<16xf32>
    %mul3A_1015 = arith.mulf %mul3A_1014, %get3A_995 : vector<16xf32>
    %mul3A_1016 = arith.mulf %mul3A_1015, %mul3A_1012 : vector<16xf32>
    %mul3A_1017 = arith.mulf %mul3A_1016, %mul3A_1012 : vector<16xf32>
    %sub3A_1018 = arith.constant 1.500000e+00 : f32
    %sub3A_1019 = vector.broadcast %sub3A_1018 : f32 to vector<16xf32>
    %sub3A_1020 = arith.subf %sub3A_1019, %mul3A_1017 : vector<16xf32>
    %mul3A_1021 = arith.mulf %mul3A_1012, %sub3A_1020 : vector<16xf32>
    %mul3A_1022 = arith.constant 5.000000e-01 : f32
    %mul3A_1023 = vector.broadcast %mul3A_1022 : f32 to vector<16xf32>
    %mul3A_1024 = arith.mulf %mul3A_1023, %get3A_995 : vector<16xf32>
    %mul3A_1025 = arith.mulf %mul3A_1024, %mul3A_1021 : vector<16xf32>
    %mul3A_1026 = arith.mulf %mul3A_1025, %mul3A_1021 : vector<16xf32>
    %sub3A_1027 = arith.constant 1.500000e+00 : f32
    %sub3A_1028 = vector.broadcast %sub3A_1027 : f32 to vector<16xf32>
    %sub3A_1029 = arith.subf %sub3A_1028, %mul3A_1026 : vector<16xf32>
    %mul3A_1030 = arith.mulf %mul3A_1021, %sub3A_1029 : vector<16xf32>
    %mul3A_1031 = arith.mulf %get3A_993, %mul3A_1030 : vector<16xf32>
    %swap3A_1032 = arith.constant 240 : index
    %swap3A_1033 = tpu.vector_load %arg13[%swap3A_1032] {strides = array<i32>} : memref<640xf32, #tpu.memory_space<vmem>>, vector<16xf32>,
    tpu.vector_store %arg13[%swap3A_1032], %mul3A_1031 {strides = array<i32>} : memref<640xf32, #tpu.memory_space<vmem>>, vector<16xf32>,
    %get3A_1034 = arith.constant 256 : index
    %get3A_1035 = tpu.vector_load %arg13[%get3A_1034] {strides = array<i32>} : memref<640xf32, #tpu.memory_space<vmem>>, vector<16xf32>,
    %get3A_1036 = arith.constant 256 : index
    %get3A_1037 = tpu.vector_load %arg12[%get3A_1036] {strides = array<i32>} : memref<640xf32, #tpu.memory_space<vmem>>, vector<16xf32>,
    %bitcast3A_1038 = vector.bitcast %get3A_1037 : vector<16xf32> to vector<16xi32>
    %broadcast_in_dim3A_1039 = arith.constant 1597463007 : i32
    %broadcast_in_dim3A_1040 = vector.broadcast %broadcast_in_dim3A_1039 : i32 to vector<16xi32>
    %shift_right_arithmetic3A_1041 = arith.constant 1 : i32
    %shift_right_arithmetic3A_1042 = vector.broadcast %shift_right_arithmetic3A_1041 : i32 to vector<16xi32>
    %shift_right_arithmetic3A_1043 = arith.shrsi %bitcast3A_1038, %shift_right_arithmetic3A_1042 : vector<16xi32>
    %sub3A_1044 = arith.subi %broadcast_in_dim3A_1040, %shift_right_arithmetic3A_1043 : vector<16xi32>
    %bitcast3A_1045 = vector.bitcast %sub3A_1044 : vector<16xi32> to vector<16xf32>
    %mul3A_1046 = arith.constant 5.000000e-01 : f32
    %mul3A_1047 = vector.broadcast %mul3A_1046 : f32 to vector<16xf32>
    %mul3A_1048 = arith.mulf %mul3A_1047, %get3A_1037 : vector<16xf32>
    %mul3A_1049 = arith.mulf %mul3A_1048, %bitcast3A_1045 : vector<16xf32>
    %mul3A_1050 = arith.mulf %mul3A_1049, %bitcast3A_1045 : vector<16xf32>
    %sub3A_1051 = arith.constant 1.500000e+00 : f32
    %sub3A_1052 = vector.broadcast %sub3A_1051 : f32 to vector<16xf32>
    %sub3A_1053 = arith.subf %sub3A_1052, %mul3A_1050 : vector<16xf32>
    %mul3A_1054 = arith.mulf %bitcast3A_1045, %sub3A_1053 : vector<16xf32>
    %mul3A_1055 = arith.constant 5.000000e-01 : f32
    %mul3A_1056 = vector.broadcast %mul3A_1055 : f32 to vector<16xf32>
    %mul3A_1057 = arith.mulf %mul3A_1056, %get3A_1037 : vector<16xf32>
    %mul3A_1058 = arith.mulf %mul3A_1057, %mul3A_1054 : vector<16xf32>
    %mul3A_1059 = arith.mulf %mul3A_1058, %mul3A_1054 : vector<16xf32>
    %sub3A_1060 = arith.constant 1.500000e+00 : f32
    %sub3A_1061 = vector.broadcast %sub3A_1060 : f32 to vector<16xf32>
    %sub3A_1062 = arith.subf %sub3A_1061, %mul3A_1059 : vector<16xf32>
    %mul3A_1063 = arith.mulf %mul3A_1054, %sub3A_1062 : vector<16xf32>
    %mul3A_1064 = arith.constant 5.000000e-01 : f32
    %mul3A_1065 = vector.broadcast %mul3A_1064 : f32 to vector<16xf32>
    %mul3A_1066 = arith.mulf %mul3A_1065, %get3A_1037 : vector<16xf32>
    %mul3A_1067 = arith.mulf %mul3A_1066, %mul3A_1063 : vector<16xf32>
    %mul3A_1068 = arith.mulf %mul3A_1067, %mul3A_1063 : vector<16xf32>
    %sub3A_1069 = arith.constant 1.500000e+00 : f32
    %sub3A_1070 = vector.broadcast %sub3A_1069 : f32 to vector<16xf32>
    %sub3A_1071 = arith.subf %sub3A_1070, %mul3A_1068 : vector<16xf32>
    %mul3A_1072 = arith.mulf %mul3A_1063, %sub3A_1071 : vector<16xf32>
    %mul3A_1073 = arith.mulf %get3A_1035, %mul3A_1072 : vector<16xf32>
    %swap3A_1074 = arith.constant 256 : index
    %swap3A_1075 = tpu.vector_load %arg13[%swap3A_1074] {strides = array<i32>} : memref<640xf32, #tpu.memory_space<vmem>>, vector<16xf32>,
    tpu.vector_store %arg13[%swap3A_1074], %mul3A_1073 {strides = array<i32>} : memref<640xf32, #tpu.memory_space<vmem>>, vector<16xf32>,
    %get3A_1076 = arith.constant 272 : index
    %get3A_1077 = tpu.vector_load %arg13[%get3A_1076] {strides = array<i32>} : memref<640xf32, #tpu.memory_space<vmem>>, vector<16xf32>,
    %get3A_1078 = arith.constant 272 : index
    %get3A_1079 = tpu.vector_load %arg12[%get3A_1078] {strides = array<i32>} : memref<640xf32, #tpu.memory_space<vmem>>, vector<16xf32>,
    %bitcast3A_1080 = vector.bitcast %get3A_1079 : vector<16xf32> to vector<16xi32>
    %broadcast_in_dim3A_1081 = arith.constant 1597463007 : i32
    %broadcast_in_dim3A_1082 = vector.broadcast %broadcast_in_dim3A_1081 : i32 to vector<16xi32>
    %shift_right_arithmetic3A_1083 = arith.constant 1 : i32
    %shift_right_arithmetic3A_1084 = vector.broadcast %shift_right_arithmetic3A_1083 : i32 to vector<16xi32>
    %shift_right_arithmetic3A_1085 = arith.shrsi %bitcast3A_1080, %shift_right_arithmetic3A_1084 : vector<16xi32>
    %sub3A_1086 = arith.subi %broadcast_in_dim3A_1082, %shift_right_arithmetic3A_1085 : vector<16xi32>
    %bitcast3A_1087 = vector.bitcast %sub3A_1086 : vector<16xi32> to vector<16xf32>
    %mul3A_1088 = arith.constant 5.000000e-01 : f32
    %mul3A_1089 = vector.broadcast %mul3A_1088 : f32 to vector<16xf32>
    %mul3A_1090 = arith.mulf %mul3A_1089, %get3A_1079 : vector<16xf32>
    %mul3A_1091 = arith.mulf %mul3A_1090, %bitcast3A_1087 : vector<16xf32>
    %mul3A_1092 = arith.mulf %mul3A_1091, %bitcast3A_1087 : vector<16xf32>
    %sub3A_1093 = arith.constant 1.500000e+00 : f32
    %sub3A_1094 = vector.broadcast %sub3A_1093 : f32 to vector<16xf32>
    %sub3A_1095 = arith.subf %sub3A_1094, %mul3A_1092 : vector<16xf32>
    %mul3A_1096 = arith.mulf %bitcast3A_1087, %sub3A_1095 : vector<16xf32>
    %mul3A_1097 = arith.constant 5.000000e-01 : f32
    %mul3A_1098 = vector.broadcast %mul3A_1097 : f32 to vector<16xf32>
    %mul3A_1099 = arith.mulf %mul3A_1098, %get3A_1079 : vector<16xf32>
    %mul3A_1100 = arith.mulf %mul3A_1099, %mul3A_1096 : vector<16xf32>
    %mul3A_1101 = arith.mulf %mul3A_1100, %mul3A_1096 : vector<16xf32>
    %sub3A_1102 = arith.constant 1.500000e+00 : f32
    %sub3A_1103 = vector.broadcast %sub3A_1102 : f32 to vector<16xf32>
    %sub3A_1104 = arith.subf %sub3A_1103, %mul3A_1101 : vector<16xf32>
    %mul3A_1105 = arith.mulf %mul3A_1096, %sub3A_1104 : vector<16xf32>
    %mul3A_1106 = arith.constant 5.000000e-01 : f32
    %mul3A_1107 = vector.broadcast %mul3A_1106 : f32 to vector<16xf32>
    %mul3A_1108 = arith.mulf %mul3A_1107, %get3A_1079 : vector<16xf32>
    %mul3A_1109 = arith.mulf %mul3A_1108, %mul3A_1105 : vector<16xf32>
    %mul3A_1110 = arith.mulf %mul3A_1109, %mul3A_1105 : vector<16xf32>
    %sub3A_1111 = arith.constant 1.500000e+00 : f32
    %sub3A_1112 = vector.broadcast %sub3A_1111 : f32 to vector<16xf32>
    %sub3A_1113 = arith.subf %sub3A_1112, %mul3A_1110 : vector<16xf32>
    %mul3A_1114 = arith.mulf %mul3A_1105, %sub3A_1113 : vector<16xf32>
    %mul3A_1115 = arith.mulf %get3A_1077, %mul3A_1114 : vector<16xf32>
    %swap3A_1116 = arith.constant 272 : index
    %swap3A_1117 = tpu.vector_load %arg13[%swap3A_1116] {strides = array<i32>} : memref<640xf32, #tpu.memory_space<vmem>>, vector<16xf32>,
    tpu.vector_store %arg13[%swap3A_1116], %mul3A_1115 {strides = array<i32>} : memref<640xf32, #tpu.memory_space<vmem>>, vector<16xf32>,
    %get3A_1118 = arith.constant 288 : index
    %get3A_1119 = tpu.vector_load %arg13[%get3A_1118] {strides = array<i32>} : memref<640xf32, #tpu.memory_space<vmem>>, vector<16xf32>,
    %get3A_1120 = arith.constant 288 : index
    %get3A_1121 = tpu.vector_load %arg12[%get3A_1120] {strides = array<i32>} : memref<640xf32, #tpu.memory_space<vmem>>, vector<16xf32>,
    %bitcast3A_1122 = vector.bitcast %get3A_1121 : vector<16xf32> to vector<16xi32>
    %broadcast_in_dim3A_1123 = arith.constant 1597463007 : i32
    %broadcast_in_dim3A_1124 = vector.broadcast %broadcast_in_dim3A_1123 : i32 to vector<16xi32>
    %shift_right_arithmetic3A_1125 = arith.constant 1 : i32
    %shift_right_arithmetic3A_1126 = vector.broadcast %shift_right_arithmetic3A_1125 : i32 to vector<16xi32>
    %shift_right_arithmetic3A_1127 = arith.shrsi %bitcast3A_1122, %shift_right_arithmetic3A_1126 : vector<16xi32>
    %sub3A_1128 = arith.subi %broadcast_in_dim3A_1124, %shift_right_arithmetic3A_1127 : vector<16xi32>
    %bitcast3A_1129 = vector.bitcast %sub3A_1128 : vector<16xi32> to vector<16xf32>
    %mul3A_1130 = arith.constant 5.000000e-01 : f32
    %mul3A_1131 = vector.broadcast %mul3A_1130 : f32 to vector<16xf32>
    %mul3A_1132 = arith.mulf %mul3A_1131, %get3A_1121 : vector<16xf32>
    %mul3A_1133 = arith.mulf %mul3A_1132, %bitcast3A_1129 : vector<16xf32>
    %mul3A_1134 = arith.mulf %mul3A_1133, %bitcast3A_1129 : vector<16xf32>
    %sub3A_1135 = arith.constant 1.500000e+00 : f32
    %sub3A_1136 = vector.broadcast %sub3A_1135 : f32 to vector<16xf32>
    %sub3A_1137 = arith.subf %sub3A_1136, %mul3A_1134 : vector<16xf32>
    %mul3A_1138 = arith.mulf %bitcast3A_1129, %sub3A_1137 : vector<16xf32>
    %mul3A_1139 = arith.constant 5.000000e-01 : f32
    %mul3A_1140 = vector.broadcast %mul3A_1139 : f32 to vector<16xf32>
    %mul3A_1141 = arith.mulf %mul3A_1140, %get3A_1121 : vector<16xf32>
    %mul3A_1142 = arith.mulf %mul3A_1141, %mul3A_1138 : vector<16xf32>
    %mul3A_1143 = arith.mulf %mul3A_1142, %mul3A_1138 : vector<16xf32>
    %sub3A_1144 = arith.constant 1.500000e+00 : f32
    %sub3A_1145 = vector.broadcast %sub3A_1144 : f32 to vector<16xf32>
    %sub3A_1146 = arith.subf %sub3A_1145, %mul3A_1143 : vector<16xf32>
    %mul3A_1147 = arith.mulf %mul3A_1138, %sub3A_1146 : vector<16xf32>
    %mul3A_1148 = arith.constant 5.000000e-01 : f32
    %mul3A_1149 = vector.broadcast %mul3A_1148 : f32 to vector<16xf32>
    %mul3A_1150 = arith.mulf %mul3A_1149, %get3A_1121 : vector<16xf32>
    %mul3A_1151 = arith.mulf %mul3A_1150, %mul3A_1147 : vector<16xf32>
    %mul3A_1152 = arith.mulf %mul3A_1151, %mul3A_1147 : vector<16xf32>
    %sub3A_1153 = arith.constant 1.500000e+00 : f32
    %sub3A_1154 = vector.broadcast %sub3A_1153 : f32 to vector<16xf32>
    %sub3A_1155 = arith.subf %sub3A_1154, %mul3A_1152 : vector<16xf32>
    %mul3A_1156 = arith.mulf %mul3A_1147, %sub3A_1155 : vector<16xf32>
    %mul3A_1157 = arith.mulf %get3A_1119, %mul3A_1156 : vector<16xf32>
    %swap3A_1158 = arith.constant 288 : index
    %swap3A_1159 = tpu.vector_load %arg13[%swap3A_1158] {strides = array<i32>} : memref<640xf32, #tpu.memory_space<vmem>>, vector<16xf32>,
    tpu.vector_store %arg13[%swap3A_1158], %mul3A_1157 {strides = array<i32>} : memref<640xf32, #tpu.memory_space<vmem>>, vector<16xf32>,
    %get3A_1160 = arith.constant 304 : index
    %get3A_1161 = tpu.vector_load %arg13[%get3A_1160] {strides = array<i32>} : memref<640xf32, #tpu.memory_space<vmem>>, vector<16xf32>,
    %get3A_1162 = arith.constant 304 : index
    %get3A_1163 = tpu.vector_load %arg12[%get3A_1162] {strides = array<i32>} : memref<640xf32, #tpu.memory_space<vmem>>, vector<16xf32>,
    %bitcast3A_1164 = vector.bitcast %get3A_1163 : vector<16xf32> to vector<16xi32>
    %broadcast_in_dim3A_1165 = arith.constant 1597463007 : i32
    %broadcast_in_dim3A_1166 = vector.broadcast %broadcast_in_dim3A_1165 : i32 to vector<16xi32>
    %shift_right_arithmetic3A_1167 = arith.constant 1 : i32
    %shift_right_arithmetic3A_1168 = vector.broadcast %shift_right_arithmetic3A_1167 : i32 to vector<16xi32>
    %shift_right_arithmetic3A_1169 = arith.shrsi %bitcast3A_1164, %shift_right_arithmetic3A_1168 : vector<16xi32>
    %sub3A_1170 = arith.subi %broadcast_in_dim3A_1166, %shift_right_arithmetic3A_1169 : vector<16xi32>
    %bitcast3A_1171 = vector.bitcast %sub3A_1170 : vector<16xi32> to vector<16xf32>
    %mul3A_1172 = arith.constant 5.000000e-01 : f32
    %mul3A_1173 = vector.broadcast %mul3A_1172 : f32 to vector<16xf32>
    %mul3A_1174 = arith.mulf %mul3A_1173, %get3A_1163 : vector<16xf32>
    %mul3A_1175 = arith.mulf %mul3A_1174, %bitcast3A_1171 : vector<16xf32>
    %mul3A_1176 = arith.mulf %mul3A_1175, %bitcast3A_1171 : vector<16xf32>
    %sub3A_1177 = arith.constant 1.500000e+00 : f32
    %sub3A_1178 = vector.broadcast %sub3A_1177 : f32 to vector<16xf32>
    %sub3A_1179 = arith.subf %sub3A_1178, %mul3A_1176 : vector<16xf32>
    %mul3A_1180 = arith.mulf %bitcast3A_1171, %sub3A_1179 : vector<16xf32>
    %mul3A_1181 = arith.constant 5.000000e-01 : f32
    %mul3A_1182 = vector.broadcast %mul3A_1181 : f32 to vector<16xf32>
    %mul3A_1183 = arith.mulf %mul3A_1182, %get3A_1163 : vector<16xf32>
    %mul3A_1184 = arith.mulf %mul3A_1183, %mul3A_1180 : vector<16xf32>
    %mul3A_1185 = arith.mulf %mul3A_1184, %mul3A_1180 : vector<16xf32>
    %sub3A_1186 = arith.constant 1.500000e+00 : f32
    %sub3A_1187 = vector.broadcast %sub3A_1186 : f32 to vector<16xf32>
    %sub3A_1188 = arith.subf %sub3A_1187, %mul3A_1185 : vector<16xf32>
    %mul3A_1189 = arith.mulf %mul3A_1180, %sub3A_1188 : vector<16xf32>
    %mul3A_1190 = arith.constant 5.000000e-01 : f32
    %mul3A_1191 = vector.broadcast %mul3A_1190 : f32 to vector<16xf32>
    %mul3A_1192 = arith.mulf %mul3A_1191, %get3A_1163 : vector<16xf32>
    %mul3A_1193 = arith.mulf %mul3A_1192, %mul3A_1189 : vector<16xf32>
    %mul3A_1194 = arith.mulf %mul3A_1193, %mul3A_1189 : vector<16xf32>
    %sub3A_1195 = arith.constant 1.500000e+00 : f32
    %sub3A_1196 = vector.broadcast %sub3A_1195 : f32 to vector<16xf32>
    %sub3A_1197 = arith.subf %sub3A_1196, %mul3A_1194 : vector<16xf32>
    %mul3A_1198 = arith.mulf %mul3A_1189, %sub3A_1197 : vector<16xf32>
    %mul3A_1199 = arith.mulf %get3A_1161, %mul3A_1198 : vector<16xf32>
    %swap3A_1200 = arith.constant 304 : index
    %swap3A_1201 = tpu.vector_load %arg13[%swap3A_1200] {strides = array<i32>} : memref<640xf32, #tpu.memory_space<vmem>>, vector<16xf32>,
    tpu.vector_store %arg13[%swap3A_1200], %mul3A_1199 {strides = array<i32>} : memref<640xf32, #tpu.memory_space<vmem>>, vector<16xf32>,
    %get3A_1202 = arith.constant 320 : index
    %get3A_1203 = tpu.vector_load %arg13[%get3A_1202] {strides = array<i32>} : memref<640xf32, #tpu.memory_space<vmem>>, vector<16xf32>,
    %get3A_1204 = arith.constant 320 : index
    %get3A_1205 = tpu.vector_load %arg12[%get3A_1204] {strides = array<i32>} : memref<640xf32, #tpu.memory_space<vmem>>, vector<16xf32>,
    %bitcast3A_1206 = vector.bitcast %get3A_1205 : vector<16xf32> to vector<16xi32>
    %broadcast_in_dim3A_1207 = arith.constant 1597463007 : i32
    %broadcast_in_dim3A_1208 = vector.broadcast %broadcast_in_dim3A_1207 : i32 to vector<16xi32>
    %shift_right_arithmetic3A_1209 = arith.constant 1 : i32
    %shift_right_arithmetic3A_1210 = vector.broadcast %shift_right_arithmetic3A_1209 : i32 to vector<16xi32>
    %shift_right_arithmetic3A_1211 = arith.shrsi %bitcast3A_1206, %shift_right_arithmetic3A_1210 : vector<16xi32>
    %sub3A_1212 = arith.subi %broadcast_in_dim3A_1208, %shift_right_arithmetic3A_1211 : vector<16xi32>
    %bitcast3A_1213 = vector.bitcast %sub3A_1212 : vector<16xi32> to vector<16xf32>
    %mul3A_1214 = arith.constant 5.000000e-01 : f32
    %mul3A_1215 = vector.broadcast %mul3A_1214 : f32 to vector<16xf32>
    %mul3A_1216 = arith.mulf %mul3A_1215, %get3A_1205 : vector<16xf32>
    %mul3A_1217 = arith.mulf %mul3A_1216, %bitcast3A_1213 : vector<16xf32>
    %mul3A_1218 = arith.mulf %mul3A_1217, %bitcast3A_1213 : vector<16xf32>
    %sub3A_1219 = arith.constant 1.500000e+00 : f32
    %sub3A_1220 = vector.broadcast %sub3A_1219 : f32 to vector<16xf32>
    %sub3A_1221 = arith.subf %sub3A_1220, %mul3A_1218 : vector<16xf32>
    %mul3A_1222 = arith.mulf %bitcast3A_1213, %sub3A_1221 : vector<16xf32>
    %mul3A_1223 = arith.constant 5.000000e-01 : f32
    %mul3A_1224 = vector.broadcast %mul3A_1223 : f32 to vector<16xf32>
    %mul3A_1225 = arith.mulf %mul3A_1224, %get3A_1205 : vector<16xf32>
    %mul3A_1226 = arith.mulf %mul3A_1225, %mul3A_1222 : vector<16xf32>
    %mul3A_1227 = arith.mulf %mul3A_1226, %mul3A_1222 : vector<16xf32>
    %sub3A_1228 = arith.constant 1.500000e+00 : f32
    %sub3A_1229 = vector.broadcast %sub3A_1228 : f32 to vector<16xf32>
    %sub3A_1230 = arith.subf %sub3A_1229, %mul3A_1227 : vector<16xf32>
    %mul3A_1231 = arith.mulf %mul3A_1222, %sub3A_1230 : vector<16xf32>
    %mul3A_1232 = arith.constant 5.000000e-01 : f32
    %mul3A_1233 = vector.broadcast %mul3A_1232 : f32 to vector<16xf32>
    %mul3A_1234 = arith.mulf %mul3A_1233, %get3A_1205 : vector<16xf32>
    %mul3A_1235 = arith.mulf %mul3A_1234, %mul3A_1231 : vector<16xf32>
    %mul3A_1236 = arith.mulf %mul3A_1235, %mul3A_1231 : vector<16xf32>
    %sub3A_1237 = arith.constant 1.500000e+00 : f32
    %sub3A_1238 = vector.broadcast %sub3A_1237 : f32 to vector<16xf32>
    %sub3A_1239 = arith.subf %sub3A_1238, %mul3A_1236 : vector<16xf32>
    %mul3A_1240 = arith.mulf %mul3A_1231, %sub3A_1239 : vector<16xf32>
    %mul3A_1241 = arith.mulf %get3A_1203, %mul3A_1240 : vector<16xf32>
    %swap3A_1242 = arith.constant 320 : index
    %swap3A_1243 = tpu.vector_load %arg13[%swap3A_1242] {strides = array<i32>} : memref<640xf32, #tpu.memory_space<vmem>>, vector<16xf32>,
    tpu.vector_store %arg13[%swap3A_1242], %mul3A_1241 {strides = array<i32>} : memref<640xf32, #tpu.memory_space<vmem>>, vector<16xf32>,
    %get3A_1244 = arith.constant 336 : index
    %get3A_1245 = tpu.vector_load %arg13[%get3A_1244] {strides = array<i32>} : memref<640xf32, #tpu.memory_space<vmem>>, vector<16xf32>,
    %get3A_1246 = arith.constant 336 : index
    %get3A_1247 = tpu.vector_load %arg12[%get3A_1246] {strides = array<i32>} : memref<640xf32, #tpu.memory_space<vmem>>, vector<16xf32>,
    %bitcast3A_1248 = vector.bitcast %get3A_1247 : vector<16xf32> to vector<16xi32>
    %broadcast_in_dim3A_1249 = arith.constant 1597463007 : i32
    %broadcast_in_dim3A_1250 = vector.broadcast %broadcast_in_dim3A_1249 : i32 to vector<16xi32>
    %shift_right_arithmetic3A_1251 = arith.constant 1 : i32
    %shift_right_arithmetic3A_1252 = vector.broadcast %shift_right_arithmetic3A_1251 : i32 to vector<16xi32>
    %shift_right_arithmetic3A_1253 = arith.shrsi %bitcast3A_1248, %shift_right_arithmetic3A_1252 : vector<16xi32>
    %sub3A_1254 = arith.subi %broadcast_in_dim3A_1250, %shift_right_arithmetic3A_1253 : vector<16xi32>
    %bitcast3A_1255 = vector.bitcast %sub3A_1254 : vector<16xi32> to vector<16xf32>
    %mul3A_1256 = arith.constant 5.000000e-01 : f32
    %mul3A_1257 = vector.broadcast %mul3A_1256 : f32 to vector<16xf32>
    %mul3A_1258 = arith.mulf %mul3A_1257, %get3A_1247 : vector<16xf32>
    %mul3A_1259 = arith.mulf %mul3A_1258, %bitcast3A_1255 : vector<16xf32>
    %mul3A_1260 = arith.mulf %mul3A_1259, %bitcast3A_1255 : vector<16xf32>
    %sub3A_1261 = arith.constant 1.500000e+00 : f32
    %sub3A_1262 = vector.broadcast %sub3A_1261 : f32 to vector<16xf32>
    %sub3A_1263 = arith.subf %sub3A_1262, %mul3A_1260 : vector<16xf32>
    %mul3A_1264 = arith.mulf %bitcast3A_1255, %sub3A_1263 : vector<16xf32>
    %mul3A_1265 = arith.constant 5.000000e-01 : f32
    %mul3A_1266 = vector.broadcast %mul3A_1265 : f32 to vector<16xf32>
    %mul3A_1267 = arith.mulf %mul3A_1266, %get3A_1247 : vector<16xf32>
    %mul3A_1268 = arith.mulf %mul3A_1267, %mul3A_1264 : vector<16xf32>
    %mul3A_1269 = arith.mulf %mul3A_1268, %mul3A_1264 : vector<16xf32>
    %sub3A_1270 = arith.constant 1.500000e+00 : f32
    %sub3A_1271 = vector.broadcast %sub3A_1270 : f32 to vector<16xf32>
    %sub3A_1272 = arith.subf %sub3A_1271, %mul3A_1269 : vector<16xf32>
    %mul3A_1273 = arith.mulf %mul3A_1264, %sub3A_1272 : vector<16xf32>
    %mul3A_1274 = arith.constant 5.000000e-01 : f32
    %mul3A_1275 = vector.broadcast %mul3A_1274 : f32 to vector<16xf32>
    %mul3A_1276 = arith.mulf %mul3A_1275, %get3A_1247 : vector<16xf32>
    %mul3A_1277 = arith.mulf %mul3A_1276, %mul3A_1273 : vector<16xf32>
    %mul3A_1278 = arith.mulf %mul3A_1277, %mul3A_1273 : vector<16xf32>
    %sub3A_1279 = arith.constant 1.500000e+00 : f32
    %sub3A_1280 = vector.broadcast %sub3A_1279 : f32 to vector<16xf32>
    %sub3A_1281 = arith.subf %sub3A_1280, %mul3A_1278 : vector<16xf32>
    %mul3A_1282 = arith.mulf %mul3A_1273, %sub3A_1281 : vector<16xf32>
    %mul3A_1283 = arith.mulf %get3A_1245, %mul3A_1282 : vector<16xf32>
    %swap3A_1284 = arith.constant 336 : index
    %swap3A_1285 = tpu.vector_load %arg13[%swap3A_1284] {strides = array<i32>} : memref<640xf32, #tpu.memory_space<vmem>>, vector<16xf32>,
    tpu.vector_store %arg13[%swap3A_1284], %mul3A_1283 {strides = array<i32>} : memref<640xf32, #tpu.memory_space<vmem>>, vector<16xf32>,
    %get3A_1286 = arith.constant 352 : index
    %get3A_1287 = tpu.vector_load %arg13[%get3A_1286] {strides = array<i32>} : memref<640xf32, #tpu.memory_space<vmem>>, vector<16xf32>,
    %get3A_1288 = arith.constant 352 : index
    %get3A_1289 = tpu.vector_load %arg12[%get3A_1288] {strides = array<i32>} : memref<640xf32, #tpu.memory_space<vmem>>, vector<16xf32>,
    %bitcast3A_1290 = vector.bitcast %get3A_1289 : vector<16xf32> to vector<16xi32>
    %broadcast_in_dim3A_1291 = arith.constant 1597463007 : i32
    %broadcast_in_dim3A_1292 = vector.broadcast %broadcast_in_dim3A_1291 : i32 to vector<16xi32>
    %shift_right_arithmetic3A_1293 = arith.constant 1 : i32
    %shift_right_arithmetic3A_1294 = vector.broadcast %shift_right_arithmetic3A_1293 : i32 to vector<16xi32>
    %shift_right_arithmetic3A_1295 = arith.shrsi %bitcast3A_1290, %shift_right_arithmetic3A_1294 : vector<16xi32>
    %sub3A_1296 = arith.subi %broadcast_in_dim3A_1292, %shift_right_arithmetic3A_1295 : vector<16xi32>
    %bitcast3A_1297 = vector.bitcast %sub3A_1296 : vector<16xi32> to vector<16xf32>
    %mul3A_1298 = arith.constant 5.000000e-01 : f32
    %mul3A_1299 = vector.broadcast %mul3A_1298 : f32 to vector<16xf32>
    %mul3A_1300 = arith.mulf %mul3A_1299, %get3A_1289 : vector<16xf32>
    %mul3A_1301 = arith.mulf %mul3A_1300, %bitcast3A_1297 : vector<16xf32>
    %mul3A_1302 = arith.mulf %mul3A_1301, %bitcast3A_1297 : vector<16xf32>
    %sub3A_1303 = arith.constant 1.500000e+00 : f32
    %sub3A_1304 = vector.broadcast %sub3A_1303 : f32 to vector<16xf32>
    %sub3A_1305 = arith.subf %sub3A_1304, %mul3A_1302 : vector<16xf32>
    %mul3A_1306 = arith.mulf %bitcast3A_1297, %sub3A_1305 : vector<16xf32>
    %mul3A_1307 = arith.constant 5.000000e-01 : f32
    %mul3A_1308 = vector.broadcast %mul3A_1307 : f32 to vector<16xf32>
    %mul3A_1309 = arith.mulf %mul3A_1308, %get3A_1289 : vector<16xf32>
    %mul3A_1310 = arith.mulf %mul3A_1309, %mul3A_1306 : vector<16xf32>
    %mul3A_1311 = arith.mulf %mul3A_1310, %mul3A_1306 : vector<16xf32>
    %sub3A_1312 = arith.constant 1.500000e+00 : f32
    %sub3A_1313 = vector.broadcast %sub3A_1312 : f32 to vector<16xf32>
    %sub3A_1314 = arith.subf %sub3A_1313, %mul3A_1311 : vector<16xf32>
    %mul3A_1315 = arith.mulf %mul3A_1306, %sub3A_1314 : vector<16xf32>
    %mul3A_1316 = arith.constant 5.000000e-01 : f32
    %mul3A_1317 = vector.broadcast %mul3A_1316 : f32 to vector<16xf32>
    %mul3A_1318 = arith.mulf %mul3A_1317, %get3A_1289 : vector<16xf32>
    %mul3A_1319 = arith.mulf %mul3A_1318, %mul3A_1315 : vector<16xf32>
    %mul3A_1320 = arith.mulf %mul3A_1319, %mul3A_1315 : vector<16xf32>
    %sub3A_1321 = arith.constant 1.500000e+00 : f32
    %sub3A_1322 = vector.broadcast %sub3A_1321 : f32 to vector<16xf32>
    %sub3A_1323 = arith.subf %sub3A_1322, %mul3A_1320 : vector<16xf32>
    %mul3A_1324 = arith.mulf %mul3A_1315, %sub3A_1323 : vector<16xf32>
    %mul3A_1325 = arith.mulf %get3A_1287, %mul3A_1324 : vector<16xf32>
    %swap3A_1326 = arith.constant 352 : index
    %swap3A_1327 = tpu.vector_load %arg13[%swap3A_1326] {strides = array<i32>} : memref<640xf32, #tpu.memory_space<vmem>>, vector<16xf32>,
    tpu.vector_store %arg13[%swap3A_1326], %mul3A_1325 {strides = array<i32>} : memref<640xf32, #tpu.memory_space<vmem>>, vector<16xf32>,
    %get3A_1328 = arith.constant 368 : index
    %get3A_1329 = tpu.vector_load %arg13[%get3A_1328] {strides = array<i32>} : memref<640xf32, #tpu.memory_space<vmem>>, vector<16xf32>,
    %get3A_1330 = arith.constant 368 : index
    %get3A_1331 = tpu.vector_load %arg12[%get3A_1330] {strides = array<i32>} : memref<640xf32, #tpu.memory_space<vmem>>, vector<16xf32>,
    %bitcast3A_1332 = vector.bitcast %get3A_1331 : vector<16xf32> to vector<16xi32>
    %broadcast_in_dim3A_1333 = arith.constant 1597463007 : i32
    %broadcast_in_dim3A_1334 = vector.broadcast %broadcast_in_dim3A_1333 : i32 to vector<16xi32>
    %shift_right_arithmetic3A_1335 = arith.constant 1 : i32
    %shift_right_arithmetic3A_1336 = vector.broadcast %shift_right_arithmetic3A_1335 : i32 to vector<16xi32>
    %shift_right_arithmetic3A_1337 = arith.shrsi %bitcast3A_1332, %shift_right_arithmetic3A_1336 : vector<16xi32>
    %sub3A_1338 = arith.subi %broadcast_in_dim3A_1334, %shift_right_arithmetic3A_1337 : vector<16xi32>
    %bitcast3A_1339 = vector.bitcast %sub3A_1338 : vector<16xi32> to vector<16xf32>
    %mul3A_1340 = arith.constant 5.000000e-01 : f32
    %mul3A_1341 = vector.broadcast %mul3A_1340 : f32 to vector<16xf32>
    %mul3A_1342 = arith.mulf %mul3A_1341, %get3A_1331 : vector<16xf32>
    %mul3A_1343 = arith.mulf %mul3A_1342, %bitcast3A_1339 : vector<16xf32>
    %mul3A_1344 = arith.mulf %mul3A_1343, %bitcast3A_1339 : vector<16xf32>
    %sub3A_1345 = arith.constant 1.500000e+00 : f32
    %sub3A_1346 = vector.broadcast %sub3A_1345 : f32 to vector<16xf32>
    %sub3A_1347 = arith.subf %sub3A_1346, %mul3A_1344 : vector<16xf32>
    %mul3A_1348 = arith.mulf %bitcast3A_1339, %sub3A_1347 : vector<16xf32>
    %mul3A_1349 = arith.constant 5.000000e-01 : f32
    %mul3A_1350 = vector.broadcast %mul3A_1349 : f32 to vector<16xf32>
    %mul3A_1351 = arith.mulf %mul3A_1350, %get3A_1331 : vector<16xf32>
    %mul3A_1352 = arith.mulf %mul3A_1351, %mul3A_1348 : vector<16xf32>
    %mul3A_1353 = arith.mulf %mul3A_1352, %mul3A_1348 : vector<16xf32>
    %sub3A_1354 = arith.constant 1.500000e+00 : f32
    %sub3A_1355 = vector.broadcast %sub3A_1354 : f32 to vector<16xf32>
    %sub3A_1356 = arith.subf %sub3A_1355, %mul3A_1353 : vector<16xf32>
    %mul3A_1357 = arith.mulf %mul3A_1348, %sub3A_1356 : vector<16xf32>
    %mul3A_1358 = arith.constant 5.000000e-01 : f32
    %mul3A_1359 = vector.broadcast %mul3A_1358 : f32 to vector<16xf32>
    %mul3A_1360 = arith.mulf %mul3A_1359, %get3A_1331 : vector<16xf32>
    %mul3A_1361 = arith.mulf %mul3A_1360, %mul3A_1357 : vector<16xf32>
    %mul3A_1362 = arith.mulf %mul3A_1361, %mul3A_1357 : vector<16xf32>
    %sub3A_1363 = arith.constant 1.500000e+00 : f32
    %sub3A_1364 = vector.broadcast %sub3A_1363 : f32 to vector<16xf32>
    %sub3A_1365 = arith.subf %sub3A_1364, %mul3A_1362 : vector<16xf32>
    %mul3A_1366 = arith.mulf %mul3A_1357, %sub3A_1365 : vector<16xf32>
    %mul3A_1367 = arith.mulf %get3A_1329, %mul3A_1366 : vector<16xf32>
    %swap3A_1368 = arith.constant 368 : index
    %swap3A_1369 = tpu.vector_load %arg13[%swap3A_1368] {strides = array<i32>} : memref<640xf32, #tpu.memory_space<vmem>>, vector<16xf32>,
    tpu.vector_store %arg13[%swap3A_1368], %mul3A_1367 {strides = array<i32>} : memref<640xf32, #tpu.memory_space<vmem>>, vector<16xf32>,
    %get3A_1370 = arith.constant 384 : index
    %get3A_1371 = tpu.vector_load %arg13[%get3A_1370] {strides = array<i32>} : memref<640xf32, #tpu.memory_space<vmem>>, vector<16xf32>,
    %get3A_1372 = arith.constant 384 : index
    %get3A_1373 = tpu.vector_load %arg12[%get3A_1372] {strides = array<i32>} : memref<640xf32, #tpu.memory_space<vmem>>, vector<16xf32>,
    %bitcast3A_1374 = vector.bitcast %get3A_1373 : vector<16xf32> to vector<16xi32>
    %broadcast_in_dim3A_1375 = arith.constant 1597463007 : i32
    %broadcast_in_dim3A_1376 = vector.broadcast %broadcast_in_dim3A_1375 : i32 to vector<16xi32>
    %shift_right_arithmetic3A_1377 = arith.constant 1 : i32
    %shift_right_arithmetic3A_1378 = vector.broadcast %shift_right_arithmetic3A_1377 : i32 to vector<16xi32>
    %shift_right_arithmetic3A_1379 = arith.shrsi %bitcast3A_1374, %shift_right_arithmetic3A_1378 : vector<16xi32>
    %sub3A_1380 = arith.subi %broadcast_in_dim3A_1376, %shift_right_arithmetic3A_1379 : vector<16xi32>
    %bitcast3A_1381 = vector.bitcast %sub3A_1380 : vector<16xi32> to vector<16xf32>
    %mul3A_1382 = arith.constant 5.000000e-01 : f32
    %mul3A_1383 = vector.broadcast %mul3A_1382 : f32 to vector<16xf32>
    %mul3A_1384 = arith.mulf %mul3A_1383, %get3A_1373 : vector<16xf32>
    %mul3A_1385 = arith.mulf %mul3A_1384, %bitcast3A_1381 : vector<16xf32>
    %mul3A_1386 = arith.mulf %mul3A_1385, %bitcast3A_1381 : vector<16xf32>
    %sub3A_1387 = arith.constant 1.500000e+00 : f32
    %sub3A_1388 = vector.broadcast %sub3A_1387 : f32 to vector<16xf32>
    %sub3A_1389 = arith.subf %sub3A_1388, %mul3A_1386 : vector<16xf32>
    %mul3A_1390 = arith.mulf %bitcast3A_1381, %sub3A_1389 : vector<16xf32>
    %mul3A_1391 = arith.constant 5.000000e-01 : f32
    %mul3A_1392 = vector.broadcast %mul3A_1391 : f32 to vector<16xf32>
    %mul3A_1393 = arith.mulf %mul3A_1392, %get3A_1373 : vector<16xf32>
    %mul3A_1394 = arith.mulf %mul3A_1393, %mul3A_1390 : vector<16xf32>
    %mul3A_1395 = arith.mulf %mul3A_1394, %mul3A_1390 : vector<16xf32>
    %sub3A_1396 = arith.constant 1.500000e+00 : f32
    %sub3A_1397 = vector.broadcast %sub3A_1396 : f32 to vector<16xf32>
    %sub3A_1398 = arith.subf %sub3A_1397, %mul3A_1395 : vector<16xf32>
    %mul3A_1399 = arith.mulf %mul3A_1390, %sub3A_1398 : vector<16xf32>
    %mul3A_1400 = arith.constant 5.000000e-01 : f32
    %mul3A_1401 = vector.broadcast %mul3A_1400 : f32 to vector<16xf32>
    %mul3A_1402 = arith.mulf %mul3A_1401, %get3A_1373 : vector<16xf32>
    %mul3A_1403 = arith.mulf %mul3A_1402, %mul3A_1399 : vector<16xf32>
    %mul3A_1404 = arith.mulf %mul3A_1403, %mul3A_1399 : vector<16xf32>
    %sub3A_1405 = arith.constant 1.500000e+00 : f32
    %sub3A_1406 = vector.broadcast %sub3A_1405 : f32 to vector<16xf32>
    %sub3A_1407 = arith.subf %sub3A_1406, %mul3A_1404 : vector<16xf32>
    %mul3A_1408 = arith.mulf %mul3A_1399, %sub3A_1407 : vector<16xf32>
    %mul3A_1409 = arith.mulf %get3A_1371, %mul3A_1408 : vector<16xf32>
    %swap3A_1410 = arith.constant 384 : index
    %swap3A_1411 = tpu.vector_load %arg13[%swap3A_1410] {strides = array<i32>} : memref<640xf32, #tpu.memory_space<vmem>>, vector<16xf32>,
    tpu.vector_store %arg13[%swap3A_1410], %mul3A_1409 {strides = array<i32>} : memref<640xf32, #tpu.memory_space<vmem>>, vector<16xf32>,
    %get3A_1412 = arith.constant 400 : index
    %get3A_1413 = tpu.vector_load %arg13[%get3A_1412] {strides = array<i32>} : memref<640xf32, #tpu.memory_space<vmem>>, vector<16xf32>,
    %get3A_1414 = arith.constant 400 : index
    %get3A_1415 = tpu.vector_load %arg12[%get3A_1414] {strides = array<i32>} : memref<640xf32, #tpu.memory_space<vmem>>, vector<16xf32>,
    %bitcast3A_1416 = vector.bitcast %get3A_1415 : vector<16xf32> to vector<16xi32>
    %broadcast_in_dim3A_1417 = arith.constant 1597463007 : i32
    %broadcast_in_dim3A_1418 = vector.broadcast %broadcast_in_dim3A_1417 : i32 to vector<16xi32>
    %shift_right_arithmetic3A_1419 = arith.constant 1 : i32
    %shift_right_arithmetic3A_1420 = vector.broadcast %shift_right_arithmetic3A_1419 : i32 to vector<16xi32>
    %shift_right_arithmetic3A_1421 = arith.shrsi %bitcast3A_1416, %shift_right_arithmetic3A_1420 : vector<16xi32>
    %sub3A_1422 = arith.subi %broadcast_in_dim3A_1418, %shift_right_arithmetic3A_1421 : vector<16xi32>
    %bitcast3A_1423 = vector.bitcast %sub3A_1422 : vector<16xi32> to vector<16xf32>
    %mul3A_1424 = arith.constant 5.000000e-01 : f32
    %mul3A_1425 = vector.broadcast %mul3A_1424 : f32 to vector<16xf32>
    %mul3A_1426 = arith.mulf %mul3A_1425, %get3A_1415 : vector<16xf32>
    %mul3A_1427 = arith.mulf %mul3A_1426, %bitcast3A_1423 : vector<16xf32>
    %mul3A_1428 = arith.mulf %mul3A_1427, %bitcast3A_1423 : vector<16xf32>
    %sub3A_1429 = arith.constant 1.500000e+00 : f32
    %sub3A_1430 = vector.broadcast %sub3A_1429 : f32 to vector<16xf32>
    %sub3A_1431 = arith.subf %sub3A_1430, %mul3A_1428 : vector<16xf32>
    %mul3A_1432 = arith.mulf %bitcast3A_1423, %sub3A_1431 : vector<16xf32>
    %mul3A_1433 = arith.constant 5.000000e-01 : f32
    %mul3A_1434 = vector.broadcast %mul3A_1433 : f32 to vector<16xf32>
    %mul3A_1435 = arith.mulf %mul3A_1434, %get3A_1415 : vector<16xf32>
    %mul3A_1436 = arith.mulf %mul3A_1435, %mul3A_1432 : vector<16xf32>
    %mul3A_1437 = arith.mulf %mul3A_1436, %mul3A_1432 : vector<16xf32>
    %sub3A_1438 = arith.constant 1.500000e+00 : f32
    %sub3A_1439 = vector.broadcast %sub3A_1438 : f32 to vector<16xf32>
    %sub3A_1440 = arith.subf %sub3A_1439, %mul3A_1437 : vector<16xf32>
    %mul3A_1441 = arith.mulf %mul3A_1432, %sub3A_1440 : vector<16xf32>
    %mul3A_1442 = arith.constant 5.000000e-01 : f32
    %mul3A_1443 = vector.broadcast %mul3A_1442 : f32 to vector<16xf32>
    %mul3A_1444 = arith.mulf %mul3A_1443, %get3A_1415 : vector<16xf32>
    %mul3A_1445 = arith.mulf %mul3A_1444, %mul3A_1441 : vector<16xf32>
    %mul3A_1446 = arith.mulf %mul3A_1445, %mul3A_1441 : vector<16xf32>
    %sub3A_1447 = arith.constant 1.500000e+00 : f32
    %sub3A_1448 = vector.broadcast %sub3A_1447 : f32 to vector<16xf32>
    %sub3A_1449 = arith.subf %sub3A_1448, %mul3A_1446 : vector<16xf32>
    %mul3A_1450 = arith.mulf %mul3A_1441, %sub3A_1449 : vector<16xf32>
    %mul3A_1451 = arith.mulf %get3A_1413, %mul3A_1450 : vector<16xf32>
    %swap3A_1452 = arith.constant 400 : index
    %swap3A_1453 = tpu.vector_load %arg13[%swap3A_1452] {strides = array<i32>} : memref<640xf32, #tpu.memory_space<vmem>>, vector<16xf32>,
    tpu.vector_store %arg13[%swap3A_1452], %mul3A_1451 {strides = array<i32>} : memref<640xf32, #tpu.memory_space<vmem>>, vector<16xf32>,
    %get3A_1454 = arith.constant 416 : index
    %get3A_1455 = tpu.vector_load %arg13[%get3A_1454] {strides = array<i32>} : memref<640xf32, #tpu.memory_space<vmem>>, vector<16xf32>,
    %get3A_1456 = arith.constant 416 : index
    %get3A_1457 = tpu.vector_load %arg12[%get3A_1456] {strides = array<i32>} : memref<640xf32, #tpu.memory_space<vmem>>, vector<16xf32>,
    %bitcast3A_1458 = vector.bitcast %get3A_1457 : vector<16xf32> to vector<16xi32>
    %broadcast_in_dim3A_1459 = arith.constant 1597463007 : i32
    %broadcast_in_dim3A_1460 = vector.broadcast %broadcast_in_dim3A_1459 : i32 to vector<16xi32>
    %shift_right_arithmetic3A_1461 = arith.constant 1 : i32
    %shift_right_arithmetic3A_1462 = vector.broadcast %shift_right_arithmetic3A_1461 : i32 to vector<16xi32>
    %shift_right_arithmetic3A_1463 = arith.shrsi %bitcast3A_1458, %shift_right_arithmetic3A_1462 : vector<16xi32>
    %sub3A_1464 = arith.subi %broadcast_in_dim3A_1460, %shift_right_arithmetic3A_1463 : vector<16xi32>
    %bitcast3A_1465 = vector.bitcast %sub3A_1464 : vector<16xi32> to vector<16xf32>
    %mul3A_1466 = arith.constant 5.000000e-01 : f32
    %mul3A_1467 = vector.broadcast %mul3A_1466 : f32 to vector<16xf32>
    %mul3A_1468 = arith.mulf %mul3A_1467, %get3A_1457 : vector<16xf32>
    %mul3A_1469 = arith.mulf %mul3A_1468, %bitcast3A_1465 : vector<16xf32>
    %mul3A_1470 = arith.mulf %mul3A_1469, %bitcast3A_1465 : vector<16xf32>
    %sub3A_1471 = arith.constant 1.500000e+00 : f32
    %sub3A_1472 = vector.broadcast %sub3A_1471 : f32 to vector<16xf32>
    %sub3A_1473 = arith.subf %sub3A_1472, %mul3A_1470 : vector<16xf32>
    %mul3A_1474 = arith.mulf %bitcast3A_1465, %sub3A_1473 : vector<16xf32>
    %mul3A_1475 = arith.constant 5.000000e-01 : f32
    %mul3A_1476 = vector.broadcast %mul3A_1475 : f32 to vector<16xf32>
    %mul3A_1477 = arith.mulf %mul3A_1476, %get3A_1457 : vector<16xf32>
    %mul3A_1478 = arith.mulf %mul3A_1477, %mul3A_1474 : vector<16xf32>
    %mul3A_1479 = arith.mulf %mul3A_1478, %mul3A_1474 : vector<16xf32>
    %sub3A_1480 = arith.constant 1.500000e+00 : f32
    %sub3A_1481 = vector.broadcast %sub3A_1480 : f32 to vector<16xf32>
    %sub3A_1482 = arith.subf %sub3A_1481, %mul3A_1479 : vector<16xf32>
    %mul3A_1483 = arith.mulf %mul3A_1474, %sub3A_1482 : vector<16xf32>
    %mul3A_1484 = arith.constant 5.000000e-01 : f32
    %mul3A_1485 = vector.broadcast %mul3A_1484 : f32 to vector<16xf32>
    %mul3A_1486 = arith.mulf %mul3A_1485, %get3A_1457 : vector<16xf32>
    %mul3A_1487 = arith.mulf %mul3A_1486, %mul3A_1483 : vector<16xf32>
    %mul3A_1488 = arith.mulf %mul3A_1487, %mul3A_1483 : vector<16xf32>
    %sub3A_1489 = arith.constant 1.500000e+00 : f32
    %sub3A_1490 = vector.broadcast %sub3A_1489 : f32 to vector<16xf32>
    %sub3A_1491 = arith.subf %sub3A_1490, %mul3A_1488 : vector<16xf32>
    %mul3A_1492 = arith.mulf %mul3A_1483, %sub3A_1491 : vector<16xf32>
    %mul3A_1493 = arith.mulf %get3A_1455, %mul3A_1492 : vector<16xf32>
    %swap3A_1494 = arith.constant 416 : index
    %swap3A_1495 = tpu.vector_load %arg13[%swap3A_1494] {strides = array<i32>} : memref<640xf32, #tpu.memory_space<vmem>>, vector<16xf32>,
    tpu.vector_store %arg13[%swap3A_1494], %mul3A_1493 {strides = array<i32>} : memref<640xf32, #tpu.memory_space<vmem>>, vector<16xf32>,
    %get3A_1496 = arith.constant 432 : index
    %get3A_1497 = tpu.vector_load %arg13[%get3A_1496] {strides = array<i32>} : memref<640xf32, #tpu.memory_space<vmem>>, vector<16xf32>,
    %get3A_1498 = arith.constant 432 : index
    %get3A_1499 = tpu.vector_load %arg12[%get3A_1498] {strides = array<i32>} : memref<640xf32, #tpu.memory_space<vmem>>, vector<16xf32>,
    %bitcast3A_1500 = vector.bitcast %get3A_1499 : vector<16xf32> to vector<16xi32>
    %broadcast_in_dim3A_1501 = arith.constant 1597463007 : i32
    %broadcast_in_dim3A_1502 = vector.broadcast %broadcast_in_dim3A_1501 : i32 to vector<16xi32>
    %shift_right_arithmetic3A_1503 = arith.constant 1 : i32
    %shift_right_arithmetic3A_1504 = vector.broadcast %shift_right_arithmetic3A_1503 : i32 to vector<16xi32>
    %shift_right_arithmetic3A_1505 = arith.shrsi %bitcast3A_1500, %shift_right_arithmetic3A_1504 : vector<16xi32>
    %sub3A_1506 = arith.subi %broadcast_in_dim3A_1502, %shift_right_arithmetic3A_1505 : vector<16xi32>
    %bitcast3A_1507 = vector.bitcast %sub3A_1506 : vector<16xi32> to vector<16xf32>
    %mul3A_1508 = arith.constant 5.000000e-01 : f32
    %mul3A_1509 = vector.broadcast %mul3A_1508 : f32 to vector<16xf32>
    %mul3A_1510 = arith.mulf %mul3A_1509, %get3A_1499 : vector<16xf32>
    %mul3A_1511 = arith.mulf %mul3A_1510, %bitcast3A_1507 : vector<16xf32>
    %mul3A_1512 = arith.mulf %mul3A_1511, %bitcast3A_1507 : vector<16xf32>
    %sub3A_1513 = arith.constant 1.500000e+00 : f32
    %sub3A_1514 = vector.broadcast %sub3A_1513 : f32 to vector<16xf32>
    %sub3A_1515 = arith.subf %sub3A_1514, %mul3A_1512 : vector<16xf32>
    %mul3A_1516 = arith.mulf %bitcast3A_1507, %sub3A_1515 : vector<16xf32>
    %mul3A_1517 = arith.constant 5.000000e-01 : f32
    %mul3A_1518 = vector.broadcast %mul3A_1517 : f32 to vector<16xf32>
    %mul3A_1519 = arith.mulf %mul3A_1518, %get3A_1499 : vector<16xf32>
    %mul3A_1520 = arith.mulf %mul3A_1519, %mul3A_1516 : vector<16xf32>
    %mul3A_1521 = arith.mulf %mul3A_1520, %mul3A_1516 : vector<16xf32>
    %sub3A_1522 = arith.constant 1.500000e+00 : f32
    %sub3A_1523 = vector.broadcast %sub3A_1522 : f32 to vector<16xf32>
    %sub3A_1524 = arith.subf %sub3A_1523, %mul3A_1521 : vector<16xf32>
    %mul3A_1525 = arith.mulf %mul3A_1516, %sub3A_1524 : vector<16xf32>
    %mul3A_1526 = arith.constant 5.000000e-01 : f32
    %mul3A_1527 = vector.broadcast %mul3A_1526 : f32 to vector<16xf32>
    %mul3A_1528 = arith.mulf %mul3A_1527, %get3A_1499 : vector<16xf32>
    %mul3A_1529 = arith.mulf %mul3A_1528, %mul3A_1525 : vector<16xf32>
    %mul3A_1530 = arith.mulf %mul3A_1529, %mul3A_1525 : vector<16xf32>
    %sub3A_1531 = arith.constant 1.500000e+00 : f32
    %sub3A_1532 = vector.broadcast %sub3A_1531 : f32 to vector<16xf32>
    %sub3A_1533 = arith.subf %sub3A_1532, %mul3A_1530 : vector<16xf32>
    %mul3A_1534 = arith.mulf %mul3A_1525, %sub3A_1533 : vector<16xf32>
    %mul3A_1535 = arith.mulf %get3A_1497, %mul3A_1534 : vector<16xf32>
    %swap3A_1536 = arith.constant 432 : index
    %swap3A_1537 = tpu.vector_load %arg13[%swap3A_1536] {strides = array<i32>} : memref<640xf32, #tpu.memory_space<vmem>>, vector<16xf32>,
    tpu.vector_store %arg13[%swap3A_1536], %mul3A_1535 {strides = array<i32>} : memref<640xf32, #tpu.memory_space<vmem>>, vector<16xf32>,
    %get3A_1538 = arith.constant 448 : index
    %get3A_1539 = tpu.vector_load %arg13[%get3A_1538] {strides = array<i32>} : memref<640xf32, #tpu.memory_space<vmem>>, vector<16xf32>,
    %get3A_1540 = arith.constant 448 : index
    %get3A_1541 = tpu.vector_load %arg12[%get3A_1540] {strides = array<i32>} : memref<640xf32, #tpu.memory_space<vmem>>, vector<16xf32>,
    %bitcast3A_1542 = vector.bitcast %get3A_1541 : vector<16xf32> to vector<16xi32>
    %broadcast_in_dim3A_1543 = arith.constant 1597463007 : i32
    %broadcast_in_dim3A_1544 = vector.broadcast %broadcast_in_dim3A_1543 : i32 to vector<16xi32>
    %shift_right_arithmetic3A_1545 = arith.constant 1 : i32
    %shift_right_arithmetic3A_1546 = vector.broadcast %shift_right_arithmetic3A_1545 : i32 to vector<16xi32>
    %shift_right_arithmetic3A_1547 = arith.shrsi %bitcast3A_1542, %shift_right_arithmetic3A_1546 : vector<16xi32>
    %sub3A_1548 = arith.subi %broadcast_in_dim3A_1544, %shift_right_arithmetic3A_1547 : vector<16xi32>
    %bitcast3A_1549 = vector.bitcast %sub3A_1548 : vector<16xi32> to vector<16xf32>
    %mul3A_1550 = arith.constant 5.000000e-01 : f32
    %mul3A_1551 = vector.broadcast %mul3A_1550 : f32 to vector<16xf32>
    %mul3A_1552 = arith.mulf %mul3A_1551, %get3A_1541 : vector<16xf32>
    %mul3A_1553 = arith.mulf %mul3A_1552, %bitcast3A_1549 : vector<16xf32>
    %mul3A_1554 = arith.mulf %mul3A_1553, %bitcast3A_1549 : vector<16xf32>
    %sub3A_1555 = arith.constant 1.500000e+00 : f32
    %sub3A_1556 = vector.broadcast %sub3A_1555 : f32 to vector<16xf32>
    %sub3A_1557 = arith.subf %sub3A_1556, %mul3A_1554 : vector<16xf32>
    %mul3A_1558 = arith.mulf %bitcast3A_1549, %sub3A_1557 : vector<16xf32>
    %mul3A_1559 = arith.constant 5.000000e-01 : f32
    %mul3A_1560 = vector.broadcast %mul3A_1559 : f32 to vector<16xf32>
    %mul3A_1561 = arith.mulf %mul3A_1560, %get3A_1541 : vector<16xf32>
    %mul3A_1562 = arith.mulf %mul3A_1561, %mul3A_1558 : vector<16xf32>
    %mul3A_1563 = arith.mulf %mul3A_1562, %mul3A_1558 : vector<16xf32>
    %sub3A_1564 = arith.constant 1.500000e+00 : f32
    %sub3A_1565 = vector.broadcast %sub3A_1564 : f32 to vector<16xf32>
    %sub3A_1566 = arith.subf %sub3A_1565, %mul3A_1563 : vector<16xf32>
    %mul3A_1567 = arith.mulf %mul3A_1558, %sub3A_1566 : vector<16xf32>
    %mul3A_1568 = arith.constant 5.000000e-01 : f32
    %mul3A_1569 = vector.broadcast %mul3A_1568 : f32 to vector<16xf32>
    %mul3A_1570 = arith.mulf %mul3A_1569, %get3A_1541 : vector<16xf32>
    %mul3A_1571 = arith.mulf %mul3A_1570, %mul3A_1567 : vector<16xf32>
    %mul3A_1572 = arith.mulf %mul3A_1571, %mul3A_1567 : vector<16xf32>
    %sub3A_1573 = arith.constant 1.500000e+00 : f32
    %sub3A_1574 = vector.broadcast %sub3A_1573 : f32 to vector<16xf32>
    %sub3A_1575 = arith.subf %sub3A_1574, %mul3A_1572 : vector<16xf32>
    %mul3A_1576 = arith.mulf %mul3A_1567, %sub3A_1575 : vector<16xf32>
    %mul3A_1577 = arith.mulf %get3A_1539, %mul3A_1576 : vector<16xf32>
    %swap3A_1578 = arith.constant 448 : index
    %swap3A_1579 = tpu.vector_load %arg13[%swap3A_1578] {strides = array<i32>} : memref<640xf32, #tpu.memory_space<vmem>>, vector<16xf32>,
    tpu.vector_store %arg13[%swap3A_1578], %mul3A_1577 {strides = array<i32>} : memref<640xf32, #tpu.memory_space<vmem>>, vector<16xf32>,
    %get3A_1580 = arith.constant 464 : index
    %get3A_1581 = tpu.vector_load %arg13[%get3A_1580] {strides = array<i32>} : memref<640xf32, #tpu.memory_space<vmem>>, vector<16xf32>,
    %get3A_1582 = arith.constant 464 : index
    %get3A_1583 = tpu.vector_load %arg12[%get3A_1582] {strides = array<i32>} : memref<640xf32, #tpu.memory_space<vmem>>, vector<16xf32>,
    %bitcast3A_1584 = vector.bitcast %get3A_1583 : vector<16xf32> to vector<16xi32>
    %broadcast_in_dim3A_1585 = arith.constant 1597463007 : i32
    %broadcast_in_dim3A_1586 = vector.broadcast %broadcast_in_dim3A_1585 : i32 to vector<16xi32>
    %shift_right_arithmetic3A_1587 = arith.constant 1 : i32
    %shift_right_arithmetic3A_1588 = vector.broadcast %shift_right_arithmetic3A_1587 : i32 to vector<16xi32>
    %shift_right_arithmetic3A_1589 = arith.shrsi %bitcast3A_1584, %shift_right_arithmetic3A_1588 : vector<16xi32>
    %sub3A_1590 = arith.subi %broadcast_in_dim3A_1586, %shift_right_arithmetic3A_1589 : vector<16xi32>
    %bitcast3A_1591 = vector.bitcast %sub3A_1590 : vector<16xi32> to vector<16xf32>
    %mul3A_1592 = arith.constant 5.000000e-01 : f32
    %mul3A_1593 = vector.broadcast %mul3A_1592 : f32 to vector<16xf32>
    %mul3A_1594 = arith.mulf %mul3A_1593, %get3A_1583 : vector<16xf32>
    %mul3A_1595 = arith.mulf %mul3A_1594, %bitcast3A_1591 : vector<16xf32>
    %mul3A_1596 = arith.mulf %mul3A_1595, %bitcast3A_1591 : vector<16xf32>
    %sub3A_1597 = arith.constant 1.500000e+00 : f32
    %sub3A_1598 = vector.broadcast %sub3A_1597 : f32 to vector<16xf32>
    %sub3A_1599 = arith.subf %sub3A_1598, %mul3A_1596 : vector<16xf32>
    %mul3A_1600 = arith.mulf %bitcast3A_1591, %sub3A_1599 : vector<16xf32>
    %mul3A_1601 = arith.constant 5.000000e-01 : f32
    %mul3A_1602 = vector.broadcast %mul3A_1601 : f32 to vector<16xf32>
    %mul3A_1603 = arith.mulf %mul3A_1602, %get3A_1583 : vector<16xf32>
    %mul3A_1604 = arith.mulf %mul3A_1603, %mul3A_1600 : vector<16xf32>
    %mul3A_1605 = arith.mulf %mul3A_1604, %mul3A_1600 : vector<16xf32>
    %sub3A_1606 = arith.constant 1.500000e+00 : f32
    %sub3A_1607 = vector.broadcast %sub3A_1606 : f32 to vector<16xf32>
    %sub3A_1608 = arith.subf %sub3A_1607, %mul3A_1605 : vector<16xf32>
    %mul3A_1609 = arith.mulf %mul3A_1600, %sub3A_1608 : vector<16xf32>
    %mul3A_1610 = arith.constant 5.000000e-01 : f32
    %mul3A_1611 = vector.broadcast %mul3A_1610 : f32 to vector<16xf32>
    %mul3A_1612 = arith.mulf %mul3A_1611, %get3A_1583 : vector<16xf32>
    %mul3A_1613 = arith.mulf %mul3A_1612, %mul3A_1609 : vector<16xf32>
    %mul3A_1614 = arith.mulf %mul3A_1613, %mul3A_1609 : vector<16xf32>
    %sub3A_1615 = arith.constant 1.500000e+00 : f32
    %sub3A_1616 = vector.broadcast %sub3A_1615 : f32 to vector<16xf32>
    %sub3A_1617 = arith.subf %sub3A_1616, %mul3A_1614 : vector<16xf32>
    %mul3A_1618 = arith.mulf %mul3A_1609, %sub3A_1617 : vector<16xf32>
    %mul3A_1619 = arith.mulf %get3A_1581, %mul3A_1618 : vector<16xf32>
    %swap3A_1620 = arith.constant 464 : index
    %swap3A_1621 = tpu.vector_load %arg13[%swap3A_1620] {strides = array<i32>} : memref<640xf32, #tpu.memory_space<vmem>>, vector<16xf32>,
    tpu.vector_store %arg13[%swap3A_1620], %mul3A_1619 {strides = array<i32>} : memref<640xf32, #tpu.memory_space<vmem>>, vector<16xf32>,
    %get3A_1622 = arith.constant 480 : index
    %get3A_1623 = tpu.vector_load %arg13[%get3A_1622] {strides = array<i32>} : memref<640xf32, #tpu.memory_space<vmem>>, vector<16xf32>,
    %get3A_1624 = arith.constant 480 : index
    %get3A_1625 = tpu.vector_load %arg12[%get3A_1624] {strides = array<i32>} : memref<640xf32, #tpu.memory_space<vmem>>, vector<16xf32>,
    %bitcast3A_1626 = vector.bitcast %get3A_1625 : vector<16xf32> to vector<16xi32>
    %broadcast_in_dim3A_1627 = arith.constant 1597463007 : i32
    %broadcast_in_dim3A_1628 = vector.broadcast %broadcast_in_dim3A_1627 : i32 to vector<16xi32>
    %shift_right_arithmetic3A_1629 = arith.constant 1 : i32
    %shift_right_arithmetic3A_1630 = vector.broadcast %shift_right_arithmetic3A_1629 : i32 to vector<16xi32>
    %shift_right_arithmetic3A_1631 = arith.shrsi %bitcast3A_1626, %shift_right_arithmetic3A_1630 : vector<16xi32>
    %sub3A_1632 = arith.subi %broadcast_in_dim3A_1628, %shift_right_arithmetic3A_1631 : vector<16xi32>
    %bitcast3A_1633 = vector.bitcast %sub3A_1632 : vector<16xi32> to vector<16xf32>
    %mul3A_1634 = arith.constant 5.000000e-01 : f32
    %mul3A_1635 = vector.broadcast %mul3A_1634 : f32 to vector<16xf32>
    %mul3A_1636 = arith.mulf %mul3A_1635, %get3A_1625 : vector<16xf32>
    %mul3A_1637 = arith.mulf %mul3A_1636, %bitcast3A_1633 : vector<16xf32>
    %mul3A_1638 = arith.mulf %mul3A_1637, %bitcast3A_1633 : vector<16xf32>
    %sub3A_1639 = arith.constant 1.500000e+00 : f32
    %sub3A_1640 = vector.broadcast %sub3A_1639 : f32 to vector<16xf32>
    %sub3A_1641 = arith.subf %sub3A_1640, %mul3A_1638 : vector<16xf32>
    %mul3A_1642 = arith.mulf %bitcast3A_1633, %sub3A_1641 : vector<16xf32>
    %mul3A_1643 = arith.constant 5.000000e-01 : f32
    %mul3A_1644 = vector.broadcast %mul3A_1643 : f32 to vector<16xf32>
    %mul3A_1645 = arith.mulf %mul3A_1644, %get3A_1625 : vector<16xf32>
    %mul3A_1646 = arith.mulf %mul3A_1645, %mul3A_1642 : vector<16xf32>
    %mul3A_1647 = arith.mulf %mul3A_1646, %mul3A_1642 : vector<16xf32>
    %sub3A_1648 = arith.constant 1.500000e+00 : f32
    %sub3A_1649 = vector.broadcast %sub3A_1648 : f32 to vector<16xf32>
    %sub3A_1650 = arith.subf %sub3A_1649, %mul3A_1647 : vector<16xf32>
    %mul3A_1651 = arith.mulf %mul3A_1642, %sub3A_1650 : vector<16xf32>
    %mul3A_1652 = arith.constant 5.000000e-01 : f32
    %mul3A_1653 = vector.broadcast %mul3A_1652 : f32 to vector<16xf32>
    %mul3A_1654 = arith.mulf %mul3A_1653, %get3A_1625 : vector<16xf32>
    %mul3A_1655 = arith.mulf %mul3A_1654, %mul3A_1651 : vector<16xf32>
    %mul3A_1656 = arith.mulf %mul3A_1655, %mul3A_1651 : vector<16xf32>
    %sub3A_1657 = arith.constant 1.500000e+00 : f32
    %sub3A_1658 = vector.broadcast %sub3A_1657 : f32 to vector<16xf32>
    %sub3A_1659 = arith.subf %sub3A_1658, %mul3A_1656 : vector<16xf32>
    %mul3A_1660 = arith.mulf %mul3A_1651, %sub3A_1659 : vector<16xf32>
    %mul3A_1661 = arith.mulf %get3A_1623, %mul3A_1660 : vector<16xf32>
    %swap3A_1662 = arith.constant 480 : index
    %swap3A_1663 = tpu.vector_load %arg13[%swap3A_1662] {strides = array<i32>} : memref<640xf32, #tpu.memory_space<vmem>>, vector<16xf32>,
    tpu.vector_store %arg13[%swap3A_1662], %mul3A_1661 {strides = array<i32>} : memref<640xf32, #tpu.memory_space<vmem>>, vector<16xf32>,
    %get3A_1664 = arith.constant 496 : index
    %get3A_1665 = tpu.vector_load %arg13[%get3A_1664] {strides = array<i32>} : memref<640xf32, #tpu.memory_space<vmem>>, vector<16xf32>,
    %get3A_1666 = arith.constant 496 : index
    %get3A_1667 = tpu.vector_load %arg12[%get3A_1666] {strides = array<i32>} : memref<640xf32, #tpu.memory_space<vmem>>, vector<16xf32>,
    %bitcast3A_1668 = vector.bitcast %get3A_1667 : vector<16xf32> to vector<16xi32>
    %broadcast_in_dim3A_1669 = arith.constant 1597463007 : i32
    %broadcast_in_dim3A_1670 = vector.broadcast %broadcast_in_dim3A_1669 : i32 to vector<16xi32>
    %shift_right_arithmetic3A_1671 = arith.constant 1 : i32
    %shift_right_arithmetic3A_1672 = vector.broadcast %shift_right_arithmetic3A_1671 : i32 to vector<16xi32>
    %shift_right_arithmetic3A_1673 = arith.shrsi %bitcast3A_1668, %shift_right_arithmetic3A_1672 : vector<16xi32>
    %sub3A_1674 = arith.subi %broadcast_in_dim3A_1670, %shift_right_arithmetic3A_1673 : vector<16xi32>
    %bitcast3A_1675 = vector.bitcast %sub3A_1674 : vector<16xi32> to vector<16xf32>
    %mul3A_1676 = arith.constant 5.000000e-01 : f32
    %mul3A_1677 = vector.broadcast %mul3A_1676 : f32 to vector<16xf32>
    %mul3A_1678 = arith.mulf %mul3A_1677, %get3A_1667 : vector<16xf32>
    %mul3A_1679 = arith.mulf %mul3A_1678, %bitcast3A_1675 : vector<16xf32>
    %mul3A_1680 = arith.mulf %mul3A_1679, %bitcast3A_1675 : vector<16xf32>
    %sub3A_1681 = arith.constant 1.500000e+00 : f32
    %sub3A_1682 = vector.broadcast %sub3A_1681 : f32 to vector<16xf32>
    %sub3A_1683 = arith.subf %sub3A_1682, %mul3A_1680 : vector<16xf32>
    %mul3A_1684 = arith.mulf %bitcast3A_1675, %sub3A_1683 : vector<16xf32>
    %mul3A_1685 = arith.constant 5.000000e-01 : f32
    %mul3A_1686 = vector.broadcast %mul3A_1685 : f32 to vector<16xf32>
    %mul3A_1687 = arith.mulf %mul3A_1686, %get3A_1667 : vector<16xf32>
    %mul3A_1688 = arith.mulf %mul3A_1687, %mul3A_1684 : vector<16xf32>
    %mul3A_1689 = arith.mulf %mul3A_1688, %mul3A_1684 : vector<16xf32>
    %sub3A_1690 = arith.constant 1.500000e+00 : f32
    %sub3A_1691 = vector.broadcast %sub3A_1690 : f32 to vector<16xf32>
    %sub3A_1692 = arith.subf %sub3A_1691, %mul3A_1689 : vector<16xf32>
    %mul3A_1693 = arith.mulf %mul3A_1684, %sub3A_1692 : vector<16xf32>
    %mul3A_1694 = arith.constant 5.000000e-01 : f32
    %mul3A_1695 = vector.broadcast %mul3A_1694 : f32 to vector<16xf32>
    %mul3A_1696 = arith.mulf %mul3A_1695, %get3A_1667 : vector<16xf32>
    %mul3A_1697 = arith.mulf %mul3A_1696, %mul3A_1693 : vector<16xf32>
    %mul3A_1698 = arith.mulf %mul3A_1697, %mul3A_1693 : vector<16xf32>
    %sub3A_1699 = arith.constant 1.500000e+00 : f32
    %sub3A_1700 = vector.broadcast %sub3A_1699 : f32 to vector<16xf32>
    %sub3A_1701 = arith.subf %sub3A_1700, %mul3A_1698 : vector<16xf32>
    %mul3A_1702 = arith.mulf %mul3A_1693, %sub3A_1701 : vector<16xf32>
    %mul3A_1703 = arith.mulf %get3A_1665, %mul3A_1702 : vector<16xf32>
    %swap3A_1704 = arith.constant 496 : index
    %swap3A_1705 = tpu.vector_load %arg13[%swap3A_1704] {strides = array<i32>} : memref<640xf32, #tpu.memory_space<vmem>>, vector<16xf32>,
    tpu.vector_store %arg13[%swap3A_1704], %mul3A_1703 {strides = array<i32>} : memref<640xf32, #tpu.memory_space<vmem>>, vector<16xf32>,
    %get3A_1706 = arith.constant 512 : index
    %get3A_1707 = tpu.vector_load %arg13[%get3A_1706] {strides = array<i32>} : memref<640xf32, #tpu.memory_space<vmem>>, vector<16xf32>,
    %get3A_1708 = arith.constant 512 : index
    %get3A_1709 = tpu.vector_load %arg12[%get3A_1708] {strides = array<i32>} : memref<640xf32, #tpu.memory_space<vmem>>, vector<16xf32>,
    %bitcast3A_1710 = vector.bitcast %get3A_1709 : vector<16xf32> to vector<16xi32>
    %broadcast_in_dim3A_1711 = arith.constant 1597463007 : i32
    %broadcast_in_dim3A_1712 = vector.broadcast %broadcast_in_dim3A_1711 : i32 to vector<16xi32>
    %shift_right_arithmetic3A_1713 = arith.constant 1 : i32
    %shift_right_arithmetic3A_1714 = vector.broadcast %shift_right_arithmetic3A_1713 : i32 to vector<16xi32>
    %shift_right_arithmetic3A_1715 = arith.shrsi %bitcast3A_1710, %shift_right_arithmetic3A_1714 : vector<16xi32>
    %sub3A_1716 = arith.subi %broadcast_in_dim3A_1712, %shift_right_arithmetic3A_1715 : vector<16xi32>
    %bitcast3A_1717 = vector.bitcast %sub3A_1716 : vector<16xi32> to vector<16xf32>
    %mul3A_1718 = arith.constant 5.000000e-01 : f32
    %mul3A_1719 = vector.broadcast %mul3A_1718 : f32 to vector<16xf32>
    %mul3A_1720 = arith.mulf %mul3A_1719, %get3A_1709 : vector<16xf32>
    %mul3A_1721 = arith.mulf %mul3A_1720, %bitcast3A_1717 : vector<16xf32>
    %mul3A_1722 = arith.mulf %mul3A_1721, %bitcast3A_1717 : vector<16xf32>
    %sub3A_1723 = arith.constant 1.500000e+00 : f32
    %sub3A_1724 = vector.broadcast %sub3A_1723 : f32 to vector<16xf32>
    %sub3A_1725 = arith.subf %sub3A_1724, %mul3A_1722 : vector<16xf32>
    %mul3A_1726 = arith.mulf %bitcast3A_1717, %sub3A_1725 : vector<16xf32>
    %mul3A_1727 = arith.constant 5.000000e-01 : f32
    %mul3A_1728 = vector.broadcast %mul3A_1727 : f32 to vector<16xf32>
    %mul3A_1729 = arith.mulf %mul3A_1728, %get3A_1709 : vector<16xf32>
    %mul3A_1730 = arith.mulf %mul3A_1729, %mul3A_1726 : vector<16xf32>
    %mul3A_1731 = arith.mulf %mul3A_1730, %mul3A_1726 : vector<16xf32>
    %sub3A_1732 = arith.constant 1.500000e+00 : f32
    %sub3A_1733 = vector.broadcast %sub3A_1732 : f32 to vector<16xf32>
    %sub3A_1734 = arith.subf %sub3A_1733, %mul3A_1731 : vector<16xf32>
    %mul3A_1735 = arith.mulf %mul3A_1726, %sub3A_1734 : vector<16xf32>
    %mul3A_1736 = arith.constant 5.000000e-01 : f32
    %mul3A_1737 = vector.broadcast %mul3A_1736 : f32 to vector<16xf32>
    %mul3A_1738 = arith.mulf %mul3A_1737, %get3A_1709 : vector<16xf32>
    %mul3A_1739 = arith.mulf %mul3A_1738, %mul3A_1735 : vector<16xf32>
    %mul3A_1740 = arith.mulf %mul3A_1739, %mul3A_1735 : vector<16xf32>
    %sub3A_1741 = arith.constant 1.500000e+00 : f32
    %sub3A_1742 = vector.broadcast %sub3A_1741 : f32 to vector<16xf32>
    %sub3A_1743 = arith.subf %sub3A_1742, %mul3A_1740 : vector<16xf32>
    %mul3A_1744 = arith.mulf %mul3A_1735, %sub3A_1743 : vector<16xf32>
    %mul3A_1745 = arith.mulf %get3A_1707, %mul3A_1744 : vector<16xf32>
    %swap3A_1746 = arith.constant 512 : index
    %swap3A_1747 = tpu.vector_load %arg13[%swap3A_1746] {strides = array<i32>} : memref<640xf32, #tpu.memory_space<vmem>>, vector<16xf32>,
    tpu.vector_store %arg13[%swap3A_1746], %mul3A_1745 {strides = array<i32>} : memref<640xf32, #tpu.memory_space<vmem>>, vector<16xf32>,
    %get3A_1748 = arith.constant 528 : index
    %get3A_1749 = tpu.vector_load %arg13[%get3A_1748] {strides = array<i32>} : memref<640xf32, #tpu.memory_space<vmem>>, vector<16xf32>,
    %get3A_1750 = arith.constant 528 : index
    %get3A_1751 = tpu.vector_load %arg12[%get3A_1750] {strides = array<i32>} : memref<640xf32, #tpu.memory_space<vmem>>, vector<16xf32>,
    %bitcast3A_1752 = vector.bitcast %get3A_1751 : vector<16xf32> to vector<16xi32>
    %broadcast_in_dim3A_1753 = arith.constant 1597463007 : i32
    %broadcast_in_dim3A_1754 = vector.broadcast %broadcast_in_dim3A_1753 : i32 to vector<16xi32>
    %shift_right_arithmetic3A_1755 = arith.constant 1 : i32
    %shift_right_arithmetic3A_1756 = vector.broadcast %shift_right_arithmetic3A_1755 : i32 to vector<16xi32>
    %shift_right_arithmetic3A_1757 = arith.shrsi %bitcast3A_1752, %shift_right_arithmetic3A_1756 : vector<16xi32>
    %sub3A_1758 = arith.subi %broadcast_in_dim3A_1754, %shift_right_arithmetic3A_1757 : vector<16xi32>
    %bitcast3A_1759 = vector.bitcast %sub3A_1758 : vector<16xi32> to vector<16xf32>
    %mul3A_1760 = arith.constant 5.000000e-01 : f32
    %mul3A_1761 = vector.broadcast %mul3A_1760 : f32 to vector<16xf32>
    %mul3A_1762 = arith.mulf %mul3A_1761, %get3A_1751 : vector<16xf32>
    %mul3A_1763 = arith.mulf %mul3A_1762, %bitcast3A_1759 : vector<16xf32>
    %mul3A_1764 = arith.mulf %mul3A_1763, %bitcast3A_1759 : vector<16xf32>
    %sub3A_1765 = arith.constant 1.500000e+00 : f32
    %sub3A_1766 = vector.broadcast %sub3A_1765 : f32 to vector<16xf32>
    %sub3A_1767 = arith.subf %sub3A_1766, %mul3A_1764 : vector<16xf32>
    %mul3A_1768 = arith.mulf %bitcast3A_1759, %sub3A_1767 : vector<16xf32>
    %mul3A_1769 = arith.constant 5.000000e-01 : f32
    %mul3A_1770 = vector.broadcast %mul3A_1769 : f32 to vector<16xf32>
    %mul3A_1771 = arith.mulf %mul3A_1770, %get3A_1751 : vector<16xf32>
    %mul3A_1772 = arith.mulf %mul3A_1771, %mul3A_1768 : vector<16xf32>
    %mul3A_1773 = arith.mulf %mul3A_1772, %mul3A_1768 : vector<16xf32>
    %sub3A_1774 = arith.constant 1.500000e+00 : f32
    %sub3A_1775 = vector.broadcast %sub3A_1774 : f32 to vector<16xf32>
    %sub3A_1776 = arith.subf %sub3A_1775, %mul3A_1773 : vector<16xf32>
    %mul3A_1777 = arith.mulf %mul3A_1768, %sub3A_1776 : vector<16xf32>
    %mul3A_1778 = arith.constant 5.000000e-01 : f32
    %mul3A_1779 = vector.broadcast %mul3A_1778 : f32 to vector<16xf32>
    %mul3A_1780 = arith.mulf %mul3A_1779, %get3A_1751 : vector<16xf32>
    %mul3A_1781 = arith.mulf %mul3A_1780, %mul3A_1777 : vector<16xf32>
    %mul3A_1782 = arith.mulf %mul3A_1781, %mul3A_1777 : vector<16xf32>
    %sub3A_1783 = arith.constant 1.500000e+00 : f32
    %sub3A_1784 = vector.broadcast %sub3A_1783 : f32 to vector<16xf32>
    %sub3A_1785 = arith.subf %sub3A_1784, %mul3A_1782 : vector<16xf32>
    %mul3A_1786 = arith.mulf %mul3A_1777, %sub3A_1785 : vector<16xf32>
    %mul3A_1787 = arith.mulf %get3A_1749, %mul3A_1786 : vector<16xf32>
    %swap3A_1788 = arith.constant 528 : index
    %swap3A_1789 = tpu.vector_load %arg13[%swap3A_1788] {strides = array<i32>} : memref<640xf32, #tpu.memory_space<vmem>>, vector<16xf32>,
    tpu.vector_store %arg13[%swap3A_1788], %mul3A_1787 {strides = array<i32>} : memref<640xf32, #tpu.memory_space<vmem>>, vector<16xf32>,
    %get3A_1790 = arith.constant 544 : index
    %get3A_1791 = tpu.vector_load %arg13[%get3A_1790] {strides = array<i32>} : memref<640xf32, #tpu.memory_space<vmem>>, vector<16xf32>,
    %get3A_1792 = arith.constant 544 : index
    %get3A_1793 = tpu.vector_load %arg12[%get3A_1792] {strides = array<i32>} : memref<640xf32, #tpu.memory_space<vmem>>, vector<16xf32>,
    %bitcast3A_1794 = vector.bitcast %get3A_1793 : vector<16xf32> to vector<16xi32>
    %broadcast_in_dim3A_1795 = arith.constant 1597463007 : i32
    %broadcast_in_dim3A_1796 = vector.broadcast %broadcast_in_dim3A_1795 : i32 to vector<16xi32>
    %shift_right_arithmetic3A_1797 = arith.constant 1 : i32
    %shift_right_arithmetic3A_1798 = vector.broadcast %shift_right_arithmetic3A_1797 : i32 to vector<16xi32>
    %shift_right_arithmetic3A_1799 = arith.shrsi %bitcast3A_1794, %shift_right_arithmetic3A_1798 : vector<16xi32>
    %sub3A_1800 = arith.subi %broadcast_in_dim3A_1796, %shift_right_arithmetic3A_1799 : vector<16xi32>
    %bitcast3A_1801 = vector.bitcast %sub3A_1800 : vector<16xi32> to vector<16xf32>
    %mul3A_1802 = arith.constant 5.000000e-01 : f32
    %mul3A_1803 = vector.broadcast %mul3A_1802 : f32 to vector<16xf32>
    %mul3A_1804 = arith.mulf %mul3A_1803, %get3A_1793 : vector<16xf32>
    %mul3A_1805 = arith.mulf %mul3A_1804, %bitcast3A_1801 : vector<16xf32>
    %mul3A_1806 = arith.mulf %mul3A_1805, %bitcast3A_1801 : vector<16xf32>
    %sub3A_1807 = arith.constant 1.500000e+00 : f32
    %sub3A_1808 = vector.broadcast %sub3A_1807 : f32 to vector<16xf32>
    %sub3A_1809 = arith.subf %sub3A_1808, %mul3A_1806 : vector<16xf32>
    %mul3A_1810 = arith.mulf %bitcast3A_1801, %sub3A_1809 : vector<16xf32>
    %mul3A_1811 = arith.constant 5.000000e-01 : f32
    %mul3A_1812 = vector.broadcast %mul3A_1811 : f32 to vector<16xf32>
    %mul3A_1813 = arith.mulf %mul3A_1812, %get3A_1793 : vector<16xf32>
    %mul3A_1814 = arith.mulf %mul3A_1813, %mul3A_1810 : vector<16xf32>
    %mul3A_1815 = arith.mulf %mul3A_1814, %mul3A_1810 : vector<16xf32>
    %sub3A_1816 = arith.constant 1.500000e+00 : f32
    %sub3A_1817 = vector.broadcast %sub3A_1816 : f32 to vector<16xf32>
    %sub3A_1818 = arith.subf %sub3A_1817, %mul3A_1815 : vector<16xf32>
    %mul3A_1819 = arith.mulf %mul3A_1810, %sub3A_1818 : vector<16xf32>
    %mul3A_1820 = arith.constant 5.000000e-01 : f32
    %mul3A_1821 = vector.broadcast %mul3A_1820 : f32 to vector<16xf32>
    %mul3A_1822 = arith.mulf %mul3A_1821, %get3A_1793 : vector<16xf32>
    %mul3A_1823 = arith.mulf %mul3A_1822, %mul3A_1819 : vector<16xf32>
    %mul3A_1824 = arith.mulf %mul3A_1823, %mul3A_1819 : vector<16xf32>
    %sub3A_1825 = arith.constant 1.500000e+00 : f32
    %sub3A_1826 = vector.broadcast %sub3A_1825 : f32 to vector<16xf32>
    %sub3A_1827 = arith.subf %sub3A_1826, %mul3A_1824 : vector<16xf32>
    %mul3A_1828 = arith.mulf %mul3A_1819, %sub3A_1827 : vector<16xf32>
    %mul3A_1829 = arith.mulf %get3A_1791, %mul3A_1828 : vector<16xf32>
    %swap3A_1830 = arith.constant 544 : index
    %swap3A_1831 = tpu.vector_load %arg13[%swap3A_1830] {strides = array<i32>} : memref<640xf32, #tpu.memory_space<vmem>>, vector<16xf32>,
    tpu.vector_store %arg13[%swap3A_1830], %mul3A_1829 {strides = array<i32>} : memref<640xf32, #tpu.memory_space<vmem>>, vector<16xf32>,
    %get3A_1832 = arith.constant 560 : index
    %get3A_1833 = tpu.vector_load %arg13[%get3A_1832] {strides = array<i32>} : memref<640xf32, #tpu.memory_space<vmem>>, vector<16xf32>,
    %get3A_1834 = arith.constant 560 : index
    %get3A_1835 = tpu.vector_load %arg12[%get3A_1834] {strides = array<i32>} : memref<640xf32, #tpu.memory_space<vmem>>, vector<16xf32>,
    %bitcast3A_1836 = vector.bitcast %get3A_1835 : vector<16xf32> to vector<16xi32>
    %broadcast_in_dim3A_1837 = arith.constant 1597463007 : i32
    %broadcast_in_dim3A_1838 = vector.broadcast %broadcast_in_dim3A_1837 : i32 to vector<16xi32>
    %shift_right_arithmetic3A_1839 = arith.constant 1 : i32
    %shift_right_arithmetic3A_1840 = vector.broadcast %shift_right_arithmetic3A_1839 : i32 to vector<16xi32>
    %shift_right_arithmetic3A_1841 = arith.shrsi %bitcast3A_1836, %shift_right_arithmetic3A_1840 : vector<16xi32>
    %sub3A_1842 = arith.subi %broadcast_in_dim3A_1838, %shift_right_arithmetic3A_1841 : vector<16xi32>
    %bitcast3A_1843 = vector.bitcast %sub3A_1842 : vector<16xi32> to vector<16xf32>
    %mul3A_1844 = arith.constant 5.000000e-01 : f32
    %mul3A_1845 = vector.broadcast %mul3A_1844 : f32 to vector<16xf32>
    %mul3A_1846 = arith.mulf %mul3A_1845, %get3A_1835 : vector<16xf32>
    %mul3A_1847 = arith.mulf %mul3A_1846, %bitcast3A_1843 : vector<16xf32>
    %mul3A_1848 = arith.mulf %mul3A_1847, %bitcast3A_1843 : vector<16xf32>
    %sub3A_1849 = arith.constant 1.500000e+00 : f32
    %sub3A_1850 = vector.broadcast %sub3A_1849 : f32 to vector<16xf32>
    %sub3A_1851 = arith.subf %sub3A_1850, %mul3A_1848 : vector<16xf32>
    %mul3A_1852 = arith.mulf %bitcast3A_1843, %sub3A_1851 : vector<16xf32>
    %mul3A_1853 = arith.constant 5.000000e-01 : f32
    %mul3A_1854 = vector.broadcast %mul3A_1853 : f32 to vector<16xf32>
    %mul3A_1855 = arith.mulf %mul3A_1854, %get3A_1835 : vector<16xf32>
    %mul3A_1856 = arith.mulf %mul3A_1855, %mul3A_1852 : vector<16xf32>
    %mul3A_1857 = arith.mulf %mul3A_1856, %mul3A_1852 : vector<16xf32>
    %sub3A_1858 = arith.constant 1.500000e+00 : f32
    %sub3A_1859 = vector.broadcast %sub3A_1858 : f32 to vector<16xf32>
    %sub3A_1860 = arith.subf %sub3A_1859, %mul3A_1857 : vector<16xf32>
    %mul3A_1861 = arith.mulf %mul3A_1852, %sub3A_1860 : vector<16xf32>
    %mul3A_1862 = arith.constant 5.000000e-01 : f32
    %mul3A_1863 = vector.broadcast %mul3A_1862 : f32 to vector<16xf32>
    %mul3A_1864 = arith.mulf %mul3A_1863, %get3A_1835 : vector<16xf32>
    %mul3A_1865 = arith.mulf %mul3A_1864, %mul3A_1861 : vector<16xf32>
    %mul3A_1866 = arith.mulf %mul3A_1865, %mul3A_1861 : vector<16xf32>
    %sub3A_1867 = arith.constant 1.500000e+00 : f32
    %sub3A_1868 = vector.broadcast %sub3A_1867 : f32 to vector<16xf32>
    %sub3A_1869 = arith.subf %sub3A_1868, %mul3A_1866 : vector<16xf32>
    %mul3A_1870 = arith.mulf %mul3A_1861, %sub3A_1869 : vector<16xf32>
    %mul3A_1871 = arith.mulf %get3A_1833, %mul3A_1870 : vector<16xf32>
    %swap3A_1872 = arith.constant 560 : index
    %swap3A_1873 = tpu.vector_load %arg13[%swap3A_1872] {strides = array<i32>} : memref<640xf32, #tpu.memory_space<vmem>>, vector<16xf32>,
    tpu.vector_store %arg13[%swap3A_1872], %mul3A_1871 {strides = array<i32>} : memref<640xf32, #tpu.memory_space<vmem>>, vector<16xf32>,
    %get3A_1874 = arith.constant 576 : index
    %get3A_1875 = tpu.vector_load %arg13[%get3A_1874] {strides = array<i32>} : memref<640xf32, #tpu.memory_space<vmem>>, vector<16xf32>,
    %get3A_1876 = arith.constant 576 : index
    %get3A_1877 = tpu.vector_load %arg12[%get3A_1876] {strides = array<i32>} : memref<640xf32, #tpu.memory_space<vmem>>, vector<16xf32>,
    %bitcast3A_1878 = vector.bitcast %get3A_1877 : vector<16xf32> to vector<16xi32>
    %broadcast_in_dim3A_1879 = arith.constant 1597463007 : i32
    %broadcast_in_dim3A_1880 = vector.broadcast %broadcast_in_dim3A_1879 : i32 to vector<16xi32>
    %shift_right_arithmetic3A_1881 = arith.constant 1 : i32
    %shift_right_arithmetic3A_1882 = vector.broadcast %shift_right_arithmetic3A_1881 : i32 to vector<16xi32>
    %shift_right_arithmetic3A_1883 = arith.shrsi %bitcast3A_1878, %shift_right_arithmetic3A_1882 : vector<16xi32>
    %sub3A_1884 = arith.subi %broadcast_in_dim3A_1880, %shift_right_arithmetic3A_1883 : vector<16xi32>
    %bitcast3A_1885 = vector.bitcast %sub3A_1884 : vector<16xi32> to vector<16xf32>
    %mul3A_1886 = arith.constant 5.000000e-01 : f32
    %mul3A_1887 = vector.broadcast %mul3A_1886 : f32 to vector<16xf32>
    %mul3A_1888 = arith.mulf %mul3A_1887, %get3A_1877 : vector<16xf32>
    %mul3A_1889 = arith.mulf %mul3A_1888, %bitcast3A_1885 : vector<16xf32>
    %mul3A_1890 = arith.mulf %mul3A_1889, %bitcast3A_1885 : vector<16xf32>
    %sub3A_1891 = arith.constant 1.500000e+00 : f32
    %sub3A_1892 = vector.broadcast %sub3A_1891 : f32 to vector<16xf32>
    %sub3A_1893 = arith.subf %sub3A_1892, %mul3A_1890 : vector<16xf32>
    %mul3A_1894 = arith.mulf %bitcast3A_1885, %sub3A_1893 : vector<16xf32>
    %mul3A_1895 = arith.constant 5.000000e-01 : f32
    %mul3A_1896 = vector.broadcast %mul3A_1895 : f32 to vector<16xf32>
    %mul3A_1897 = arith.mulf %mul3A_1896, %get3A_1877 : vector<16xf32>
    %mul3A_1898 = arith.mulf %mul3A_1897, %mul3A_1894 : vector<16xf32>
    %mul3A_1899 = arith.mulf %mul3A_1898, %mul3A_1894 : vector<16xf32>
    %sub3A_1900 = arith.constant 1.500000e+00 : f32
    %sub3A_1901 = vector.broadcast %sub3A_1900 : f32 to vector<16xf32>
    %sub3A_1902 = arith.subf %sub3A_1901, %mul3A_1899 : vector<16xf32>
    %mul3A_1903 = arith.mulf %mul3A_1894, %sub3A_1902 : vector<16xf32>
    %mul3A_1904 = arith.constant 5.000000e-01 : f32
    %mul3A_1905 = vector.broadcast %mul3A_1904 : f32 to vector<16xf32>
    %mul3A_1906 = arith.mulf %mul3A_1905, %get3A_1877 : vector<16xf32>
    %mul3A_1907 = arith.mulf %mul3A_1906, %mul3A_1903 : vector<16xf32>
    %mul3A_1908 = arith.mulf %mul3A_1907, %mul3A_1903 : vector<16xf32>
    %sub3A_1909 = arith.constant 1.500000e+00 : f32
    %sub3A_1910 = vector.broadcast %sub3A_1909 : f32 to vector<16xf32>
    %sub3A_1911 = arith.subf %sub3A_1910, %mul3A_1908 : vector<16xf32>
    %mul3A_1912 = arith.mulf %mul3A_1903, %sub3A_1911 : vector<16xf32>
    %mul3A_1913 = arith.mulf %get3A_1875, %mul3A_1912 : vector<16xf32>
    %swap3A_1914 = arith.constant 576 : index
    %swap3A_1915 = tpu.vector_load %arg13[%swap3A_1914] {strides = array<i32>} : memref<640xf32, #tpu.memory_space<vmem>>, vector<16xf32>,
    tpu.vector_store %arg13[%swap3A_1914], %mul3A_1913 {strides = array<i32>} : memref<640xf32, #tpu.memory_space<vmem>>, vector<16xf32>,
    %get3A_1916 = arith.constant 592 : index
    %get3A_1917 = tpu.vector_load %arg13[%get3A_1916] {strides = array<i32>} : memref<640xf32, #tpu.memory_space<vmem>>, vector<16xf32>,
    %get3A_1918 = arith.constant 592 : index
    %get3A_1919 = tpu.vector_load %arg12[%get3A_1918] {strides = array<i32>} : memref<640xf32, #tpu.memory_space<vmem>>, vector<16xf32>,
    %bitcast3A_1920 = vector.bitcast %get3A_1919 : vector<16xf32> to vector<16xi32>
    %broadcast_in_dim3A_1921 = arith.constant 1597463007 : i32
    %broadcast_in_dim3A_1922 = vector.broadcast %broadcast_in_dim3A_1921 : i32 to vector<16xi32>
    %shift_right_arithmetic3A_1923 = arith.constant 1 : i32
    %shift_right_arithmetic3A_1924 = vector.broadcast %shift_right_arithmetic3A_1923 : i32 to vector<16xi32>
    %shift_right_arithmetic3A_1925 = arith.shrsi %bitcast3A_1920, %shift_right_arithmetic3A_1924 : vector<16xi32>
    %sub3A_1926 = arith.subi %broadcast_in_dim3A_1922, %shift_right_arithmetic3A_1925 : vector<16xi32>
    %bitcast3A_1927 = vector.bitcast %sub3A_1926 : vector<16xi32> to vector<16xf32>
    %mul3A_1928 = arith.constant 5.000000e-01 : f32
    %mul3A_1929 = vector.broadcast %mul3A_1928 : f32 to vector<16xf32>
    %mul3A_1930 = arith.mulf %mul3A_1929, %get3A_1919 : vector<16xf32>
    %mul3A_1931 = arith.mulf %mul3A_1930, %bitcast3A_1927 : vector<16xf32>
    %mul3A_1932 = arith.mulf %mul3A_1931, %bitcast3A_1927 : vector<16xf32>
    %sub3A_1933 = arith.constant 1.500000e+00 : f32
    %sub3A_1934 = vector.broadcast %sub3A_1933 : f32 to vector<16xf32>
    %sub3A_1935 = arith.subf %sub3A_1934, %mul3A_1932 : vector<16xf32>
    %mul3A_1936 = arith.mulf %bitcast3A_1927, %sub3A_1935 : vector<16xf32>
    %mul3A_1937 = arith.constant 5.000000e-01 : f32
    %mul3A_1938 = vector.broadcast %mul3A_1937 : f32 to vector<16xf32>
    %mul3A_1939 = arith.mulf %mul3A_1938, %get3A_1919 : vector<16xf32>
    %mul3A_1940 = arith.mulf %mul3A_1939, %mul3A_1936 : vector<16xf32>
    %mul3A_1941 = arith.mulf %mul3A_1940, %mul3A_1936 : vector<16xf32>
    %sub3A_1942 = arith.constant 1.500000e+00 : f32
    %sub3A_1943 = vector.broadcast %sub3A_1942 : f32 to vector<16xf32>
    %sub3A_1944 = arith.subf %sub3A_1943, %mul3A_1941 : vector<16xf32>
    %mul3A_1945 = arith.mulf %mul3A_1936, %sub3A_1944 : vector<16xf32>
    %mul3A_1946 = arith.constant 5.000000e-01 : f32
    %mul3A_1947 = vector.broadcast %mul3A_1946 : f32 to vector<16xf32>
    %mul3A_1948 = arith.mulf %mul3A_1947, %get3A_1919 : vector<16xf32>
    %mul3A_1949 = arith.mulf %mul3A_1948, %mul3A_1945 : vector<16xf32>
    %mul3A_1950 = arith.mulf %mul3A_1949, %mul3A_1945 : vector<16xf32>
    %sub3A_1951 = arith.constant 1.500000e+00 : f32
    %sub3A_1952 = vector.broadcast %sub3A_1951 : f32 to vector<16xf32>
    %sub3A_1953 = arith.subf %sub3A_1952, %mul3A_1950 : vector<16xf32>
    %mul3A_1954 = arith.mulf %mul3A_1945, %sub3A_1953 : vector<16xf32>
    %mul3A_1955 = arith.mulf %get3A_1917, %mul3A_1954 : vector<16xf32>
    %swap3A_1956 = arith.constant 592 : index
    %swap3A_1957 = tpu.vector_load %arg13[%swap3A_1956] {strides = array<i32>} : memref<640xf32, #tpu.memory_space<vmem>>, vector<16xf32>,
    tpu.vector_store %arg13[%swap3A_1956], %mul3A_1955 {strides = array<i32>} : memref<640xf32, #tpu.memory_space<vmem>>, vector<16xf32>,
    %get3A_1958 = arith.constant 608 : index
    %get3A_1959 = tpu.vector_load %arg13[%get3A_1958] {strides = array<i32>} : memref<640xf32, #tpu.memory_space<vmem>>, vector<16xf32>,
    %get3A_1960 = arith.constant 608 : index
    %get3A_1961 = tpu.vector_load %arg12[%get3A_1960] {strides = array<i32>} : memref<640xf32, #tpu.memory_space<vmem>>, vector<16xf32>,
    %bitcast3A_1962 = vector.bitcast %get3A_1961 : vector<16xf32> to vector<16xi32>
    %broadcast_in_dim3A_1963 = arith.constant 1597463007 : i32
    %broadcast_in_dim3A_1964 = vector.broadcast %broadcast_in_dim3A_1963 : i32 to vector<16xi32>
    %shift_right_arithmetic3A_1965 = arith.constant 1 : i32
    %shift_right_arithmetic3A_1966 = vector.broadcast %shift_right_arithmetic3A_1965 : i32 to vector<16xi32>
    %shift_right_arithmetic3A_1967 = arith.shrsi %bitcast3A_1962, %shift_right_arithmetic3A_1966 : vector<16xi32>
    %sub3A_1968 = arith.subi %broadcast_in_dim3A_1964, %shift_right_arithmetic3A_1967 : vector<16xi32>
    %bitcast3A_1969 = vector.bitcast %sub3A_1968 : vector<16xi32> to vector<16xf32>
    %mul3A_1970 = arith.constant 5.000000e-01 : f32
    %mul3A_1971 = vector.broadcast %mul3A_1970 : f32 to vector<16xf32>
    %mul3A_1972 = arith.mulf %mul3A_1971, %get3A_1961 : vector<16xf32>
    %mul3A_1973 = arith.mulf %mul3A_1972, %bitcast3A_1969 : vector<16xf32>
    %mul3A_1974 = arith.mulf %mul3A_1973, %bitcast3A_1969 : vector<16xf32>
    %sub3A_1975 = arith.constant 1.500000e+00 : f32
    %sub3A_1976 = vector.broadcast %sub3A_1975 : f32 to vector<16xf32>
    %sub3A_1977 = arith.subf %sub3A_1976, %mul3A_1974 : vector<16xf32>
    %mul3A_1978 = arith.mulf %bitcast3A_1969, %sub3A_1977 : vector<16xf32>
    %mul3A_1979 = arith.constant 5.000000e-01 : f32
    %mul3A_1980 = vector.broadcast %mul3A_1979 : f32 to vector<16xf32>
    %mul3A_1981 = arith.mulf %mul3A_1980, %get3A_1961 : vector<16xf32>
    %mul3A_1982 = arith.mulf %mul3A_1981, %mul3A_1978 : vector<16xf32>
    %mul3A_1983 = arith.mulf %mul3A_1982, %mul3A_1978 : vector<16xf32>
    %sub3A_1984 = arith.constant 1.500000e+00 : f32
    %sub3A_1985 = vector.broadcast %sub3A_1984 : f32 to vector<16xf32>
    %sub3A_1986 = arith.subf %sub3A_1985, %mul3A_1983 : vector<16xf32>
    %mul3A_1987 = arith.mulf %mul3A_1978, %sub3A_1986 : vector<16xf32>
    %mul3A_1988 = arith.constant 5.000000e-01 : f32
    %mul3A_1989 = vector.broadcast %mul3A_1988 : f32 to vector<16xf32>
    %mul3A_1990 = arith.mulf %mul3A_1989, %get3A_1961 : vector<16xf32>
    %mul3A_1991 = arith.mulf %mul3A_1990, %mul3A_1987 : vector<16xf32>
    %mul3A_1992 = arith.mulf %mul3A_1991, %mul3A_1987 : vector<16xf32>
    %sub3A_1993 = arith.constant 1.500000e+00 : f32
    %sub3A_1994 = vector.broadcast %sub3A_1993 : f32 to vector<16xf32>
    %sub3A_1995 = arith.subf %sub3A_1994, %mul3A_1992 : vector<16xf32>
    %mul3A_1996 = arith.mulf %mul3A_1987, %sub3A_1995 : vector<16xf32>
    %mul3A_1997 = arith.mulf %get3A_1959, %mul3A_1996 : vector<16xf32>
    %swap3A_1998 = arith.constant 608 : index
    %swap3A_1999 = tpu.vector_load %arg13[%swap3A_1998] {strides = array<i32>} : memref<640xf32, #tpu.memory_space<vmem>>, vector<16xf32>,
    tpu.vector_store %arg13[%swap3A_1998], %mul3A_1997 {strides = array<i32>} : memref<640xf32, #tpu.memory_space<vmem>>, vector<16xf32>,
    %get3A_2000 = arith.constant 624 : index
    %get3A_2001 = tpu.vector_load %arg13[%get3A_2000] {strides = array<i32>} : memref<640xf32, #tpu.memory_space<vmem>>, vector<16xf32>,
    %get3A_2002 = arith.constant 624 : index
    %get3A_2003 = tpu.vector_load %arg12[%get3A_2002] {strides = array<i32>} : memref<640xf32, #tpu.memory_space<vmem>>, vector<16xf32>,
    %bitcast3A_2004 = vector.bitcast %get3A_2003 : vector<16xf32> to vector<16xi32>
    %broadcast_in_dim3A_2005 = arith.constant 1597463007 : i32
    %broadcast_in_dim3A_2006 = vector.broadcast %broadcast_in_dim3A_2005 : i32 to vector<16xi32>
    %shift_right_arithmetic3A_2007 = arith.constant 1 : i32
    %shift_right_arithmetic3A_2008 = vector.broadcast %shift_right_arithmetic3A_2007 : i32 to vector<16xi32>
    %shift_right_arithmetic3A_2009 = arith.shrsi %bitcast3A_2004, %shift_right_arithmetic3A_2008 : vector<16xi32>
    %sub3A_2010 = arith.subi %broadcast_in_dim3A_2006, %shift_right_arithmetic3A_2009 : vector<16xi32>
    %bitcast3A_2011 = vector.bitcast %sub3A_2010 : vector<16xi32> to vector<16xf32>
    %mul3A_2012 = arith.constant 5.000000e-01 : f32
    %mul3A_2013 = vector.broadcast %mul3A_2012 : f32 to vector<16xf32>
    %mul3A_2014 = arith.mulf %mul3A_2013, %get3A_2003 : vector<16xf32>
    %mul3A_2015 = arith.mulf %mul3A_2014, %bitcast3A_2011 : vector<16xf32>
    %mul3A_2016 = arith.mulf %mul3A_2015, %bitcast3A_2011 : vector<16xf32>
    %sub3A_2017 = arith.constant 1.500000e+00 : f32
    %sub3A_2018 = vector.broadcast %sub3A_2017 : f32 to vector<16xf32>
    %sub3A_2019 = arith.subf %sub3A_2018, %mul3A_2016 : vector<16xf32>
    %mul3A_2020 = arith.mulf %bitcast3A_2011, %sub3A_2019 : vector<16xf32>
    %mul3A_2021 = arith.constant 5.000000e-01 : f32
    %mul3A_2022 = vector.broadcast %mul3A_2021 : f32 to vector<16xf32>
    %mul3A_2023 = arith.mulf %mul3A_2022, %get3A_2003 : vector<16xf32>
    %mul3A_2024 = arith.mulf %mul3A_2023, %mul3A_2020 : vector<16xf32>
    %mul3A_2025 = arith.mulf %mul3A_2024, %mul3A_2020 : vector<16xf32>
    %sub3A_2026 = arith.constant 1.500000e+00 : f32
    %sub3A_2027 = vector.broadcast %sub3A_2026 : f32 to vector<16xf32>
    %sub3A_2028 = arith.subf %sub3A_2027, %mul3A_2025 : vector<16xf32>
    %mul3A_2029 = arith.mulf %mul3A_2020, %sub3A_2028 : vector<16xf32>
    %mul3A_2030 = arith.constant 5.000000e-01 : f32
    %mul3A_2031 = vector.broadcast %mul3A_2030 : f32 to vector<16xf32>
    %mul3A_2032 = arith.mulf %mul3A_2031, %get3A_2003 : vector<16xf32>
    %mul3A_2033 = arith.mulf %mul3A_2032, %mul3A_2029 : vector<16xf32>
    %mul3A_2034 = arith.mulf %mul3A_2033, %mul3A_2029 : vector<16xf32>
    %sub3A_2035 = arith.constant 1.500000e+00 : f32
    %sub3A_2036 = vector.broadcast %sub3A_2035 : f32 to vector<16xf32>
    %sub3A_2037 = arith.subf %sub3A_2036, %mul3A_2034 : vector<16xf32>
    %mul3A_2038 = arith.mulf %mul3A_2029, %sub3A_2037 : vector<16xf32>
    %mul3A_2039 = arith.mulf %get3A_2001, %mul3A_2038 : vector<16xf32>
    %swap3A_2040 = arith.constant 624 : index
    %swap3A_2041 = tpu.vector_load %arg13[%swap3A_2040] {strides = array<i32>} : memref<640xf32, #tpu.memory_space<vmem>>, vector<16xf32>,
    tpu.vector_store %arg13[%swap3A_2040], %mul3A_2039 {strides = array<i32>} : memref<640xf32, #tpu.memory_space<vmem>>, vector<16xf32>,
    "tpu.region"() ({
      %run_scoped3A = tpu.sem_alloc : memref<!tpu.dma_semaphore, #tpu.memory_space<semaphore_mem>>
      %dma_start3A = tpu.memref_slice %arg17[%mul3A_0] : memref<10240xf32, #tpu.memory_space<vmem_shared>> -> memref<640xf32, #tpu.memory_space<vmem_shared>>
      %dma_start3A_2058 = tpu.memref_slice %arg17[%mul3A_0] : memref<10240xf32, #tpu.memory_space<vmem_shared>> -> memref<640xf32, #tpu.memory_space<vmem_shared>>
      tpu.enqueue_dma source(%arg13 : memref<640xf32, #tpu.memory_space<vmem>>) target(%dma_start3A_2058 : memref<640xf32, #tpu.memory_space<vmem_shared>>) target_semaphore(%run_scoped3A : memref<!tpu.dma_semaphore, #tpu.memory_space<semaphore_mem>>)
      %dma_wait3A = tpu.memref_slice %arg17[%mul3A_0] : memref<10240xf32, #tpu.memory_space<vmem_shared>> -> memref<640xf32, #tpu.memory_space<vmem_shared>>
      %dma_wait3A_2059 = tpu.memref_slice %arg17[%mul3A_0] : memref<10240xf32, #tpu.memory_space<vmem_shared>> -> memref<640xf32, #tpu.memory_space<vmem_shared>>
      tpu.wait_dma2 semaphore(%run_scoped3A : memref<!tpu.dma_semaphore, #tpu.memory_space<semaphore_mem>>) src(%arg13 : memref<640xf32, #tpu.memory_space<vmem>>) dst(%dma_wait3A_2059 : memref<640xf32, #tpu.memory_space<vmem_shared>>)
      tpu.yield
    }) : () -> ()
    %barrier3A_2042 = arith.constant 0 : index
    tpu.barrier barrier_id(%barrier3A_2042)
    "tpu.region"() ({
      %run_scoped3A = tpu.sem_alloc : memref<!tpu.dma_semaphore, #tpu.memory_space<semaphore_mem>>
      tpu.enqueue_dma source(%arg17 : memref<10240xf32, #tpu.memory_space<vmem_shared>>) target(%arg10 : memref<10240xf32, #tpu.memory_space<vmem>>) target_semaphore(%run_scoped3A : memref<!tpu.dma_semaphore, #tpu.memory_space<semaphore_mem>>)
      tpu.wait_dma2 semaphore(%run_scoped3A : memref<!tpu.dma_semaphore, #tpu.memory_space<semaphore_mem>>) src(%arg17 : memref<10240xf32, #tpu.memory_space<vmem_shared>>) dst(%arg10 : memref<10240xf32, #tpu.memory_space<vmem>>)
      tpu.yield
    }) : () -> ()
    %scan3A_2043 = arith.constant 0 : i32
    %scan3A_2044 = arith.constant 80 : i32
    %scan3A_2045 = arith.addi %scan3A_2043, %scan3A_2044 : i32
    %scan3A_2046 = arith.constant 1 : i32
    scf.for %scan3A_2058 = %scan3A_2043 to %scan3A_2045 step %scan3A_2046  : i32 {
      %mul3A_2059 = arith.constant 1 : i32
      %mul3A_2060 = arith.muli %scan3A_2058, %mul3A_2059 : i32
      %add3A_2061 = arith.constant 0 : i32
      %add3A_2062 = arith.addi %add3A_2061, %mul3A_2060 : i32
      %mul3A_2063 = arith.constant 128 : i32
      %mul3A_2064 = arith.muli %add3A_2062, %mul3A_2063 : i32
      %add3A_2065 = arith.constant 0 : i32
      %add3A_2066 = arith.addi %mul3A_2064, %add3A_2065 : i32
      %get3A_2067 = arith.index_cast %add3A_2066 : i32 to index
      %get3A_2068 = tpu.vector_load %arg8[%get3A_2067] {strides = array<i32>} : memref<10240xi32, #tpu.memory_space<vmem>>, vector<16xi32>,
      %gather3A = tpu.vector_load_idx %arg10[%get3A_2068] : memref<10240xf32, #tpu.memory_space<vmem>>[vector<16xi32>], vector<16xf32>,
      %swap3A_2069 = arith.index_cast %add3A_2062 : i32 to index
      %swap3A_2070 = arith.constant 0 : index
      %swap3A_2071 = tpu.vector_load %arg11[%swap3A_2069, %swap3A_2070] {strides = array<i32>} : memref<80x128xf32, #tpu.memory_space<vmem>>, vector<16xf32>,
      tpu.vector_store %arg11[%swap3A_2069, %swap3A_2070], %gather3A {strides = array<i32>} : memref<80x128xf32, #tpu.memory_space<vmem>>, vector<16xf32>,
      %mul3A_2072 = arith.constant 128 : i32
      %mul3A_2073 = arith.muli %add3A_2062, %mul3A_2072 : i32
      %add3A_2074 = arith.constant 16 : i32
      %add3A_2075 = arith.addi %mul3A_2073, %add3A_2074 : i32
      %get3A_2076 = arith.index_cast %add3A_2075 : i32 to index
      %get3A_2077 = tpu.vector_load %arg8[%get3A_2076] {strides = array<i32>} : memref<10240xi32, #tpu.memory_space<vmem>>, vector<16xi32>,
      %gather3A_2078 = tpu.vector_load_idx %arg10[%get3A_2077] : memref<10240xf32, #tpu.memory_space<vmem>>[vector<16xi32>], vector<16xf32>,
      %swap3A_2079 = arith.index_cast %add3A_2062 : i32 to index
      %swap3A_2080 = arith.constant 16 : index
      %swap3A_2081 = tpu.vector_load %arg11[%swap3A_2079, %swap3A_2080] {strides = array<i32>} : memref<80x128xf32, #tpu.memory_space<vmem>>, vector<16xf32>,
      tpu.vector_store %arg11[%swap3A_2079, %swap3A_2080], %gather3A_2078 {strides = array<i32>} : memref<80x128xf32, #tpu.memory_space<vmem>>, vector<16xf32>,
      %mul3A_2082 = arith.constant 128 : i32
      %mul3A_2083 = arith.muli %add3A_2062, %mul3A_2082 : i32
      %add3A_2084 = arith.constant 32 : i32
      %add3A_2085 = arith.addi %mul3A_2083, %add3A_2084 : i32
      %get3A_2086 = arith.index_cast %add3A_2085 : i32 to index
      %get3A_2087 = tpu.vector_load %arg8[%get3A_2086] {strides = array<i32>} : memref<10240xi32, #tpu.memory_space<vmem>>, vector<16xi32>,
      %gather3A_2088 = tpu.vector_load_idx %arg10[%get3A_2087] : memref<10240xf32, #tpu.memory_space<vmem>>[vector<16xi32>], vector<16xf32>,
      %swap3A_2089 = arith.index_cast %add3A_2062 : i32 to index
      %swap3A_2090 = arith.constant 32 : index
      %swap3A_2091 = tpu.vector_load %arg11[%swap3A_2089, %swap3A_2090] {strides = array<i32>} : memref<80x128xf32, #tpu.memory_space<vmem>>, vector<16xf32>,
      tpu.vector_store %arg11[%swap3A_2089, %swap3A_2090], %gather3A_2088 {strides = array<i32>} : memref<80x128xf32, #tpu.memory_space<vmem>>, vector<16xf32>,
      %mul3A_2092 = arith.constant 128 : i32
      %mul3A_2093 = arith.muli %add3A_2062, %mul3A_2092 : i32
      %add3A_2094 = arith.constant 48 : i32
      %add3A_2095 = arith.addi %mul3A_2093, %add3A_2094 : i32
      %get3A_2096 = arith.index_cast %add3A_2095 : i32 to index
      %get3A_2097 = tpu.vector_load %arg8[%get3A_2096] {strides = array<i32>} : memref<10240xi32, #tpu.memory_space<vmem>>, vector<16xi32>,
      %gather3A_2098 = tpu.vector_load_idx %arg10[%get3A_2097] : memref<10240xf32, #tpu.memory_space<vmem>>[vector<16xi32>], vector<16xf32>,
      %swap3A_2099 = arith.index_cast %add3A_2062 : i32 to index
      %swap3A_2100 = arith.constant 48 : index
      %swap3A_2101 = tpu.vector_load %arg11[%swap3A_2099, %swap3A_2100] {strides = array<i32>} : memref<80x128xf32, #tpu.memory_space<vmem>>, vector<16xf32>,
      tpu.vector_store %arg11[%swap3A_2099, %swap3A_2100], %gather3A_2098 {strides = array<i32>} : memref<80x128xf32, #tpu.memory_space<vmem>>, vector<16xf32>,
      %mul3A_2102 = arith.constant 128 : i32
      %mul3A_2103 = arith.muli %add3A_2062, %mul3A_2102 : i32
      %add3A_2104 = arith.constant 64 : i32
      %add3A_2105 = arith.addi %mul3A_2103, %add3A_2104 : i32
      %get3A_2106 = arith.index_cast %add3A_2105 : i32 to index
      %get3A_2107 = tpu.vector_load %arg8[%get3A_2106] {strides = array<i32>} : memref<10240xi32, #tpu.memory_space<vmem>>, vector<16xi32>,
      %gather3A_2108 = tpu.vector_load_idx %arg10[%get3A_2107] : memref<10240xf32, #tpu.memory_space<vmem>>[vector<16xi32>], vector<16xf32>,
      %swap3A_2109 = arith.index_cast %add3A_2062 : i32 to index
      %swap3A_2110 = arith.constant 64 : index
      %swap3A_2111 = tpu.vector_load %arg11[%swap3A_2109, %swap3A_2110] {strides = array<i32>} : memref<80x128xf32, #tpu.memory_space<vmem>>, vector<16xf32>,
      tpu.vector_store %arg11[%swap3A_2109, %swap3A_2110], %gather3A_2108 {strides = array<i32>} : memref<80x128xf32, #tpu.memory_space<vmem>>, vector<16xf32>,
      %mul3A_2112 = arith.constant 128 : i32
      %mul3A_2113 = arith.muli %add3A_2062, %mul3A_2112 : i32
      %add3A_2114 = arith.constant 80 : i32
      %add3A_2115 = arith.addi %mul3A_2113, %add3A_2114 : i32
      %get3A_2116 = arith.index_cast %add3A_2115 : i32 to index
      %get3A_2117 = tpu.vector_load %arg8[%get3A_2116] {strides = array<i32>} : memref<10240xi32, #tpu.memory_space<vmem>>, vector<16xi32>,
      %gather3A_2118 = tpu.vector_load_idx %arg10[%get3A_2117] : memref<10240xf32, #tpu.memory_space<vmem>>[vector<16xi32>], vector<16xf32>,
      %swap3A_2119 = arith.index_cast %add3A_2062 : i32 to index
      %swap3A_2120 = arith.constant 80 : index
      %swap3A_2121 = tpu.vector_load %arg11[%swap3A_2119, %swap3A_2120] {strides = array<i32>} : memref<80x128xf32, #tpu.memory_space<vmem>>, vector<16xf32>,
      tpu.vector_store %arg11[%swap3A_2119, %swap3A_2120], %gather3A_2118 {strides = array<i32>} : memref<80x128xf32, #tpu.memory_space<vmem>>, vector<16xf32>,
      %mul3A_2122 = arith.constant 128 : i32
      %mul3A_2123 = arith.muli %add3A_2062, %mul3A_2122 : i32
      %add3A_2124 = arith.constant 96 : i32
      %add3A_2125 = arith.addi %mul3A_2123, %add3A_2124 : i32
      %get3A_2126 = arith.index_cast %add3A_2125 : i32 to index
      %get3A_2127 = tpu.vector_load %arg8[%get3A_2126] {strides = array<i32>} : memref<10240xi32, #tpu.memory_space<vmem>>, vector<16xi32>,
      %gather3A_2128 = tpu.vector_load_idx %arg10[%get3A_2127] : memref<10240xf32, #tpu.memory_space<vmem>>[vector<16xi32>], vector<16xf32>,
      %swap3A_2129 = arith.index_cast %add3A_2062 : i32 to index
      %swap3A_2130 = arith.constant 96 : index
      %swap3A_2131 = tpu.vector_load %arg11[%swap3A_2129, %swap3A_2130] {strides = array<i32>} : memref<80x128xf32, #tpu.memory_space<vmem>>, vector<16xf32>,
      tpu.vector_store %arg11[%swap3A_2129, %swap3A_2130], %gather3A_2128 {strides = array<i32>} : memref<80x128xf32, #tpu.memory_space<vmem>>, vector<16xf32>,
      %mul3A_2132 = arith.constant 128 : i32
      %mul3A_2133 = arith.muli %add3A_2062, %mul3A_2132 : i32
      %add3A_2134 = arith.constant 112 : i32
      %add3A_2135 = arith.addi %mul3A_2133, %add3A_2134 : i32
      %get3A_2136 = arith.index_cast %add3A_2135 : i32 to index
      %get3A_2137 = tpu.vector_load %arg8[%get3A_2136] {strides = array<i32>} : memref<10240xi32, #tpu.memory_space<vmem>>, vector<16xi32>,
      %gather3A_2138 = tpu.vector_load_idx %arg10[%get3A_2137] : memref<10240xf32, #tpu.memory_space<vmem>>[vector<16xi32>], vector<16xf32>,
      %swap3A_2139 = arith.index_cast %add3A_2062 : i32 to index
      %swap3A_2140 = arith.constant 112 : index
      %swap3A_2141 = tpu.vector_load %arg11[%swap3A_2139, %swap3A_2140] {strides = array<i32>} : memref<80x128xf32, #tpu.memory_space<vmem>>, vector<16xf32>,
      tpu.vector_store %arg11[%swap3A_2139, %swap3A_2140], %gather3A_2138 {strides = array<i32>} : memref<80x128xf32, #tpu.memory_space<vmem>>, vector<16xf32>,
      "tpu.region"() ({
        %run_scoped3A = tpu.sem_alloc : memref<!tpu.dma_semaphore, #tpu.memory_space<semaphore_mem>>
        %dma_start3A = arith.constant 0 : i32
        %dma_start3A_2142 = tpu.memref_slice %arg11[%add3A_2062, %dma_start3A] : memref<80x128xf32, #tpu.memory_space<vmem>> -> memref<1x128xf32, #tpu.memory_space<vmem>>
        %dma_start3A_2143 = tpu.memref_squeeze %dma_start3A_2142 : memref<1x128xf32, #tpu.memory_space<vmem>> -> memref<128xf32, #tpu.memory_space<vmem>>
        %dma_start3A_2144 = arith.constant 0 : i32
        %dma_start3A_2145 = tpu.memref_slice %arg9[%add3A_2062, %dma_start3A_2144] : memref<80x128xi32, #tpu.memory_space<vmem>> -> memref<1x128xi32, #tpu.memory_space<vmem>>
        %dma_start3A_2146 = tpu.memref_squeeze %dma_start3A_2145 : memref<1x128xi32, #tpu.memory_space<vmem>> -> memref<128xi32, #tpu.memory_space<vmem>>
        %dma_start3A_2147 = arith.constant 0 : i32
        %dma_start3A_2148 = tpu.memref_slice %arg16[%dma_start3A_2147] : memref<10240xf32, #tpu.memory_space<vmem_shared>> -> memref<10240xf32, #tpu.memory_space<vmem_shared>>
        tpu.enqueue_indirect_dma source(%dma_start3A_2143 : memref<128xf32, #tpu.memory_space<vmem>>) target(%dma_start3A_2148 : memref<10240xf32, #tpu.memory_space<vmem_shared>>) offsets(%dma_start3A_2146 : memref<128xi32, #tpu.memory_space<vmem>>) semaphore(%run_scoped3A : memref<!tpu.dma_semaphore, #tpu.memory_space<semaphore_mem>>) {add = true}
        %dma_wait3A = arith.constant 0 : i32
        %dma_wait3A_2149 = tpu.memref_slice %arg11[%add3A_2062, %dma_wait3A] : memref<80x128xf32, #tpu.memory_space<vmem>> -> memref<1x128xf32, #tpu.memory_space<vmem>>
        %dma_wait3A_2150 = tpu.memref_squeeze %dma_wait3A_2149 : memref<1x128xf32, #tpu.memory_space<vmem>> -> memref<128xf32, #tpu.memory_space<vmem>>
        %dma_wait3A_2151 = arith.constant 0 : i32
        %dma_wait3A_2152 = tpu.memref_slice %arg9[%add3A_2062, %dma_wait3A_2151] : memref<80x128xi32, #tpu.memory_space<vmem>> -> memref<1x128xi32, #tpu.memory_space<vmem>>
        %dma_wait3A_2153 = tpu.memref_squeeze %dma_wait3A_2152 : memref<1x128xi32, #tpu.memory_space<vmem>> -> memref<128xi32, #tpu.memory_space<vmem>>
        %dma_wait3A_2154 = arith.constant 0 : i32
        %dma_wait3A_2155 = tpu.memref_slice %arg16[%dma_wait3A_2154] : memref<10240xf32, #tpu.memory_space<vmem_shared>> -> memref<10240xf32, #tpu.memory_space<vmem_shared>>
        tpu.wait_indirect_dma semaphore(%run_scoped3A : memref<!tpu.dma_semaphore, #tpu.memory_space<semaphore_mem>>) src(%dma_wait3A_2150 : memref<128xf32, #tpu.memory_space<vmem>>) dst(%dma_wait3A_2155 : memref<10240xf32, #tpu.memory_space<vmem_shared>>)
        tpu.yield
      }) : () -> ()
    }
    %scan3A_2047 = arith.constant 80 : i32
    %barrier3A_2048 = arith.constant 0 : index
    tpu.barrier barrier_id(%barrier3A_2048)
    %eq3A = arith.constant 0 : i32
    %eq3A_2049 = arith.cmpi eq, %arg1, %eq3A : i32
    %convert_element_type3A = arith.extui %eq3A_2049 : i1 to i32
    %cond3A = arith.constant 0 : i32
    %cond3A_2050 = arith.cmpi ne, %convert_element_type3A, %cond3A : i32
    scf.if %cond3A_2050 {
      "tpu.region"() ({
        %run_scoped3A = tpu.sem_alloc : memref<!tpu.dma_semaphore, #tpu.memory_space<semaphore_mem>>
        %dma_start3A = arith.constant 0 : i32
        %dma_start3A_2058 = tpu.memref_slice %arg5[%arg0, %dma_start3A] : memref<2x10240xf32, #tpu.memory_space<hbm>> -> memref<1x10240xf32, #tpu.memory_space<hbm>>
        %dma_start3A_2059 = tpu.memref_squeeze %dma_start3A_2058 : memref<1x10240xf32, #tpu.memory_space<hbm>> -> memref<10240xf32, #tpu.memory_space<hbm>>
        tpu.enqueue_dma source(%arg16 : memref<10240xf32, #tpu.memory_space<vmem_shared>>) target(%dma_start3A_2059 : memref<10240xf32, #tpu.memory_space<hbm>>) target_semaphore(%run_scoped3A : memref<!tpu.dma_semaphore, #tpu.memory_space<semaphore_mem>>)
        %dma_wait3A = arith.constant 0 : i32
        %dma_wait3A_2060 = tpu.memref_slice %arg5[%arg0, %dma_wait3A] : memref<2x10240xf32, #tpu.memory_space<hbm>> -> memref<1x10240xf32, #tpu.memory_space<hbm>>
        %dma_wait3A_2061 = tpu.memref_squeeze %dma_wait3A_2060 : memref<1x10240xf32, #tpu.memory_space<hbm>> -> memref<10240xf32, #tpu.memory_space<hbm>>
        tpu.wait_dma2 semaphore(%run_scoped3A : memref<!tpu.dma_semaphore, #tpu.memory_space<semaphore_mem>>) src(%arg16 : memref<10240xf32, #tpu.memory_space<vmem_shared>>) dst(%dma_wait3A_2061 : memref<10240xf32, #tpu.memory_space<hbm>>)
        tpu.yield
      }) : () -> ()
    } else {
    }
    %eq3A_2051 = arith.constant 0 : i32
    %eq3A_2052 = arith.cmpi eq, %arg1, %eq3A_2051 : i32
    %eq3A_2053 = arith.constant 0 : i32
    %eq3A_2054 = arith.cmpi eq, %arg0, %eq3A_2053 : i32
    %and3A = arith.andi %eq3A_2052, %eq3A_2054 : i1
    %convert_element_type3A_2055 = arith.extui %and3A : i1 to i32
    %cond3A_2056 = arith.constant 0 : i32
    %cond3A_2057 = arith.cmpi ne, %convert_element_type3A_2055, %cond3A_2056 : i32
    scf.if %cond3A_2057 {
      "tpu.region"() ({
        %run_scoped3A = tpu.sem_alloc : memref<!tpu.dma_semaphore, #tpu.memory_space<semaphore_mem>>
        tpu.enqueue_dma source(%arg15 : memref<10240xf32, #tpu.memory_space<vmem_shared>>) target(%arg6 : memref<10240xf32, #tpu.memory_space<hbm>>) target_semaphore(%run_scoped3A : memref<!tpu.dma_semaphore, #tpu.memory_space<semaphore_mem>>)
        tpu.wait_dma2 semaphore(%run_scoped3A : memref<!tpu.dma_semaphore, #tpu.memory_space<semaphore_mem>>) src(%arg15 : memref<10240xf32, #tpu.memory_space<vmem_shared>>) dst(%arg6 : memref<10240xf32, #tpu.memory_space<hbm>>)
        tpu.yield
      }) : () -> ()
    } else {
    }
    return
  }
}

module attributes {stable_mosaic.version = 14 : i64} {
  func.func @_matvec_body(%arg0: memref<10000x128xf32, #tpu.memory_space<vmem>>, %arg1: memref<1x128xf32, #tpu.memory_space<vmem>>, %arg2: memref<10000x1xf32, #tpu.memory_space<vmem>>) attributes {dimension_semantics = [], scalar_prefetch = 0 : i64, scratch_operands = 0 : i64, tpu.core_type = #tpu.core_type<tc>} {
    %get3A = arith.constant 0 : index
    %get3A_0 = arith.constant 0 : index
    %get3A_1 = vector.load %arg0[%get3A, %get3A_0] : memref<10000x128xf32, #tpu.memory_space<vmem>>, vector<10000x128xf32>
    %get3A_2 = arith.constant 0 : index
    %get3A_3 = arith.constant 0 : index
    %get3A_4 = vector.load %arg1[%get3A_2, %get3A_3] : memref<1x128xf32, #tpu.memory_space<vmem>>, vector<1x128xf32>
    %mul3A = vector.broadcast %get3A_4 : vector<1x128xf32> to vector<10000x128xf32>
    %mul3A_5 = arith.mulf %get3A_1, %mul3A : vector<10000x128xf32>
    %reduce_sum3A = arith.constant dense<0.000000e+00> : vector<10000xf32>
    %reduce_sum3A_6 = vector.multi_reduction <add>, %mul3A_5, %reduce_sum3A [1] : vector<10000x128xf32> to vector<10000xf32>
    %broadcast_in_dim3A = vector.shape_cast %reduce_sum3A_6 : vector<10000xf32> to vector<10000x1xf32>
    %swap3A = arith.constant 0 : index
    %swap3A_7 = arith.constant 0 : index
    %swap3A_8 = vector.load %arg2[%swap3A, %swap3A_7] : memref<10000x1xf32, #tpu.memory_space<vmem>>, vector<10000x1xf32>
    tpu.vector_store %arg2[%swap3A, %swap3A_7], %broadcast_in_dim3A {strides = array<i32>} : memref<10000x1xf32, #tpu.memory_space<vmem>>, vector<10000x1xf32>,
    return
  }
}

module attributes {stable_mosaic.version = 14 : i64} {
  func.func @_final_body(%arg0: memref<2x80x128xf32, #tpu.memory_space<vmem>>, %arg1: memref<80x128xf32, #tpu.memory_space<vmem>>, %arg2: memref<80x128xf32, #tpu.memory_space<vmem>>, %arg3: memref<8x128xf32, #tpu.memory_space<vmem>>, %arg4: memref<80x128xf32, #tpu.memory_space<vmem>>) attributes {dimension_semantics = [], scalar_prefetch = 0 : i64, scratch_operands = 0 : i64, tpu.core_type = #tpu.core_type<tc>} {
    %get3A = arith.constant 0 : index
    %get3A_0 = arith.constant 0 : index
    %get3A_1 = arith.constant 0 : index
    %get3A_2 = vector.load %arg0[%get3A, %get3A_0, %get3A_1] : memref<2x80x128xf32, #tpu.memory_space<vmem>>, vector<1x80x128xf32>
    %get3A_3 = vector.shape_cast %get3A_2 : vector<1x80x128xf32> to vector<80x128xf32>
    %get3A_4 = arith.constant 1 : index
    %get3A_5 = arith.constant 0 : index
    %get3A_6 = arith.constant 0 : index
    %get3A_7 = vector.load %arg0[%get3A_4, %get3A_5, %get3A_6] : memref<2x80x128xf32, #tpu.memory_space<vmem>>, vector<1x80x128xf32>
    %get3A_8 = vector.shape_cast %get3A_7 : vector<1x80x128xf32> to vector<80x128xf32>
    %add3A = arith.addf %get3A_3, %get3A_8 : vector<80x128xf32>
    %get3A_9 = arith.constant 0 : index
    %get3A_10 = arith.constant 0 : index
    %get3A_11 = vector.load %arg1[%get3A_9, %get3A_10] : memref<80x128xf32, #tpu.memory_space<vmem>>, vector<80x128xf32>
    %rsqrt3A = math.rsqrt %get3A_11 : vector<80x128xf32>
    %get3A_12 = arith.constant 0 : index
    %get3A_13 = arith.constant 0 : index
    %get3A_14 = vector.load %arg2[%get3A_12, %get3A_13] : memref<80x128xf32, #tpu.memory_space<vmem>>, vector<80x128xf32>
    %mul3A = arith.mulf %get3A_14, %rsqrt3A : vector<80x128xf32>
    %add3A_15 = arith.addf %add3A, %mul3A : vector<80x128xf32>
    %mul3A_16 = arith.mulf %rsqrt3A, %add3A_15 : vector<80x128xf32>
    %get3A_17 = arith.constant 0 : index
    %get3A_18 = arith.constant 0 : index
    %get3A_19 = vector.load %arg3[%get3A_17, %get3A_18] : memref<8x128xf32, #tpu.memory_space<vmem>>, vector<1x1xf32>
    %add3A_20 = vector.broadcast %get3A_19 : vector<1x1xf32> to vector<80x128xf32>
    %add3A_21 = arith.addf %mul3A_16, %add3A_20 : vector<80x128xf32>
    %max3A = arith.constant 0.000000e+00 : f32
    %max3A_22 = vector.broadcast %max3A : f32 to vector<80x128xf32>
    %max3A_23 = arith.maximumf %add3A_21, %max3A_22 : vector<80x128xf32>
    %abs3A = math.absf %add3A_21 : vector<80x128xf32>
    %neg3A = arith.constant 0.000000e+00 : f32
    %neg3A_24 = vector.broadcast %neg3A : f32 to vector<80x128xf32>
    %neg3A_25 = arith.subf %neg3A_24, %abs3A : vector<80x128xf32>
    %exp3A = math.exp %neg3A_25 : vector<80x128xf32>
    %log1p3A = math.log1p %exp3A : vector<80x128xf32>
    %add3A_26 = arith.addf %max3A_23, %log1p3A : vector<80x128xf32>
    %swap3A = arith.constant 0 : index
    %swap3A_27 = arith.constant 0 : index
    %swap3A_28 = vector.load %arg4[%swap3A, %swap3A_27] : memref<80x128xf32, #tpu.memory_space<vmem>>, vector<80x128xf32>
    tpu.vector_store %arg4[%swap3A, %swap3A_27], %add3A_26 {strides = array<i32>} : memref<80x128xf32, #tpu.memory_space<vmem>>, vector<80x128xf32>,
    return
  }
}

</mosaic_0001>

<sc_bundles>
// kernel: kernel.5.cloned.1.call-start
scs
__scs_entry_jumppad:
0x0: {  	(pc) =	sbr.rel $0x88, $3  }
0x1: {  	(tag) =	ssettag $0x0;
	lr =	simm.s32 $0x1  }
0x2: {  	[smem:$0x3F9D] =	sst lr;
	_ =	strace $0xD0000000  }
0x3: {  	_ = 	snop  }
0x4: {  	_ = 	snop  }
0x5: {  	_ = 	snop  }
0x6: {  	_ = 	snop  }
0x7: {  	_ = 	snop  }
__scs_overlays_trampoline_lowered:
0x8: {  	[smem:$0x3FAC] =	sst s0  }
0x9: {  	[smem:$0x3FAD] =	sst s1  }
0xa: {  	[smem:$0x3FAE] =	sst s2  }
0xb: {  	[smem:$0x3FAF] =	sst s3  }
0xc: {  	[smem:$0x3FB0] =	sst s4  }
0xd: {  	[smem:$0x3FB1] =	sst s5  }
0xe: {  	[smem:$0x3FB2] =	sst s6  }
0xf: {  	[smem:$0x3FB3] =	sst s7  }
0x10: {  	[smem:$0x3FB4] =	sst s8  }
0x11: {  	[smem:$0x3FB5] =	sst s9;
	s0 =	simm.s32 @!p0 $0x0  }
0x12: {  	s1 =	sld [smem:$0x3F9B];
	s0 =	simm.s32 @p0 $0x1  }
0x13: {  	[smem:$0x3FB6] =	sst s0;
	s0 =	simm.s32 @!p1 $0x0  }
0x14: {  	s2 =	sld [smem:$0x3F9A];
	s0 =	simm.s32 @p1 $0x1  }
0x15: {  	[smem:$0x3FB7] =	sst s0;
	s0 =	simm.s32 @!p2 $0x0  }
0x16: {  	s3 =	sld [smem:$0x3FDB];
	s0 =	simm.s32 @p2 $0x1  }
0x17: {  	s4 =	simm.s32 $0x1BF5;
	[smem:$0x3FB9] =	sst s0  }
0x18: {  	s0 =	sld [smem:$0x3F9C];
	_ =	swait.ge [sflag:s4], $0x0  }
0x19: {  	s7 =	sld [smem:$0x3F9D]  }
0x1a: {  	s8 =	sadd.s32 $0xFFFFE003, lr  }
0x1b: {  	s9 =	sadd.s32 $0xFFFFFEF7, lr;
	s5 =	simm.s32 $0xFFFFFFFF;
	p2 =	slt.u32 s8, $0xFFFFF086  }
0x1c: {  	p1 =	slt.u32 s9, $0xF7A;
	s5 =	simm.s32 @!p2 $0x0  }
0x1d: {  	s5 =	simm.s32 @p1 $0x1;
	p0 =	seq.s32 s7, s2  }
0x1e: {  	s7 =	smul.u32 @!p0 $0xF7A, s2;
	p2 =	seq.s32 @!p0 s5, $0x0  }
0x1f: {  	s9 =	smul.u32 $0xF7A, s1;
	s8 =	simm.s32 @!p0 $0x1BF5;
	p2 =	por !p2, p0  }
0x20: {  	[sflag:s8] =	ssyncset.s32 @!p0 $0xFFFFF086;
	s6 =	sadd.s32 @!p0 s3, s7;
	s7 =	simm.s32 @!p0 $0x108  }
0x21: {  	s3 =	sadd.s32 s3, s9;
	s6 =	sadd.s32 @!p0 $0x88, s6;
	s7 =	simm.s32 @p2 $0x1082  }
0x22: {  	[simem:s7], [sflag:s8] =	dma.local @!p0 [hbm:s6], $0xF7A  }
0x23: {  	s9 =	sor.u32 $0xD0000000, s2;
	s6 =	simm.s32 $0x108;
	_ =	swait.ge @!p0 [sflag:s8], $0x0  }
0x24: {  	s3 =	sadd.s32 $0x88, s3;
	s6 =	simm.s32 @!p1 $0x1082;
	[sflag:s4] =	ssyncset.s32 $0xFFFFF086  }
0x25: {  	[simem:s6], [sflag:s4] =	dma.local [hbm:s3], $0xF7A  }
0x26: {  	[smem:$0x3F9D] =	sst s1;
	(tag) =	ssettag s2;
	_ =	strace s9  }
0x27: {  	s1 =	sld [smem:$0x3FAD]  }
0x28: {  	s2 =	sld [smem:$0x3FAE]  }
0x29: {  	s4 =	sld [smem:$0x3FB0]  }
0x2a: {  	p0 =	seq.s32 s5, $0x0;
	s5 =	sld [smem:$0x3FB1]  }
0x2b: {  	s6 =	sld [smem:$0x3FB2]  }
0x2c: {  	s7 =	sld [smem:$0x3FB3]  }
0x2d: {  	s3 =	simm.s32 $0x108;
	s8 =	sld [smem:$0x3FB4]  }
0x2e: {  	s3 =	simm.s32 @!p0 $0x1082;
	s9 =	sld [smem:$0x3FB5]  }
0x2f: {  	lr =	sadd.s32 s0, s3;
	s0 =	sld [smem:$0x3FAC]  }
0x30: {  	s3 =	sld [smem:$0x3FAF]  }
0x31: {  	[smem:$0x3FB8] =	sst s10  }
0x32: {  	s10 =	sld [smem:$0x3FB6];
	_ =	sdelay $0x3  }
0x33: {  	p0 =	seq.s32 s10, $0x1;
	s10 =	sld [smem:$0x3FB8];
	_ =	sdelay $0x3  }
0x34: {  	[smem:$0x3FB8] =	sst s10  }
0x35: {  	s10 =	sld [smem:$0x3FB7];
	_ =	sdelay $0x3  }
0x36: {  	p1 =	seq.s32 s10, $0x1;
	s10 =	sld [smem:$0x3FB8];
	_ =	sdelay $0x3  }
0x37: {  	[smem:$0x3FB8] =	sst s10  }
0x38: {  	s10 =	sld [smem:$0x3FB9]  }
0x39: {  	_ = 	snop;
	(pc) =	sbr.ind lr, $3  }
0x3a: {  	_ = 	snop  }
0x3b: {  	_ = 	snop  }
0x3c: {  	p2 =	seq.s32 s10, $0x1;
	s10 =	sld [smem:$0x3FB8]  }
0x3d: {  	_ =	shalt  }
0x3e: {  	_ =	shalt  }
0x3f: {  	_ =	shalt  }
0x40: {  	_ =	shalt  }
0x41: {  	_ =	shalt  }
0x42: {  	_ =	shalt  }
0x43: {  	_ =	shalt  }
0x44: {  	_ =	shalt  }
0x45: {  	_ =	shalt  }
0x46: {  	_ =	shalt  }
0x47: {  	_ =	shalt  }
0x48: {  	_ =	shalt  }
0x49: {  	_ =	shalt  }
0x4a: {  	_ =	shalt  }
0x4b: {  	_ =	shalt  }
0x4c: {  	_ =	shalt  }
0x4d: {  	_ =	shalt  }
0x4e: {  	_ =	shalt  }
0x4f: {  	_ =	shalt  }
0x50: {  	_ =	shalt  }
0x51: {  	_ =	shalt  }
0x52: {  	_ =	shalt  }
0x53: {  	_ =	shalt  }
0x54: {  	_ =	shalt  }
0x55: {  	_ =	shalt  }
0x56: {  	_ =	shalt  }
0x57: {  	_ =	shalt  }
0x58: {  	_ =	shalt  }
0x59: {  	_ =	shalt  }
0x5a: {  	_ =	shalt  }
0x5b: {  	_ =	shalt  }
0x5c: {  	_ =	shalt  }
0x5d: {  	_ =	shalt  }
0x5e: {  	_ =	shalt  }
0x5f: {  	_ =	shalt  }
0x60: {  	_ =	shalt  }
0x61: {  	_ =	shalt  }
0x62: {  	_ =	shalt  }
0x63: {  	_ =	shalt  }
0x64: {  	_ =	shalt  }
0x65: {  	_ =	shalt  }
0x66: {  	_ =	shalt  }
0x67: {  	_ =	shalt  }
0x68: {  	_ =	shalt  }
0x69: {  	_ =	shalt  }
0x6a: {  	_ =	shalt  }
0x6b: {  	_ =	shalt  }
0x6c: {  	_ =	shalt  }
0x6d: {  	_ =	shalt  }
0x6e: {  	_ =	shalt  }
0x6f: {  	_ =	shalt  }
0x70: {  	_ =	shalt  }
0x71: {  	_ =	shalt  }
0x72: {  	_ =	shalt  }
0x73: {  	_ =	shalt  }
0x74: {  	_ =	shalt  }
0x75: {  	_ =	shalt  }
0x76: {  	_ =	shalt  }
0x77: {  	_ =	shalt  }
0x78: {  	_ =	shalt  }
0x79: {  	_ =	shalt  }
0x7a: {  	_ =	shalt  }
0x7b: {  	_ =	shalt  }
0x7c: {  	_ =	shalt  }
0x7d: {  	_ =	shalt  }
0x7e: {  	_ =	shalt  }
0x7f: {  	_ =	shalt  }
0x80: {  	_ =	shalt  }
0x81: {  	_ =	shalt  }
0x82: {  	_ =	shalt  }
0x83: {  	_ =	shalt  }
0x84: {  	_ =	shalt  }
0x85: {  	_ =	shalt  }
0x86: {  	_ =	shalt  }
0x87: {  	_ =	shalt  }
.Lfunc_end0:
.L_simem_size_0:
called_computation_lowered:
.L_overlay_start_0:
0x88: {  	s2 =	sld [smem:$0x3FD9]  }
0x89: {  	s3 =	sld [smem:$0x3FFE];
	_ =	sdelay $0x1  }
0x8a: {  	s1 =	srdreg.scid  }
0x8b: {  	s0 =	sand.u32 $0x1, s1  }
0x8c: {  	s16 =	sshll.u32 s0, $0xA;
	s2 =	sadd.s32 s3, s2  }
0x8d: {  	s2 =	sadd.s32 s2, s16  }
0x8e: {  	[smem:$0x3FC4] =	sst s2  }
0x8f: {  	_ = 	snop  }
0x90: {  	(tm) =	ssettm $0x1  }
0x91: {  	s17 =	sld [smem:$0x3FFB];
	_ =	sdelay $0x3  }
0x92: {  	_ =	strace s17  }
0x93: {  	s2 =	sld [smem:$0x3FFC];
	_ =	sdelay $0x3  }
0x94: {  	_ =	strace s2  }
0x95: {  	s2 =	sld [smem:$0x3FFD];
	_ =	sdelay $0x3  }
0x96: {  	_ =	strace s2  }
0x97: {  	_ =	strace $0x8FFFFFFF  }
0x98: {  	s18 =	sld [smem:$0x3FDB];
	_ =	sdelay $0x1  }
0x99: {  	s19 =	simm.s32 $_scs_section_size  }
0x9a: {  	s4 =	simm.s32 $_size__tile_overlayer_lowered;
	s5 =	simm.s32 $_tile_overlayer_lowered  }
0x9b: {  	s22 =	simm.s32 $0x1BFF;
	s21 =	sshll.u32 s5, $0x1;
	s2 =	sadd.s32 s19, s18  }
0x9c: {  	s6 =	simm.s32 $0x0;
	s20 =	sshll.u32 s4, $0x1;
	s4 =	sadd.s32 s21, s2  }
0x9d: {  	[timem:s6], [sflag:s22] =	dma.local [hbm:s4], s20  }
0x9e: {  	_ =	swait.ge [sflag:s22], s20  }
0x9f: {  	s3 =	ssub.s32 $0x0, s20;
	[sflag:s22] =	ssyncset.done $0x0  }
0xa0: {  	[sflag:s22] =	ssyncadd.s32 s3;
	_ =	sdelay $0x1  }
0xa1: {  	s23 =	simm.s32 $0x1B8B  }
0xa2: {  	_ =	swait.ge [sflag:s23], $0x1  }
0xa3: {  	[sflag:s23] =	ssyncset.done $0x0  }
0xa4: {  	s25 =	simm.s32 $0x1B8E;
	s24 =	sld [smem:$0x3FFE];
	[sflag:s23] =	ssyncadd.s32 $0xFFFFFFFF  }
0xa5: {  	s26 =	simm.s32 $execute0_lowered;
	[smem:$0x3FD2] =	sst s25  }
0xa6: {  	s4 =	sshll.u32 s26, $0x1;
	_ =	strace $0x80000046;
	[dreg:$0x1] =	wrdreg $0xFFFFFFFF  }
0xa7: {  	s28 =	simm.s32 $_size_execute0_lowered;
	s2 =	sadd.s32 s2, s4;
	[dreg:$0x0] =	wrdreg $0x0  }
0xa8: {  	s4 =	sshll.u32 s28, $0x1;
	[dreg:$0x2] =	wrdreg s2  }
0xa9: {  	[dreg:$0x3] =	wrdreg s4  }
0xaa: {  	[dreg:$0x4] =	wrdreg $0xC0  }
0xab: {  	_ =	task [dreg:s6], $0x5FFFF  }
0xac: {  	[dreg:$0x1] =	wrdreg $0xFFFFFFFF  }
0xad: {  	[dreg:$0x0] =	wrdreg $0x60  }
0xae: {  	[dreg:$0x2] =	wrdreg s24  }
0xaf: {  	[dreg:$0x3] =	wrdreg $0xF8000  }
0xb0: {  	[dreg:$0x4] =	wrdreg $0xF5800  }
0xb1: {  	[dreg:$0x5] =	wrdreg $0xFA800  }
0xb2: {  	[dreg:$0x6] =	wrdreg $0x9  }
0xb3: {  	_ =	task.clear_ibuf [dreg:s6], $0x7FFFF;
	_ =	strace $0x90000046  }
0xb4: {  	s29 =	simm.s32 $0x9;
	_ =	strace $0x80000048  }
0xb5: {  	_ =	swait.ge [sflag:s29], $0x1  }
0xb6: {  	[sflag:s29] =	ssyncadd.s32 $0xFFFFFFFF  }
0xb7: {  	_ =	strace $0x90000048  }
0xb8: {  	_ =	sfence  }
0xb9: {  	s30 =	sld [smem:$0x0];
	_ =	sdelay $0x2  }
0xba: {  	s31 =	sshll.u32 s1, $0xD;
	s1 =	sshrl.u32 s1, $0x2  }
0xbb: {  	s3 =	sand.u32 $0x4000, s31;
	s1 =	sadd.s32 s1, s30  }
0xbc: {  	s0 =	sor.u32 s3, s0;
	s1 =	sshll.u32 s1, $0x11  }
0xbd: {  	s0 =	sor.u32 s1, s0  }
0xbe: {  	s0 =	sadd.s32 $0x8F2B, s0  }
0xbf: {  	[sflag:s0] =	ssyncadd.remote.s32 $0x1  }
0xc0: {  	_ =	sfence.sel $0xFFFF  }
0xc1: {  	[dreg:$0x0] =	wrdreg $0xFFFFFFFF;
	(pc) =	sbr.abs _section_cstart, $3  }
0xc2: {  	[dreg:$0x1] =	wrdreg $0xFFFFFFFF  }
0xc3: {  	_ =	task.clear_ibuf [dreg:s6], $0x2FFFF;
	_ =	strace $0x9FFFFFFF  }
0xc4: {  	(tm) =	ssettm $0x7FFFFFFF  }
0xc5: {  	_ =	shalt  }
tec
execute0_lowered:
.L_overlay_start_1:
0x0: {  	(tag) =	ssettag $0x1  }
0x1: {  	s6 =	rddreg [dreg:$0x0]  }
0x2: {  	s1 =	rddreg [dreg:$0x1]  }
0x3: {  	s2 =	rddreg [dreg:$0x2];
	s0 =	srdreg.scid  }
0x4: {  	s3 =	rddreg [dreg:$0x3];
	s4 =	stileid.u32;
	s5 =	simm.s32 $0x0  }
0x5: {  	s19 =	simm.s32 $0x7800;
	s20 =	simm.s32 $0x80;
	s21 =	simm.s32 $0xF500  }
0x6: {  	s22 =	simm.s32 $0xF280;
	s15 =	sand.u32 $0x1, s0;
	s0 =	rddreg [dreg:$0x4]  }
0x7: {  	s23 =	simm.s32 $0xA000;
	s13 =	smul.u32 $0x280, s4;
	[smem:$0x7FF] =	sst s5  }
0x8: {  	s14 =	sadd.s32 $0xA00, s6;
	s16 =	smul.u32 $0xA00, s4;
	p0 =	sne.s32 s4, $0x0  }
0x9: {  	s7 =	sshll.u32 s15, $0x4;
	_ =	strace $0x80000047;
	s31 =	ssub.s32 $0x2, s15  }
0xa: {  	s24 =	sor.u32 s15, s4;
	s8 =	sor.u32 s4, s7;
	s30 =	sshrl.u32 s13, $0x3  }
0xb: {  	s9 =	sshrl.u32 s31, $0x1;
	s17 =	sadd.s32 s7, s6;
	s7 =	sadd.s32 s13, s1  }
0xc: {  	p1 =	sne.s32 s24, $0x0;
	s24 =	simm.s32 $0x0;
	s11 =	smul.u32 $0x500, s8  }
0xd: {  	s12 =	sadd.s32 s30, s6;
	s18 =	ssub.s32 s31, s9;
	s8 =	sadd.s32 s13, s2  }
0xe: {  	s9 =	sadd.s32 s14, s16;
	s13 =	sadd.s32 s13, s3;
	s16 =	simm.s32 $0xF000  }
0xf: {  	s12 =	sadd.s32 $0x400, s12;
	s15 =	smax.u32 s18, $0x1;
	s18 =	simm.s32 $0x5000  }
0x10: {  	s10 =	sadd.s32 s11, s6;
	s6 =	sadd.s32 $0x15400, s6;
	s11 =	sadd.s32 s14, s11  }
0x11: {  	v0 =	vimm.f32 $0.0e+00;
	v1 =	vimm.f32 $1.000000000e+00;
	s14 =	sadd.s32 $0x14A00, s17;
	s17 =	simm.s32 $0x1;
	s10 =	sadd.s32 $0xAA00, s10  }
.LBB2_1:
0x12: {  	[tilespmem:$0xF000] =	vst v0  }
0x13: {  	[tilespmem:$0xF010] =	vst v0  }
0x14: {  	[tilespmem:$0xF020] =	vst v0  }
0x15: {  	[tilespmem:$0xF030] =	vst v0  }
0x16: {  	[tilespmem:$0xF040] =	vst v0  }
0x17: {  	[tilespmem:$0xF050] =	vst v0  }
0x18: {  	[tilespmem:$0xF060] =	vst v0  }
0x19: {  	[tilespmem:$0xF070] =	vst v0  }
0x1a: {  	[tilespmem:$0xF080] =	vst v0  }
0x1b: {  	[tilespmem:$0xF090] =	vst v0  }
0x1c: {  	[tilespmem:$0xF0A0] =	vst v0  }
0x1d: {  	[tilespmem:$0xF0B0] =	vst v0  }
0x1e: {  	[tilespmem:$0xF0C0] =	vst v0  }
0x1f: {  	[tilespmem:$0xF0D0] =	vst v0  }
0x20: {  	[tilespmem:$0xF0E0] =	vst v0  }
0x21: {  	[tilespmem:$0xF0F0] =	vst v0  }
0x22: {  	[tilespmem:$0xF100] =	vst v0  }
0x23: {  	[tilespmem:$0xF110] =	vst v0  }
0x24: {  	[tilespmem:$0xF120] =	vst v0  }
0x25: {  	[tilespmem:$0xF130] =	vst v0  }
0x26: {  	[tilespmem:$0xF140] =	vst v0  }
0x27: {  	[tilespmem:$0xF150] =	vst v0  }
0x28: {  	[tilespmem:$0xF160] =	vst v0  }
0x29: {  	[tilespmem:$0xF170] =	vst v0  }
0x2a: {  	[tilespmem:$0xF180] =	vst v0  }
0x2b: {  	[tilespmem:$0xF190] =	vst v0  }
0x2c: {  	[tilespmem:$0xF1A0] =	vst v0  }
0x2d: {  	[tilespmem:$0xF1B0] =	vst v0  }
0x2e: {  	[tilespmem:$0xF1C0] =	vst v0  }
0x2f: {  	[tilespmem:$0xF1D0] =	vst v0  }
0x30: {  	[tilespmem:$0xF1E0] =	vst v0  }
0x31: {  	[tilespmem:$0xF1F0] =	vst v0  }
0x32: {  	[tilespmem:$0xF200] =	vst v0  }
0x33: {  	[tilespmem:$0xF210] =	vst v0  }
0x34: {  	[tilespmem:$0xF220] =	vst v0  }
0x35: {  	[tilespmem:$0xF230] =	vst v0  }
0x36: {  	[tilespmem:$0xF240] =	vst v0  }
0x37: {  	[tilespmem:$0xF250] =	vst v0  }
0x38: {  	[tilespmem:$0xF260] =	vst v0  }
0x39: {  	[tilespmem:$0xF270] =	vst v0  }
0x3a: {  	[spmem:s7] =	stream.linear.scatter [tilespmem:s16], [sflag:$0x1], $0x280, $0x38;
	[tilespmem:$0xFD00] =	vst v63  }
0x3b: {  	_ =	swait.ge [sflag:s17], $0x280  }
0x3c: {  	[sflag:s17] =	ssyncset.done $0x0  }
0x3d: {  	[sflag:s17] =	ssyncadd.s32 $0xFFFFFD80  }
0x3e: {  	[tilespmem:$0xF000] =	vst v1  }
0x3f: {  	[tilespmem:$0xF010] =	vst v1  }
0x40: {  	[tilespmem:$0xF020] =	vst v1  }
0x41: {  	[tilespmem:$0xF030] =	vst v1  }
0x42: {  	[tilespmem:$0xF040] =	vst v1  }
0x43: {  	[tilespmem:$0xF050] =	vst v1  }
0x44: {  	[tilespmem:$0xF060] =	vst v1  }
0x45: {  	[tilespmem:$0xF070] =	vst v1  }
0x46: {  	[tilespmem:$0xF080] =	vst v1  }
0x47: {  	[tilespmem:$0xF090] =	vst v1  }
0x48: {  	[tilespmem:$0xF0A0] =	vst v1  }
0x49: {  	[tilespmem:$0xF0B0] =	vst v1  }
0x4a: {  	[tilespmem:$0xF0C0] =	vst v1  }
0x4b: {  	[tilespmem:$0xF0D0] =	vst v1  }
0x4c: {  	[tilespmem:$0xF0E0] =	vst v1  }
0x4d: {  	[tilespmem:$0xF0F0] =	vst v1  }
0x4e: {  	[tilespmem:$0xF100] =	vst v1  }
0x4f: {  	[tilespmem:$0xF110] =	vst v1  }
0x50: {  	[tilespmem:$0xF120] =	vst v1  }
0x51: {  	[tilespmem:$0xF130] =	vst v1  }
0x52: {  	[tilespmem:$0xF140] =	vst v1  }
0x53: {  	[tilespmem:$0xF150] =	vst v1  }
0x54: {  	[tilespmem:$0xF160] =	vst v1  }
0x55: {  	[tilespmem:$0xF170] =	vst v1  }
0x56: {  	[tilespmem:$0xF180] =	vst v1  }
0x57: {  	[tilespmem:$0xF190] =	vst v1  }
0x58: {  	[tilespmem:$0xF1A0] =	vst v1  }
0x59: {  	[tilespmem:$0xF1B0] =	vst v1  }
0x5a: {  	[tilespmem:$0xF1C0] =	vst v1  }
0x5b: {  	[tilespmem:$0xF1D0] =	vst v1  }
0x5c: {  	[tilespmem:$0xF1E0] =	vst v1  }
0x5d: {  	[tilespmem:$0xF1F0] =	vst v1  }
0x5e: {  	[tilespmem:$0xF200] =	vst v1  }
0x5f: {  	[tilespmem:$0xF210] =	vst v1  }
0x60: {  	[tilespmem:$0xF220] =	vst v1  }
0x61: {  	[tilespmem:$0xF230] =	vst v1  }
0x62: {  	[tilespmem:$0xF240] =	vst v1  }
0x63: {  	[tilespmem:$0xF250] =	vst v1  }
0x64: {  	[tilespmem:$0xF260] =	vst v1  }
0x65: {  	[tilespmem:$0xF270] =	vst v1  }
0x66: {  	[spmem:s8] =	stream.linear.scatter [tilespmem:s16], [sflag:$0x1], $0x280, $0x38;
	[tilespmem:$0xFD00] =	vst v63  }
0x67: {  	_ =	swait.ge [sflag:s17], $0x280  }
0x68: {  	[sflag:s17] =	ssyncset.done $0x0  }
0x69: {  	[sflag:s17] =	ssyncadd.s32 $0xFFFFFD80  }
0x6a: {  	[tilespmem:$0xF500] =	vst v1  }
0x6b: {  	[tilespmem:$0xF510] =	vst v1  }
0x6c: {  	[tilespmem:$0xF520] =	vst v1  }
0x6d: {  	[tilespmem:$0xF530] =	vst v1  }
0x6e: {  	[tilespmem:$0xF540] =	vst v1  }
0x6f: {  	[tilespmem:$0xF550] =	vst v1  }
0x70: {  	[tilespmem:$0xF560] =	vst v1  }
0x71: {  	[tilespmem:$0xF570] =	vst v1  }
0x72: {  	[tilespmem:s5], [sflag:$0x1] =	stream.linear.gather [hbm4b:s9+s5], $0x5000, $0x38;
	[tilespmem:$0xFD00] =	vst v63  }
0x73: {  	_ =	swait.ge [sflag:s17], $0x5000  }
0x74: {  	[sflag:s17] =	ssyncset.done $0x0  }
0x75: {  	[sflag:s17] =	ssyncadd.s32 $0xFFFFB000  }
0x76: {  	[tilespmem:s18], [sflag:$0x1] =	stream.linear.gather [hbm4b:s10+s5], $0x2800, $0x38;
	[tilespmem:$0xFD00] =	vst v63  }
0x77: {  	_ =	swait.ge [sflag:s17], $0x2800  }
0x78: {  	[sflag:s17] =	ssyncset.done $0x0  }
0x79: {  	[sflag:s17] =	ssyncadd.s32 $0xFFFFD800  }
0x7a: {  	[tilespmem:s19], [sflag:$0x1] =	stream.linear.gather [hbm4b:s11+s5], $0x2800, $0x38;
	[tilespmem:$0xFD00] =	vst v63  }
0x7b: {  	_ =	swait.ge [sflag:s17], $0x2800  }
0x7c: {  	[sflag:s17] =	ssyncset.done $0x0  }
0x7d: {  	[sflag:s17] =	ssyncadd.s32 $0xFFFFD800  }
0x7e: {  	s25 =	simm.s32 $0x0;
	[bflag:$0x0] =	sbarrier.arrive $0xFFFF  }
0x7f: {  	[spmem:s2] =	stream.indirect.scatter.add.f32 [tilespmem:s21], [sflag:$0x1], $0x1, s25, s20, $0xb8;
	[tilespmem:$0xFD00] =	vst v63  }
0x80: {  	_ =	swait.ge [sflag:s17], $0x80  }
0x81: {  	s25 =	simm.s32 $0x200;
	[sflag:s17] =	ssyncset.done $0x0  }
.LBB2_2:
0x82: {  	s26 =	sshra.s32 s25, $0x2;
	[sflag:s17] =	ssyncadd.s32 $0xFFFFFF80;
	p2 =	sne.s32 s25, $0x13E00  }
0x83: {  	[spmem:s2] =	stream.indirect.scatter.add.f32 [tilespmem:s21], [sflag:$0x1], $0x1, s26, s20, $0xb8;
	[tilespmem:$0xFD00] =	vst v63  }
.Ltmp0:
0x84: {  	_ = 	snop;
	(pc) =	sbr.rel @p2 .LBB2_2-.Ltmp0, $4  }
0x85: {  	_ = 	snop  }
0x86: {  	s25 =	sadd.s32 $0x200, s25  }
0x87: {  	_ =	swait.ge [sflag:s17], $0x80  }
0x88: {  	[sflag:s17] =	ssyncset.done $0x0  }
0x89: {  	[sflag:s17] =	ssyncadd.s32 $0xFFFFFF80  }
0x8a: {  	[bflag:$0x0] =	sbarrier.arrive $0xFFFF  }
0x8b: {  	[tilespmem:s16], [sflag:$0x1] =	stream.linear.gather [spmem:s8], $0x280, $0x38;
	[tilespmem:$0xFD00] =	vst v63  }
0x8c: {  	_ =	swait.ge [sflag:s17], $0x280  }
0x8d: {  	[sflag:s17] =	ssyncset.done $0x0  }
0x8e: {  	s25 =	simm.s32 $0x0;
	[sflag:s17] =	ssyncadd.s32 $0xFFFFFD80  }
0x8f: {  	[tilespmem:s22], [sflag:$0x1] =	stream.linear.gather [hbm4b:s12+s25], $0x280, $0x38;
	[tilespmem:$0xFD00] =	vst v63  }
0x90: {  	_ =	swait.ge [sflag:s17], $0x280  }
0x91: {  	[sflag:s17] =	ssyncset.done $0x0  }
0x92: {  	[sflag:s17] =	ssyncadd.s32 $0xFFFFFD80  }
0x93: {  	v2 =	vld [tilespmem:$0xF000];
	_ =	sdelay $0x2  }
0x94: {  	v5 =	vld [tilespmem:$0xF010];
	_ =	sdelay $0x1  }
0x95: {  	v6 =	vld [tilespmem:$0xF020];
	v3 =	vshra.s32 v2, $0x1;
	v2 =	vmul.f32 $5.000000000e-01, v2  }
0x96: {  	v10 =	vld [tilespmem:$0xF030];
	v3 =	vsub.s32 $0x5F3759DF, v3  }
0x97: {  	v13 =	vld [tilespmem:$0xF040];
	v4 =	vmul.f32 v3, v2  }
0x98: {  	v16 =	vld [tilespmem:$0xF060];
	v7 =	vshra.s32 v5, $0x1;
	v5 =	vmul.f32 $5.000000000e-01, v5  }
0x99: {  	v18 =	vld [tilespmem:$0xF070];
	v29 =	vsub.s32 $0x5F3759DF, v7;
	v4 =	vmul.f32 v3, v4  }
0x9a: {  	v9 =	vshra.s32 v6, $0x1;
	v6 =	vmul.f32 $5.000000000e-01, v6;
	v7 =	vmul.f32 v29, v5  }
0x9b: {  	v31 =	vshra.s32 v10, $0x1;
	v10 =	vmul.f32 $5.000000000e-01, v10;
	v4 =	vsub.f32 $1.500000000e+00, v4  }
0x9c: {  	v14 =	vshra.s32 v13, $0x1;
	v13 =	vmul.f32 $5.000000000e-01, v13;
	v7 =	vmul.f32 v29, v7  }
0x9d: {  	v46 =	vshra.s32 v16, $0x1;
	v16 =	vmul.f32 $5.000000000e-01, v16;
	v3 =	vmul.f32 v3, v4  }
0x9e: {  	v62 =	vld [tilespmem:$0xF090];
	v56 =	vmul.f32 $5.000000000e-01, v18;
	v9 =	vsub.s32 $0x5F3759DF, v9;
	v7 =	vsub.f32 $1.500000000e+00, v7  }
0x9f: {  	v40 =	vsub.s32 $0x5F3759DF, v14;
	v11 =	vmul.f32 v9, v6;
	v8 =	vmul.f32 v3, v2  }
0xa0: {  	v14 =	vmul.f32 v40, v13;
	v4 =	vmul.f32 v29, v7  }
0xa1: {  	v30 =	vmul.f32 v9, v11;
	v8 =	vmul.f32 v8, v3  }
0xa2: {  	v14 =	vmul.f32 v40, v14;
	v32 =	vmul.f32 v4, v5  }
0xa3: {  	v24 =	vmul.f32 $5.000000000e-01, v62;
	v7 =	vsub.f32 $1.500000000e+00, v30;
	v8 =	vsub.f32 $1.500000000e+00, v8  }
0xa4: {  	v54 =	vld [tilespmem:$0xF080];
	v42 =	vsub.f32 $1.500000000e+00, v14;
	v14 =	vsub.s32 $0x5F3759DF, v46;
	v11 =	vmul.f32 v32, v4  }
0xa5: {  	v7 =	vmul.f32 v9, v7;
	v3 =	vmul.f32 v8, v3;
	v8 =	vsub.s32 $0x5F3759DF, v31  }
0xa6: {  	v47 =	vmul.f32 v14, v16;
	v11 =	vsub.f32 $1.500000000e+00, v11;
	v12 =	vmul.f32 v8, v10  }
0xa7: {  	v36 =	vld [tilespmem:$0xF050];
	v34 =	vmul.f32 v7, v6;
	v2 =	vmul.f32 v3, v2  }
0xa8: {  	v4 =	vmul.f32 v11, v4;
	v33 =	vmul.f32 v8, v12  }
0xa9: {  	v61 =	vshra.s32 v54, $0x1;
	v11 =	vmul.f32 $5.000000000e-01, v54;
	v2 =	vmul.f32 v2, v3  }
0xaa: {  	v20 =	vsub.s32 $0x5F3759DF, v61;
	v35 =	vmul.f32 v34, v7;
	v9 =	vsub.f32 $1.500000000e+00, v33  }
0xab: {  	v19 =	vmul.f32 v14, v47;
	v21 =	vmul.f32 v20, v11;
	v2 =	vsub.f32 $1.500000000e+00, v2  }
0xac: {  	v37 =	vsub.f32 $1.500000000e+00, v35;
	v8 =	vmul.f32 v8, v9;
	v9 =	vmul.f32 $5.000000000e-01, v36  }
0xad: {  	v15 =	vshra.s32 v36, $0x1;
	v2 =	vmul.f32 v2, v3;
	v3 =	vmul.f32 v4, v5  }
0xae: {  	v15 =	vsub.s32 $0x5F3759DF, v15;
	v5 =	vmul.f32 v37, v7;
	v7 =	vmul.f32 v40, v42  }
0xaf: {  	v39 =	vmul.f32 v8, v10;
	v41 =	vmul.f32 v15, v9  }
0xb0: {  	v38 =	vld [tilespmem:$0xF280];
	v3 =	vmul.f32 v3, v4;
	v6 =	vmul.f32 v5, v6  }
0xb1: {  	v17 =	vmul.f32 v7, v13;
	v12 =	vmul.f32 v39, v8  }
0xb2: {  	v44 =	vld [tilespmem:$0xF290];
	v43 =	vmul.f32 v15, v41;
	v3 =	vsub.f32 $1.500000000e+00, v3;
	v6 =	vmul.f32 v6, v5  }
0xb3: {  	v22 =	vmul.f32 v20, v21;
	v33 =	vld [tilespmem:$0xF0A0];
	v48 =	vmul.f32 v17, v7;
	v12 =	vsub.f32 $1.500000000e+00, v12  }
0xb4: {  	v3 =	vmul.f32 v3, v4;
	v6 =	vsub.f32 $1.500000000e+00, v6;
	v4 =	vsub.f32 $1.500000000e+00, v43  }
0xb5: {  	v45 =	vld [tilespmem:$0xF2A0];
	v2 =	vmul.f32 v2, v38;
	v8 =	vmul.f32 v12, v8  }
0xb6: {  	v50 =	vsub.f32 $1.500000000e+00, v48;
	v15 =	vmul.f32 v15, v4;
	v5 =	vmul.f32 v6, v5  }
0xb7: {  	v55 =	vshra.s32 v18, $0x1;
	v4 =	vmul.f32 v3, v44;
	v10 =	vmul.f32 v8, v10  }
0xb8: {  	v58 =	vsub.s32 $0x5F3759DF, v55;
	v7 =	vmul.f32 v50, v7;
	v44 =	vmul.f32 $5.000000000e-01, v33  }
0xb9: {  	v6 =	vsub.f32 $1.500000000e+00, v22;
	v49 =	vmul.f32 v15, v9;
	v10 =	vmul.f32 v10, v8  }
0xba: {  	v53 =	vsub.f32 $1.500000000e+00, v19;
	v3 =	vmul.f32 v5, v45;
	v5 =	vmul.f32 v58, v56  }
0xbb: {  	v13 =	vmul.f32 v7, v13;
	v20 =	vmul.f32 v20, v6;
	v10 =	vsub.f32 $1.500000000e+00, v10  }
0xbc: {  	v43 =	vshra.s32 v33, $0x1;
	v52 =	vmul.f32 v49, v15;
	v60 =	vmul.f32 v58, v5  }
0xbd: {  	v46 =	vld [tilespmem:$0xF0C0];
	v18 =	vsub.s32 $0x5F3759DF, v43;
	v51 =	vmul.f32 v10, v8;
	v10 =	vmul.f32 v14, v53  }
0xbe: {  	v57 =	vld [tilespmem:$0xF2B0];
	v13 =	vmul.f32 v13, v7;
	v32 =	vmul.f32 v20, v11;
	v63 =	vsub.f32 $1.500000000e+00, v60  }
0xbf: {  	v45 =	vmul.f32 v18, v44;
	v8 =	vsub.f32 $1.500000000e+00, v52;
	v59 =	vmul.f32 v10, v16  }
0xc0: {  	v13 =	vsub.f32 $1.500000000e+00, v13;
	v37 =	vmul.f32 v32, v20;
	v14 =	vmul.f32 v58, v63  }
0xc1: {  	v8 =	vmul.f32 v8, v15;
	v15 =	vmul.f32 v59, v10  }
0xc2: {  	v25 =	vld [tilespmem:$0xF2C0];
	v53 =	vmul.f32 $5.000000000e-01, v46;
	v27 =	vmul.f32 v13, v7;
	v40 =	vsub.f32 $1.500000000e+00, v37  }
0xc3: {  	v5 =	vmul.f32 v51, v57;
	v26 =	vmul.f32 v14, v56;
	v15 =	vsub.f32 $1.500000000e+00, v15  }
0xc4: {  	v23 =	vshra.s32 v62, $0x1;
	v38 =	vld [tilespmem:$0xF0B0];
	v12 =	vmul.f32 v40, v20;
	v9 =	vmul.f32 v8, v9  }
0xc5: {  	v19 =	vmul.f32 v26, v14;
	v10 =	vmul.f32 v15, v10;
	v15 =	vsub.s32 $0x5F3759DF, v23  }
0xc6: {  	v9 =	vmul.f32 v9, v8;
	v21 =	vmul.f32 v15, v24  }
0xc7: {  	v22 =	vld [tilespmem:$0xF2D0];
	v6 =	vmul.f32 v27, v25;
	v31 =	vsub.f32 $1.500000000e+00, v19;
	v16 =	vmul.f32 v10, v16  }
0xc8: {  	v11 =	vmul.f32 v12, v11;
	v28 =	vsub.f32 $1.500000000e+00, v9;
	v29 =	vmul.f32 v15, v21  }
0xc9: {  	v47 =	vshra.s32 v38, $0x1;
	v36 =	vmul.f32 v31, v14;
	v30 =	vmul.f32 v16, v10  }
0xca: {  	v58 =	vld [tilespmem:$0xF0D0];
	v11 =	vmul.f32 v11, v12;
	v7 =	vmul.f32 v28, v8;
	v34 =	vsub.f32 $1.500000000e+00, v29  }
0xcb: {  	v25 =	vld [tilespmem:$0xF0E0];
	v23 =	vmul.f32 $5.000000000e-01, v38;
	v39 =	vmul.f32 v36, v56;
	v35 =	vsub.f32 $1.500000000e+00, v30  }
0xcc: {  	v26 =	vld [tilespmem:$0xF0F0];
	v7 =	vmul.f32 v7, v22;
	v22 =	vsub.s32 $0x5F3759DF, v47;
	v15 =	vmul.f32 v15, v34  }
0xcd: {  	v49 =	vmul.f32 v22, v23;
	v9 =	vmul.f32 v35, v10  }
0xce: {  	v41 =	vld [tilespmem:$0xF2E0];
	v52 =	vshra.s32 v46, $0x1;
	v10 =	vmul.f32 v39, v36;
	v42 =	vmul.f32 v15, v24  }
0xcf: {  	v20 =	vmul.f32 v18, v45;
	v32 =	vmul.f32 $5.000000000e-01, v58;
	v11 =	vsub.f32 $1.500000000e+00, v11  }
0xd0: {  	v48 =	vsub.f32 $1.500000000e+00, v10;
	v10 =	vmul.f32 v22, v49;
	v16 =	vmul.f32 v42, v15  }
0xd1: {  	v43 =	vmul.f32 $5.000000000e-01, v26;
	v11 =	vmul.f32 v11, v12;
	v35 =	vshra.s32 v25, $0x1  }
0xd2: {  	v55 =	vld [tilespmem:$0xF300];
	v25 =	vmul.f32 $5.000000000e-01, v25;
	v10 =	vsub.f32 $1.500000000e+00, v10;
	v16 =	vsub.f32 $1.500000000e+00, v16  }
0xd3: {  	v54 =	vld [tilespmem:$0xF2F0];
	v51 =	vsub.f32 $1.500000000e+00, v20;
	v8 =	vmul.f32 v9, v41;
	v9 =	vmul.f32 v48, v36  }
0xd4: {  	v22 =	vmul.f32 v22, v10;
	v50 =	vmul.f32 v16, v15;
	v16 =	vsub.s32 $0x5F3759DF, v52  }
0xd5: {  	v15 =	vmul.f32 v18, v51;
	v56 =	vmul.f32 v16, v53  }
0xd6: {  	v51 =	vld [tilespmem:$0xF100];
	v61 =	vmul.f32 v22, v23;
	v17 =	vmul.f32 v50, v24  }
0xd7: {  	v31 =	vshra.s32 v58, $0x1;
	v58 =	vld [tilespmem:$0xF120];
	v24 =	vmul.f32 v15, v44;
	v57 =	vmul.f32 v16, v56  }
0xd8: {  	v36 =	vsub.s32 $0x5F3759DF, v35;
	v9 =	vmul.f32 v9, v54;
	v10 =	vmul.f32 v11, v55  }
0xd9: {  	v28 =	vmul.f32 v61, v22;
	v60 =	vmul.f32 v24, v15;
	v62 =	vsub.f32 $1.500000000e+00, v57  }
0xda: {  	v17 =	vmul.f32 v17, v50;
	v24 =	vmul.f32 v36, v25  }
0xdb: {  	v57 =	vmul.f32 $5.000000000e-01, v51;
	v27 =	vsub.f32 $1.500000000e+00, v60;
	v29 =	vmul.f32 v16, v62  }
0xdc: {  	v13 =	vsub.f32 $1.500000000e+00, v28;
	v39 =	vmul.f32 v36, v24;
	v24 =	vmul.f32 $5.000000000e-01, v58  }
0xdd: {  	v30 =	vld [tilespmem:$0xF310];
	v12 =	vmul.f32 v27, v15;
	v15 =	vsub.s32 $0x5F3759DF, v31;
	v33 =	vmul.f32 v29, v53  }
0xde: {  	v59 =	vsub.f32 $1.500000000e+00, v17;
	v13 =	vmul.f32 v13, v22;
	v34 =	vmul.f32 v15, v32  }
0xdf: {  	v42 =	vshra.s32 v26, $0x1;
	v37 =	vmul.f32 v12, v44;
	v18 =	vmul.f32 v33, v29  }
0xe0: {  	v63 =	vmul.f32 v59, v50;
	v41 =	vsub.f32 $1.500000000e+00, v39;
	v21 =	vmul.f32 v15, v34  }
0xe1: {  	v38 =	vmul.f32 v13, v23;
	v16 =	vmul.f32 v37, v12;
	v18 =	vsub.f32 $1.500000000e+00, v18  }
0xe2: {  	v11 =	vmul.f32 v63, v30;
	v19 =	vmul.f32 v36, v41;
	v21 =	vsub.f32 $1.500000000e+00, v21  }
0xe3: {  	v40 =	vmul.f32 v38, v13;
	v16 =	vsub.f32 $1.500000000e+00, v16;
	v14 =	vmul.f32 v18, v29  }
0xe4: {  	v46 =	vld [tilespmem:$0xF330];
	v15 =	vmul.f32 v15, v21;
	v21 =	vsub.s32 $0x5F3759DF, v42;
	v29 =	vmul.f32 v19, v25  }
0xe5: {  	v44 =	vld [tilespmem:$0xF320];
	v18 =	vsub.f32 $1.500000000e+00, v40;
	v27 =	vmul.f32 v21, v43;
	v12 =	vmul.f32 v16, v12  }
0xe6: {  	v61 =	vshra.s32 v58, $0x1;
	v20 =	vmul.f32 v14, v53;
	v45 =	vmul.f32 v15, v32  }
0xe7: {  	v63 =	vsub.s32 $0x5F3759DF, v61;
	v13 =	vmul.f32 v18, v13;
	v50 =	vmul.f32 v29, v19;
	v53 =	vld [tilespmem:$0xF110]  }
0xe8: {  	v56 =	vshra.s32 v51, $0x1;
	v29 =	vmul.f32 v63, v24;
	v48 =	vmul.f32 v21, v27  }
0xe9: {  	v20 =	vmul.f32 v20, v14;
	v26 =	vmul.f32 v45, v15;
	v54 =	vsub.f32 $1.500000000e+00, v50  }
0xea: {  	v12 =	vmul.f32 v12, v44;
	v13 =	vmul.f32 v13, v46;
	v52 =	vsub.f32 $1.500000000e+00, v48  }
0xeb: {  	v28 =	vld [tilespmem:$0xF340];
	v47 =	vsub.f32 $1.500000000e+00, v20;
	v49 =	vsub.f32 $1.500000000e+00, v26;
	v18 =	vmul.f32 v54, v19  }
0xec: {  	v16 =	vmul.f32 v21, v52;
	v21 =	vsub.s32 $0x5F3759DF, v56;
	v20 =	vmul.f32 $5.000000000e-01, v53  }
0xed: {  	v59 =	vshra.s32 v53, $0x1;
	v14 =	vmul.f32 v47, v14;
	v15 =	vmul.f32 v49, v15  }
0xee: {  	v27 =	vmul.f32 v21, v57;
	v26 =	vsub.s32 $0x5F3759DF, v59;
	v25 =	vmul.f32 v18, v25  }
0xef: {  	v55 =	vmul.f32 v16, v43;
	v60 =	vmul.f32 v26, v20  }
0xf0: {  	v14 =	vmul.f32 v14, v28;
	v17 =	vmul.f32 v15, v32  }
0xf1: {  	v27 =	vmul.f32 v21, v27;
	v19 =	vmul.f32 v55, v16  }
0xf2: {  	v28 =	vmul.f32 v26, v60;
	v17 =	vmul.f32 v17, v15  }
0xf3: {  	v25 =	vmul.f32 v25, v18;
	v62 =	vsub.f32 $1.500000000e+00, v27;
	v19 =	vsub.f32 $1.500000000e+00, v19  }
0xf4: {  	v36 =	vld [tilespmem:$0xF130];
	v33 =	vmul.f32 v63, v29;
	v28 =	vsub.f32 $1.500000000e+00, v28;
	v17 =	vsub.f32 $1.500000000e+00, v17  }
0xf5: {  	v34 =	vsub.f32 $1.500000000e+00, v25;
	v21 =	vmul.f32 v21, v62;
	v19 =	vmul.f32 v19, v16  }
0xf6: {  	v26 =	vmul.f32 v26, v28;
	v15 =	vmul.f32 v17, v15  }
0xf7: {  	v30 =	vld [tilespmem:$0xF350];
	v16 =	vsub.f32 $1.500000000e+00, v33;
	v35 =	vmul.f32 v21, v57;
	v17 =	vmul.f32 v34, v18  }
0xf8: {  	v31 =	vld [tilespmem:$0xF360];
	v23 =	vmul.f32 v19, v43;
	v28 =	vmul.f32 v26, v20  }
0xf9: {  	v27 =	vmul.f32 v63, v16;
	v43 =	vmul.f32 $5.000000000e-01, v36  }
0xfa: {  	v44 =	vld [tilespmem:$0xF140];
	v37 =	vmul.f32 v35, v21;
	v23 =	vmul.f32 v23, v19  }
0xfb: {  	v42 =	vshra.s32 v36, $0x1;
	v35 =	vld [tilespmem:$0xF160];
	v38 =	vmul.f32 v28, v26;
	v41 =	vmul.f32 v27, v24  }
0xfc: {  	v39 =	vld [tilespmem:$0xF370];
	v16 =	vmul.f32 v15, v30;
	v18 =	vsub.f32 $1.500000000e+00, v37;
	v23 =	vsub.f32 $1.500000000e+00, v23  }
0xfd: {  	v48 =	vld [tilespmem:$0xF150];
	v15 =	vmul.f32 v17, v31;
	v40 =	vsub.f32 $1.500000000e+00, v38;
	v25 =	vmul.f32 v41, v27  }
0xfe: {  	v18 =	vmul.f32 v18, v21;
	v21 =	vsub.s32 $0x5F3759DF, v42;
	v19 =	vmul.f32 v23, v19  }
0xff: {  	v23 =	vmul.f32 v40, v26;
	v29 =	vmul.f32 v21, v43  }
0x100: {  	v49 =	vshra.s32 v44, $0x1;
	v26 =	vmul.f32 $5.000000000e-01, v44;
	v60 =	vmul.f32 $5.000000000e-01, v35  }
0x101: {  	v46 =	vsub.f32 $1.500000000e+00, v25;
	v22 =	vmul.f32 v18, v57;
	v17 =	vmul.f32 v19, v39  }
0x102: {  	v32 =	vshra.s32 v48, $0x1;
	v45 =	vmul.f32 v23, v20;
	v47 =	vmul.f32 v21, v29  }
0x103: {  	v57 =	vld [tilespmem:$0xF170];
	v20 =	vmul.f32 v46, v27;
	v27 =	vsub.s32 $0x5F3759DF, v49;
	v29 =	vmul.f32 $5.000000000e-01, v48  }
0x104: {  	v22 =	vmul.f32 v22, v18;
	v51 =	vmul.f32 v27, v26;
	v25 =	vsub.f32 $1.500000000e+00, v47  }
0x105: {  	v32 =	vsub.s32 $0x5F3759DF, v32;
	v19 =	vmul.f32 v45, v23;
	v24 =	vmul.f32 v20, v24  }
0x106: {  	v54 =	vmul.f32 v32, v29;
	v22 =	vsub.f32 $1.500000000e+00, v22;
	v21 =	vmul.f32 v21, v25  }
0x107: {  	v19 =	vsub.f32 $1.500000000e+00, v19;
	v24 =	vmul.f32 v24, v20;
	v25 =	vmul.f32 v27, v51  }
0x108: {  	v50 =	vld [tilespmem:$0xF380];
	v63 =	vshra.s32 v57, $0x1;
	v36 =	vmul.f32 $5.000000000e-01, v57;
	v18 =	vmul.f32 v22, v18  }
0x109: {  	v33 =	vld [tilespmem:$0xF3A0];
	v39 =	vsub.s32 $0x5F3759DF, v63;
	v34 =	vmul.f32 v21, v43;
	v53 =	vsub.f32 $1.500000000e+00, v24  }
0x10a: {  	v23 =	vmul.f32 v19, v23;
	v25 =	vsub.f32 $1.500000000e+00, v25;
	v24 =	vmul.f32 v32, v54  }
0x10b: {  	v59 =	vshra.s32 v35, $0x1;
	v40 =	vmul.f32 v39, v36;
	v34 =	vmul.f32 v34, v21  }
0x10c: {  	v52 =	vld [tilespmem:$0xF390];
	v22 =	vmul.f32 v53, v20;
	v25 =	vmul.f32 v27, v25;
	v27 =	vsub.s32 $0x5F3759DF, v59  }
0x10d: {  	v47 =	vld [tilespmem:$0xF190];
	v19 =	vmul.f32 v18, v50;
	v56 =	vsub.f32 $1.500000000e+00, v24;
	v62 =	vmul.f32 v27, v60  }
0x10e: {  	v45 =	vld [tilespmem:$0xF180];
	v55 =	vsub.f32 $1.500000000e+00, v34;
	v18 =	vmul.f32 v22, v33;
	v58 =	vmul.f32 v25, v26  }
0x10f: {  	v22 =	vmul.f32 v32, v56;
	v38 =	vmul.f32 v27, v62  }
0x110: {  	v21 =	vmul.f32 v55, v21;
	v24 =	vmul.f32 v58, v25  }
0x111: {  	v20 =	vmul.f32 v23, v52;
	v61 =	vmul.f32 v22, v29;
	v31 =	vsub.f32 $1.500000000e+00, v38  }
0x112: {  	v33 =	vmul.f32 $5.000000000e-01, v47;
	v28 =	vmul.f32 v21, v43;
	v24 =	vsub.f32 $1.500000000e+00, v24  }
0x113: {  	v51 =	vshra.s32 v45, $0x1;
	v37 =	vmul.f32 v61, v22;
	v61 =	vld [tilespmem:$0xF1B0];
	v27 =	vmul.f32 v27, v31  }
0x114: {  	v53 =	vsub.s32 $0x5F3759DF, v51;
	v31 =	vmul.f32 $5.000000000e-01, v45;
	v24 =	vmul.f32 v24, v25  }
0x115: {  	v28 =	vmul.f32 v28, v21;
	v23 =	vsub.f32 $1.500000000e+00, v37;
	v25 =	vmul.f32 v39, v40  }
0x116: {  	v57 =	vshra.s32 v47, $0x1;
	v47 =	vld [tilespmem:$0xF1C0];
	v44 =	vmul.f32 v27, v60;
	v55 =	vmul.f32 v53, v31  }
0x117: {  	v26 =	vmul.f32 v24, v26;
	v23 =	vmul.f32 v23, v22;
	v42 =	vsub.f32 $1.500000000e+00, v28  }
0x118: {  	v41 =	vld [tilespmem:$0xF3B0];
	v25 =	vsub.f32 $1.500000000e+00, v25;
	v58 =	vmul.f32 v53, v55;
	v35 =	vmul.f32 $5.000000000e-01, v61  }
0x119: {  	v26 =	vmul.f32 v26, v24;
	v43 =	vmul.f32 v23, v29  }
0x11a: {  	v38 =	vshra.s32 v61, $0x1;
	v21 =	vmul.f32 v42, v21;
	v25 =	vmul.f32 v39, v25  }
0x11b: {  	v46 =	vld [tilespmem:$0xF3C0];
	v29 =	vmul.f32 v44, v27;
	v44 =	vsub.s32 $0x5F3759DF, v38;
	v38 =	vmul.f32 $5.000000000e-01, v47  }
0x11c: {  	v40 =	vmul.f32 v44, v35;
	v26 =	vsub.f32 $1.500000000e+00, v26;
	v28 =	vmul.f32 v43, v23  }
0x11d: {  	v56 =	vld [tilespmem:$0xF1A0];
	v21 =	vmul.f32 v21, v41;
	v32 =	vmul.f32 v25, v36;
	v49 =	vsub.f32 $1.500000000e+00, v29  }
0x11e: {  	v40 =	vmul.f32 v44, v40;
	v24 =	vmul.f32 v26, v24;
	v48 =	vsub.f32 $1.500000000e+00, v28  }
0x11f: {  	v59 =	vsub.s32 $0x5F3759DF, v57;
	v32 =	vmul.f32 v32, v25;
	v52 =	vmul.f32 v49, v27  }
0x120: {  	v50 =	vld [tilespmem:$0xF3D0];
	v26 =	vsub.f32 $1.500000000e+00, v58;
	v22 =	vmul.f32 v24, v46;
	v23 =	vmul.f32 v48, v23  }
0x121: {  	v54 =	vsub.f32 $1.500000000e+00, v32;
	v30 =	vmul.f32 v52, v60;
	v60 =	vmul.f32 v59, v33  }
0x122: {  	v32 =	vmul.f32 $5.000000000e-01, v56;
	v26 =	vmul.f32 v53, v26;
	v53 =	vld [tilespmem:$0xF1D0]  }
0x123: {  	v25 =	vmul.f32 v54, v25;
	v30 =	vmul.f32 v30, v52  }
0x124: {  	v48 =	vsub.f32 $1.500000000e+00, v40;
	v29 =	vmul.f32 v59, v60;
	v37 =	vmul.f32 v26, v31  }
0x125: {  	v23 =	vmul.f32 v23, v50;
	v34 =	vmul.f32 v25, v36;
	v36 =	vshra.s32 v56, $0x1  }
0x126: {  	v30 =	vsub.f32 $1.500000000e+00, v30;
	v29 =	vsub.f32 $1.500000000e+00, v29;
	v37 =	vmul.f32 v37, v26  }
0x127: {  	v62 =	vsub.s32 $0x5F3759DF, v36;
	v40 =	vmul.f32 $5.000000000e-01, v53;
	v34 =	vmul.f32 v34, v25  }
0x128: {  	v39 =	vld [tilespmem:$0xF3E0];
	v36 =	vmul.f32 v62, v32;
	v28 =	vmul.f32 v59, v29  }
0x129: {  	v24 =	vmul.f32 v30, v52;
	v37 =	vsub.f32 $1.500000000e+00, v37;
	v52 =	vshra.s32 v47, $0x1  }
0x12a: {  	v63 =	vmul.f32 v62, v36;
	v34 =	vsub.f32 $1.500000000e+00, v34;
	v46 =	vmul.f32 v28, v33  }
0x12b: {  	v45 =	vld [tilespmem:$0xF3F0];
	v26 =	vmul.f32 v37, v26;
	v36 =	vmul.f32 v44, v48;
	v37 =	vsub.s32 $0x5F3759DF, v52  }
0x12c: {  	v58 =	vshra.s32 v53, $0x1;
	v54 =	vmul.f32 v37, v38;
	v34 =	vmul.f32 v34, v25  }
0x12d: {  	v29 =	vsub.f32 $1.500000000e+00, v63;
	v30 =	vmul.f32 v46, v28;
	v25 =	vmul.f32 v24, v39  }
0x12e: {  	v60 =	vsub.s32 $0x5F3759DF, v58;
	v31 =	vmul.f32 v26, v31;
	v51 =	vmul.f32 v36, v35  }
0x12f: {  	v39 =	vmul.f32 v60, v40;
	v27 =	vmul.f32 v62, v29  }
0x130: {  	v42 =	vld [tilespmem:$0xF1E0];
	v24 =	vmul.f32 v34, v45;
	v30 =	vsub.f32 $1.500000000e+00, v30;
	v34 =	vmul.f32 v51, v36  }
0x131: {  	v57 =	vmul.f32 v37, v54;
	v31 =	vmul.f32 v31, v26;
	v51 =	vld [tilespmem:$0xF200]  }
0x132: {  	v49 =	vmul.f32 v27, v32;
	v28 =	vmul.f32 v30, v28;
	v56 =	vsub.f32 $1.500000000e+00, v34  }
0x133: {  	v59 =	vld [tilespmem:$0xF400];
	v62 =	vmul.f32 v60, v39;
	v34 =	vsub.f32 $1.500000000e+00, v57;
	v31 =	vsub.f32 $1.500000000e+00, v31  }
0x134: {  	v50 =	vmul.f32 v49, v27;
	v33 =	vmul.f32 v28, v33  }
0x135: {  	v46 =	vld [tilespmem:$0xF1F0];
	v34 =	vmul.f32 v37, v34;
	v26 =	vmul.f32 v31, v26  }
0x136: {  	v37 =	vmul.f32 $5.000000000e-01, v42;
	v39 =	vmul.f32 $5.000000000e-01, v51  }
0x137: {  	v30 =	vsub.f32 $1.500000000e+00, v50;
	v55 =	vmul.f32 v33, v28;
	v33 =	vmul.f32 v56, v36  }
0x138: {  	v44 =	vsub.f32 $1.500000000e+00, v62;
	v63 =	vmul.f32 v34, v38;
	v26 =	vmul.f32 v26, v59  }
0x139: {  	v50 =	vshra.s32 v42, $0x1;
	v27 =	vmul.f32 v30, v27;
	v35 =	vmul.f32 v33, v35  }
0x13a: {  	v36 =	vmul.f32 $5.000000000e-01, v46;
	v30 =	vsub.f32 $1.500000000e+00, v55;
	v45 =	vmul.f32 v63, v34  }
0x13b: {  	v52 =	vsub.s32 $0x5F3759DF, v50;
	v32 =	vmul.f32 v27, v32;
	v35 =	vmul.f32 v35, v33  }
0x13c: {  	v41 =	vld [tilespmem:$0xF410];
	v28 =	vmul.f32 v30, v28;
	v30 =	vmul.f32 v60, v44;
	v48 =	vsub.f32 $1.500000000e+00, v45  }
0x13d: {  	v43 =	vld [tilespmem:$0xF430];
	v53 =	vmul.f32 v52, v37;
	v32 =	vmul.f32 v32, v27;
	v35 =	vsub.f32 $1.500000000e+00, v35  }
0x13e: {  	v56 =	vld [tilespmem:$0xF210];
	v55 =	vshra.s32 v46, $0x1;
	v49 =	vmul.f32 v30, v40;
	v31 =	vmul.f32 v48, v34  }
0x13f: {  	v34 =	vmul.f32 v52, v53;
	v32 =	vsub.f32 $1.500000000e+00, v32;
	v47 =	vmul.f32 v35, v33  }
0x140: {  	v61 =	vld [tilespmem:$0xF420];
	v33 =	vmul.f32 v49, v30;
	v54 =	vmul.f32 v31, v38;
	v38 =	vsub.s32 $0x5F3759DF, v55  }
0x141: {  	v57 =	vmul.f32 v38, v36;
	v32 =	vmul.f32 v32, v27  }
0x142: {  	v58 =	vsub.f32 $1.500000000e+00, v34;
	v27 =	vmul.f32 v28, v41;
	v29 =	vmul.f32 v47, v43  }
0x143: {  	v33 =	vsub.f32 $1.500000000e+00, v33;
	v43 =	vshra.s32 v51, $0x1;
	v41 =	vmul.f32 $5.000000000e-01, v56  }
0x144: {  	v35 =	vmul.f32 v54, v31;
	v59 =	vsub.s32 $0x5F3759DF, v43;
	v42 =	vmul.f32 v38, v57  }
0x145: {  	v60 =	vshra.s32 v56, $0x1;
	v28 =	vmul.f32 v32, v61;
	v43 =	vmul.f32 v59, v39  }
0x146: {  	v33 =	vmul.f32 v33, v30;
	v30 =	vmul.f32 v52, v58;
	v32 =	vsub.s32 $0x5F3759DF, v60  }
0x147: {  	v60 =	vld [tilespmem:$0xF220];
	v42 =	vsub.f32 $1.500000000e+00, v42;
	v45 =	vmul.f32 v32, v41;
	v43 =	vmul.f32 v59, v43  }
0x148: {  	v35 =	vsub.f32 $1.500000000e+00, v35;
	v44 =	vmul.f32 v30, v37;
	v40 =	vmul.f32 v33, v40  }
0x149: {  	v38 =	vmul.f32 v38, v42;
	v63 =	vmul.f32 v32, v45  }
0x14a: {  	v53 =	vld [tilespmem:$0xF440];
	v31 =	vmul.f32 v35, v31;
	v61 =	vsub.f32 $1.500000000e+00, v43;
	v62 =	vmul.f32 v44, v30  }
0x14b: {  	v40 =	vmul.f32 v40, v33;
	v48 =	vmul.f32 v38, v36;
	v50 =	vsub.f32 $1.500000000e+00, v63  }
0x14c: {  	v43 =	vmul.f32 $5.000000000e-01, v60;
	v34 =	vmul.f32 v59, v61;
	v49 =	vsub.f32 $1.500000000e+00, v62  }
0x14d: {  	v51 =	vmul.f32 v48, v38;
	v32 =	vmul.f32 v32, v50  }
0x14e: {  	v52 =	vmul.f32 v34, v39;
	v42 =	vmul.f32 v49, v30  }
0x14f: {  	v57 =	vld [tilespmem:$0xF450];
	v30 =	vmul.f32 v31, v53;
	v54 =	vsub.f32 $1.500000000e+00, v51;
	v56 =	vmul.f32 v32, v41  }
0x150: {  	v40 =	vsub.f32 $1.500000000e+00, v40;
	v55 =	vmul.f32 v52, v34;
	v37 =	vmul.f32 v42, v37  }
0x151: {  	v38 =	vmul.f32 v54, v38;
	v59 =	vmul.f32 v56, v32  }
0x152: {  	v61 =	vmul.f32 v40, v33;
	v52 =	vld [tilespmem:$0xF230];
	v58 =	vsub.f32 $1.500000000e+00, v55;
	v37 =	vmul.f32 v37, v42  }
0x153: {  	v51 =	vshra.s32 v60, $0x1;
	v60 =	vld [tilespmem:$0xF250];
	v36 =	vmul.f32 v38, v36;
	v62 =	vsub.f32 $1.500000000e+00, v59  }
0x154: {  	v31 =	vmul.f32 v61, v57;
	v55 =	vld [tilespmem:$0xF240];
	v34 =	vmul.f32 v58, v34;
	v37 =	vsub.f32 $1.500000000e+00, v37  }
0x155: {  	v63 =	vld [tilespmem:$0xF460];
	v36 =	vmul.f32 v36, v38;
	v32 =	vmul.f32 v62, v32  }
0x156: {  	v54 =	vsub.s32 $0x5F3759DF, v51;
	v39 =	vmul.f32 v34, v39;
	v49 =	vmul.f32 v37, v42  }
0x157: {  	v42 =	vmul.f32 v54, v43;
	v37 =	vmul.f32 $5.000000000e-01, v52  }
0x158: {  	v48 =	vld [tilespmem:$0xF470];
	v59 =	vshra.s32 v52, $0x1;
	v52 =	vmul.f32 $5.000000000e-01, v60;
	v41 =	vmul.f32 v32, v41  }
0x159: {  	[tilespmem:$0xF280] =	vst v2;
	v36 =	vsub.f32 $1.500000000e+00, v36;
	v44 =	vmul.f32 $5.000000000e-01, v55;
	v39 =	vmul.f32 v39, v34  }
0x15a: {  	[tilespmem:$0xF290] =	vst v4;
	v33 =	vmul.f32 v49, v63;
	v58 =	vmul.f32 v54, v42  }
0x15b: {  	[tilespmem:$0xF2A0] =	vst v3;
	v50 =	vld [tilespmem:$0xF480];
	v63 =	vshra.s32 v55, $0x1;
	v36 =	vmul.f32 v36, v38;
	v41 =	vmul.f32 v41, v32  }
0x15c: {  	[tilespmem:$0xF2B0] =	vst v5;
	v45 =	vld [tilespmem:$0xF260];
	v47 =	vsub.s32 $0x5F3759DF, v63;
	v53 =	vsub.f32 $1.500000000e+00, v39;
	v61 =	vsub.f32 $1.500000000e+00, v58  }
0x15d: {  	[tilespmem:$0xF2C0] =	vst v6;
	v56 =	vld [tilespmem:$0xF490];
	v49 =	vmul.f32 v47, v44;
	v2 =	vmul.f32 v36, v48;
	v57 =	vsub.f32 $1.500000000e+00, v41  }
0x15e: {  	[tilespmem:$0xF2D0] =	vst v7;
	v51 =	vshra.s32 v60, $0x1;
	v48 =	vld [tilespmem:$0xF270];
	v34 =	vmul.f32 v53, v34;
	v46 =	vmul.f32 v54, v61  }
0x15f: {  	[tilespmem:$0xF2E0] =	vst v8;
	v7 =	vmul.f32 v47, v49;
	v53 =	vsub.s32 $0x5F3759DF, v51;
	v3 =	vmul.f32 v57, v32  }
0x160: {  	[tilespmem:$0xF2F0] =	vst v9;
	v54 =	vmul.f32 v53, v52;
	v4 =	vmul.f32 v34, v50;
	v34 =	vsub.s32 $0x5F3759DF, v59  }
0x161: {  	[tilespmem:$0xF300] =	vst v10;
	v55 =	vshra.s32 v45, $0x1;
	v50 =	vmul.f32 v46, v43;
	v62 =	vmul.f32 v34, v37  }
0x162: {  	[tilespmem:$0xF310] =	vst v11;
	v7 =	vsub.f32 $1.500000000e+00, v7;
	v3 =	vmul.f32 v3, v56;
	v56 =	vmul.f32 $5.000000000e-01, v45  }
0x163: {  	[tilespmem:$0xF320] =	vst v12;
	v57 =	vsub.s32 $0x5F3759DF, v55;
	v10 =	vmul.f32 v53, v54;
	v35 =	vmul.f32 $5.000000000e-01, v48  }
0x164: {  	[tilespmem:$0xF330] =	vst v13;
	v58 =	vshra.s32 v48, $0x1;
	v7 =	vmul.f32 v47, v7;
	v5 =	vmul.f32 v34, v62  }
0x165: {  	[tilespmem:$0xF340] =	vst v14;
	v59 =	vmul.f32 v57, v56;
	v38 =	vsub.s32 $0x5F3759DF, v58;
	v10 =	vsub.f32 $1.500000000e+00, v10  }
0x166: {  	[tilespmem:$0xF370] =	vst v17;
	v60 =	vmul.f32 v38, v35;
	v17 =	vmul.f32 v7, v44;
	v5 =	vsub.f32 $1.500000000e+00, v5  }
0x167: {  	[tilespmem:$0xF350] =	vst v16;
	v12 =	vmul.f32 v57, v59;
	v9 =	vmul.f32 v53, v10  }
0x168: {  	[tilespmem:$0xF360] =	vst v15;
	v13 =	vmul.f32 v38, v60;
	v5 =	vmul.f32 v34, v5  }
0x169: {  	[tilespmem:$0xF380] =	vst v19;
	v8 =	vmul.f32 v50, v46;
	v62 =	vsub.f32 $1.500000000e+00, v12;
	v19 =	vmul.f32 v9, v52  }
0x16a: {  	[tilespmem:$0xF390] =	vst v20;
	v11 =	vmul.f32 v17, v7;
	v13 =	vsub.f32 $1.500000000e+00, v13;
	v61 =	vmul.f32 v5, v37  }
0x16b: {  	[tilespmem:$0xF3A0] =	vst v18;
	v8 =	vsub.f32 $1.500000000e+00, v8;
	v10 =	vmul.f32 v57, v62;
	v14 =	vmul.f32 v19, v9  }
0x16c: {  	[tilespmem:$0xF3B0] =	vst v21;
	v11 =	vsub.f32 $1.500000000e+00, v11;
	v13 =	vmul.f32 v38, v13;
	v63 =	vmul.f32 v61, v5  }
0x16d: {  	[tilespmem:$0xF3C0] =	vst v22;
	v6 =	vmul.f32 v8, v46;
	v20 =	vmul.f32 v10, v56;
	v14 =	vsub.f32 $1.500000000e+00, v14  }
0x16e: {  	[tilespmem:$0xF3D0] =	vst v23;
	v7 =	vmul.f32 v11, v7;
	v21 =	vmul.f32 v13, v35;
	v12 =	vsub.f32 $1.500000000e+00, v63  }
0x16f: {  	[tilespmem:$0xF3E0] =	vst v25;
	v15 =	vmul.f32 v20, v10;
	v9 =	vmul.f32 v14, v9  }
0x170: {  	[tilespmem:$0xF3F0] =	vst v24;
	v16 =	vmul.f32 v21, v13;
	v5 =	vmul.f32 v12, v5  }
0x171: {  	[tilespmem:$0xF400] =	vst v26;
	v38 =	vmul.f32 v6, v43;
	v41 =	vmul.f32 v7, v44;
	v32 =	vsub.f32 $1.500000000e+00, v15  }
0x172: {  	[tilespmem:$0xF410] =	vst v27;
	v43 =	vmul.f32 v9, v52;
	v34 =	vsub.f32 $1.500000000e+00, v16;
	v12 =	vmul.f32 v5, v37  }
0x173: {  	[tilespmem:$0xF430] =	vst v29;
	v8 =	vmul.f32 v32, v10;
	v10 =	vmul.f32 v38, v6  }
0x174: {  	[tilespmem:$0xF420] =	vst v28;
	v42 =	vld [tilespmem:$0xF4A0];
	v11 =	vmul.f32 v34, v13;
	v12 =	vmul.f32 v12, v5  }
0x175: {  	[tilespmem:$0xF440] =	vst v30;
	v44 =	vld [tilespmem:$0xF4B0];
	v13 =	vmul.f32 v41, v7;
	v10 =	vsub.f32 $1.500000000e+00, v10;
	v45 =	vmul.f32 v8, v56  }
0x176: {  	[tilespmem:$0xF450] =	vst v31;
	v46 =	vld [tilespmem:$0xF4C0];
	v15 =	vmul.f32 v43, v9;
	v47 =	vmul.f32 v11, v35;
	v12 =	vsub.f32 $1.500000000e+00, v12  }
0x177: {  	[tilespmem:$0xF460] =	vst v33;
	v49 =	vld [tilespmem:$0xF4D0];
	v48 =	vsub.f32 $1.500000000e+00, v13;
	v6 =	vmul.f32 v10, v6;
	v17 =	vmul.f32 v45, v8  }
0x178: {  	v51 =	vld [tilespmem:$0xF4E0];
	[tilespmem:$0xF470] =	vst v2;
	v50 =	vsub.f32 $1.500000000e+00, v15;
	v52 =	vmul.f32 v47, v11;
	v2 =	vmul.f32 v12, v5  }
0x179: {  	[tilespmem:$0xF480] =	vst v4;
	v56 =	vld [tilespmem:$0xF4F0];
	v54 =	vmul.f32 v48, v7;
	v53 =	vmul.f32 v6, v42;
	v55 =	vsub.f32 $1.500000000e+00, v17  }
0x17a: {  	[tilespmem:$0xF490] =	vst v3;
	v3 =	vmul.f32 v50, v9;
	v57 =	vsub.f32 $1.500000000e+00, v52;
	v2 =	vmul.f32 v2, v44  }
0x17b: {  	v58 =	vmul.f32 v54, v46;
	[tilespmem:$0xF4A0] =	vst v53;
	v59 =	vmul.f32 v55, v8  }
0x17c: {  	[tilespmem:$0xF4B0] =	vst v2;
	v2 =	vmul.f32 v3, v49;
	v3 =	vmul.f32 v57, v11  }
0x17d: {  	[tilespmem:$0xF4C0] =	vst v58;
	v60 =	vmul.f32 v59, v51  }
0x17e: {  	[tilespmem:$0xF4D0] =	vst v2;
	v2 =	vmul.f32 v3, v56  }
0x17f: {  	[tilespmem:$0xF4E0] =	vst v60  }
0x180: {  	[tilespmem:$0xF4F0] =	vst v2  }
0x181: {  	[spmem:s13] =	stream.linear.scatter [tilespmem:s22], [sflag:$0x1], $0x280, $0x38;
	[tilespmem:$0xFD00] =	vst v63  }
0x182: {  	_ =	swait.ge [sflag:s17], $0x280  }
0x183: {  	[sflag:s17] =	ssyncset.done $0x0  }
0x184: {  	[sflag:s17] =	ssyncadd.s32 $0xFFFFFD80  }
0x185: {  	[bflag:$0x0] =	sbarrier.arrive $0xFFFF  }
0x186: {  	[tilespmem:s23], [sflag:$0x1] =	stream.linear.gather [spmem:s3], $0x2800, $0x38;
	[tilespmem:$0xFD00] =	vst v63  }
0x187: {  	_ =	swait.ge [sflag:s17], $0x2800  }
0x188: {  	[sflag:s17] =	ssyncset.done $0x0  }
0x189: {  	s30 =	simm.s32 $0x0;
	[sflag:s17] =	ssyncadd.s32 $0xFFFFD800  }
0x18a: {  	v2 =	vld [tilespmem:s30+$0x5000];
	_ =	sdelay $0x5  }
0x18b: {  	v3 =	vld [tilespmem:s30+$0x5010];
	_ =	sdelay $0x1  }
0x18c: {  	v2 =	vld.idx.msk [tilespmem:v2+s23+$0x0], $0xffff;
	_ =	sdelay $0x3  }
0x18d: {  	v61 =	vld [tilespmem:s30+$0x5020]  }
0x18e: {  	[tilespmem:s30+$0xC800] =	vst v2  }
0x18f: {  	v2 =	vld.idx.msk [tilespmem:v3+s23+$0x0], $0xffff;
	_ =	sdelay $0x3  }
0x190: {  	v3 =	vld [tilespmem:s30+$0x5030]  }
0x191: {  	[tilespmem:s30+$0xC810] =	vst v2  }
0x192: {  	v2 =	vld.idx.msk [tilespmem:v61+s23+$0x0], $0xffff;
	_ =	sdelay $0x3  }
0x193: {  	v62 =	vld [tilespmem:s30+$0x5040]  }
0x194: {  	[tilespmem:s30+$0xC820] =	vst v2  }
0x195: {  	v2 =	vld.idx.msk [tilespmem:v3+s23+$0x0], $0xffff;
	_ =	sdelay $0x3  }
0x196: {  	v3 =	vld [tilespmem:s30+$0x5050]  }
0x197: {  	[tilespmem:s30+$0xC830] =	vst v2  }
0x198: {  	v2 =	vld.idx.msk [tilespmem:v62+s23+$0x0], $0xffff;
	_ =	sdelay $0x3  }
0x199: {  	v63 =	vld [tilespmem:s30+$0x5060]  }
0x19a: {  	[tilespmem:s30+$0xC840] =	vst v2  }
0x19b: {  	v2 =	vld.idx.msk [tilespmem:v3+s23+$0x0], $0xffff;
	_ =	sdelay $0x3  }
0x19c: {  	v3 =	vld [tilespmem:s30+$0x5070]  }
0x19d: {  	[tilespmem:s30+$0xC850] =	vst v2  }
0x19e: {  	v2 =	vld.idx.msk [tilespmem:v63+s23+$0x0], $0xffff;
	_ =	sdelay $0x4  }
0x19f: {  	[tilespmem:s30+$0xC860] =	vst v2  }
0x1a0: {  	v2 =	vld.idx.msk [tilespmem:v3+s23+$0x0], $0xffff;
	_ =	sdelay $0x4  }
0x1a1: {  	s26 =	simm.s32 $0xC800;
	s31 =	simm.s32 $0x7800;
	[tilespmem:s30+$0xC870] =	vst v2  }
0x1a2: {  	[spmem:s1] =	stream.indirect.scatter.add.f32 [tilespmem:s26], [sflag:$0x1], $0x1, s31, s20, $0xb8;
	[tilespmem:$0xFD00] =	vst v63  }
0x1a3: {  	_ =	swait.ge [sflag:s17], $0x80  }
0x1a4: {  	s29 =	simm.s32 $0x400;
	s25 =	simm.s32 $0x200;
	[sflag:s17] =	ssyncset.done $0x0  }
.LBB2_4:
0x1a5: {  	s28 =	sshra.s32 s25, $0x2  }
0x1a6: {  	[sflag:s17] =	ssyncadd.s32 $0xFFFFFF80;
	s25 =	smov.u32 s29;
	s26 =	sadd.s32 $0x200, s29  }
0x1a7: {  	p2 =	sne.s32 s29, $0x9E00;
	v2 =	vld [tilespmem:s28+$0x5000];
	_ =	sdelay $0x6  }
0x1a8: {  	v3 =	vld [tilespmem:s28+$0x5010]  }
0x1a9: {  	v2 =	vld.idx.msk [tilespmem:v2+s23+$0x0], $0xffff;
	_ =	sdelay $0x5  }
0x1aa: {  	[tilespmem:s28+$0xC800] =	vst v2;
	v2 =	vld [tilespmem:s28+$0x5020]  }
0x1ab: {  	v3 =	vld.idx.msk [tilespmem:v3+s23+$0x0], $0xffff;
	_ =	sdelay $0x5  }
0x1ac: {  	[tilespmem:s28+$0xC810] =	vst v3;
	v3 =	vld [tilespmem:s28+$0x5030]  }
0x1ad: {  	v2 =	vld.idx.msk [tilespmem:v2+s23+$0x0], $0xffff;
	_ =	sdelay $0x5  }
0x1ae: {  	[tilespmem:s28+$0xC820] =	vst v2;
	v2 =	vld [tilespmem:s28+$0x5040]  }
0x1af: {  	v3 =	vld.idx.msk [tilespmem:v3+s23+$0x0], $0xffff;
	_ =	sdelay $0x5  }
0x1b0: {  	[tilespmem:s28+$0xC830] =	vst v3;
	v3 =	vld [tilespmem:s28+$0x5050]  }
0x1b1: {  	v2 =	vld.idx.msk [tilespmem:v2+s23+$0x0], $0xffff;
	_ =	sdelay $0x5  }
0x1b2: {  	[tilespmem:s28+$0xC840] =	vst v2;
	v2 =	vld [tilespmem:s28+$0x5060]  }
0x1b3: {  	v3 =	vld.idx.msk [tilespmem:v3+s23+$0x0], $0xffff;
	_ =	sdelay $0x5  }
0x1b4: {  	[tilespmem:s28+$0xC850] =	vst v3;
	v3 =	vld [tilespmem:s28+$0x5070]  }
0x1b5: {  	v2 =	vld.idx.msk [tilespmem:v2+s23+$0x0], $0xffff;
	_ =	sdelay $0x5  }
0x1b6: {  	[tilespmem:s28+$0xC860] =	vst v2  }
0x1b7: {  	v2 =	vld.idx.msk [tilespmem:v3+s23+$0x0], $0xffff;
	_ =	sdelay $0x4  }
.Ltmp1:
0x1b8: {  	(pc) =	sbr.rel @p2 .LBB2_4-.Ltmp1, $4  }
0x1b9: {  	s29 =	sadd.s32 $0xC800, s28;
	[tilespmem:s28+$0xC870] =	vst v2;
	s28 =	sadd.s32 $0x7800, s28  }
0x1ba: {  	[spmem:s1] =	stream.indirect.scatter.add.f32 [tilespmem:s29], [sflag:$0x1], $0x1, s28, s20, $0xb8;
	[tilespmem:$0xFD00] =	vst v63  }
0x1bb: {  	_ =	swait.ge [sflag:s17], $0x80  }
0x1bc: {  	s29 =	smov.u32 s26;
	[sflag:s17] =	ssyncset.done $0x0  }
0x1bd: {  	s25 =	sshra.s32 s25, $0x2;
	[sflag:s17] =	ssyncadd.s32 $0xFFFFFF80  }
0x1be: {  	v2 =	vld [tilespmem:s25+$0x5000];
	_ =	sdelay $0x5  }
0x1bf: {  	v3 =	vld [tilespmem:s25+$0x5010];
	_ =	sdelay $0x1  }
0x1c0: {  	v2 =	vld.idx.msk [tilespmem:v2+s23+$0x0], $0xffff;
	_ =	sdelay $0x3  }
0x1c1: {  	v4 =	vld [tilespmem:s25+$0x5020]  }
0x1c2: {  	[tilespmem:s25+$0xC800] =	vst v2  }
0x1c3: {  	v2 =	vld.idx.msk [tilespmem:v3+s23+$0x0], $0xffff;
	_ =	sdelay $0x3  }
0x1c4: {  	v3 =	vld [tilespmem:s25+$0x5030]  }
0x1c5: {  	[tilespmem:s25+$0xC810] =	vst v2  }
0x1c6: {  	v2 =	vld.idx.msk [tilespmem:v4+s23+$0x0], $0xffff;
	_ =	sdelay $0x3  }
0x1c7: {  	v62 =	vld [tilespmem:s25+$0x5040]  }
0x1c8: {  	[tilespmem:s25+$0xC820] =	vst v2  }
0x1c9: {  	v2 =	vld.idx.msk [tilespmem:v3+s23+$0x0], $0xffff;
	_ =	sdelay $0x3  }
0x1ca: {  	v3 =	vld [tilespmem:s25+$0x5050]  }
0x1cb: {  	[tilespmem:s25+$0xC830] =	vst v2  }
0x1cc: {  	v2 =	vld.idx.msk [tilespmem:v62+s23+$0x0], $0xffff;
	_ =	sdelay $0x3  }
0x1cd: {  	v63 =	vld [tilespmem:s25+$0x5060]  }
0x1ce: {  	[tilespmem:s25+$0xC840] =	vst v2  }
0x1cf: {  	v2 =	vld.idx.msk [tilespmem:v3+s23+$0x0], $0xffff;
	_ =	sdelay $0x3  }
0x1d0: {  	v3 =	vld [tilespmem:s25+$0x5070]  }
0x1d1: {  	[tilespmem:s25+$0xC850] =	vst v2  }
0x1d2: {  	v2 =	vld.idx.msk [tilespmem:v63+s23+$0x0], $0xffff;
	_ =	sdelay $0x4  }
0x1d3: {  	[tilespmem:s25+$0xC860] =	vst v2  }
0x1d4: {  	v2 =	vld.idx.msk [tilespmem:v3+s23+$0x0], $0xffff;
	_ =	sdelay $0x4  }
0x1d5: {  	s26 =	sadd.s32 $0xC800, s25;
	[tilespmem:s25+$0xC870] =	vst v2;
	s25 =	sadd.s32 $0x7800, s25  }
0x1d6: {  	[spmem:s1] =	stream.indirect.scatter.add.f32 [tilespmem:s26], [sflag:$0x1], $0x1, s25, s20, $0xb8;
	[tilespmem:$0xFD00] =	vst v63  }
0x1d7: {  	_ =	swait.ge [sflag:s17], $0x80  }
0x1d8: {  	s28 =	simm.s32 @!p0 $0x20;
	[sflag:s17] =	ssyncset.done $0x0  }
0x1d9: {  	s29 =	simm.s32 @!p0 $0x10;
	s30 =	simm.s32 @!p0 $0x1C01;
	[sflag:s17] =	ssyncadd.s32 $0xFFFFFF80  }
0x1da: {  	s25 =	sshrl.u32 @!p0 s1, $0x3;
	s26 =	simm.s32 @!p0 $0x1;
	[bflag:$0x0] =	sbarrier.arrive $0xFFFF  }
0x1db: {  	[hbm:s14@s28], [sflag:s30] =	dma.strided @!p0 [spmem:s25@s29], $0x500, s26, $0x10   }
0x1dc: {  	s24 =	sadd.s32 $0x1, s24;
	_ =	swait.ge @!p0 [sflag:s26], $0x500  }
0x1dd: {  	p2 =	sne.s32 s24, s15;
	s25 =	sshll.u32 @!p1 s4, $0x6;
	[sflag:s26] =	ssyncset.done @!p0 $0x0  }
0x1de: {  	s25 =	sor.u32 @!p1 $0x1C01, s25;
	[sflag:s26] =	ssyncadd.s32 @!p0 $0xFFFFFB00;
	s26 =	sshrl.u32 @!p1 s2, $0x3  }
0x1df: {  	[hbm:s6], [sflag:s25] =	dma.local @!p1 [spmem:s26], $0x500  }
.Ltmp2:
0x1e0: {  	_ = 	snop;
	(pc) =	sbr.rel @p2 .LBB2_1-.Ltmp2, $4  }
0x1e1: {  	s25 =	simm.s32 @!p1 $0x1  }
0x1e2: {  	_ =	swait.ge @!p1 [sflag:s25], $0x500  }
0x1e3: {  	[sflag:s25] =	ssyncset.done @!p1 $0x0  }
0x1e4: {  	[sflag:s25] =	ssyncadd.s32 @!p1 $0xFFFFFB00  }
0x1e5: {  	_ =	sfence.sel $0x180000  }
0x1e6: {  	[bflag:$0x0] =	sbarrier.arrive $0xFFFF  }
0x1e7: {  	_ =	strace $0x90000047  }
0x1e8: {  	s0 =	sadd.s32 @!p0 $0x100000, s0;
	[bflag:$0x2] =	sbarrier.arrive $0xFFFF  }
0x1e9: {  	[sflag:s0] =	ssyncadd.tile.s32 @!p0 $0x1;
	_ =	shalt  }
.Lfunc_end2:
_tile_overlayer_lowered:
.L_overlay_start_2:
0x1ea: {  	(tag) =	ssettag $0x2  }
0x1eb: {  	s0 =	rddreg [dreg:$0x0];
	s2 =	stileid.u32  }
0x1ec: {  	s1 =	rddreg [dreg:$0x1];
	p0 =	sne.s32 s2, $0x0  }
0x1ed: {  	s3 =	rddreg [dreg:$0x2];
	[bflag:$0x3] =	sbarrier.arrive $0xFFFF;
	s2 =	simm.s32 @!p0 $0x1C01  }
0x1ee: {  	[timem:s3], [sflag:s2] =	dma.local @!p0 [hbm:s0], s1  }
0x1ef: {  	s0 =	simm.s32 @!p0 $0x1  }
0x1f0: {  	_ =	swait.ge @!p0 [sflag:s0], s1  }
0x1f1: {  	s1 =	ssub.s32 @!p0 $0x0, s1;
	[sflag:s0] =	ssyncset.done @!p0 $0x0  }
0x1f2: {  	[sflag:s0] =	ssyncadd.s32 @!p0 s1  }
0x1f3: {  	[bflag:$0x3] =	sbarrier.arrive $0xFFFF  }
0x1f4: {  	_ =	shalt  }

</sc_bundles>
